<compile_context>
chip_gen: v7x
topology: tpu7x:2x2x1
jax: 0.10.2.dev20260603
libtpu: 0.0.44.dev20260713+nightly
codegen_flags: <defaults>
</compile_context>

<pallas_src>
import jax
import jax.numpy as jnp
from jax import lax
from jax.experimental import pallas as pl
from jax.experimental.pallas import tpu as pltpu
from jax.experimental.pallas import tpu_sc as plsc

N = 10000
NNZ = 320000
E = 5000
D = 128

NC = 2
NS = 16
NW = NC * NS
PER_W = NNZ // NW
CHUNK = 40
STEPS = PER_W // CHUNK
NBUF = 5
PSTEPS = 256
CCHUNK = 80
CSTEPS = PER_W // CCHUNK
CNB = 5

_MESH = plsc.VectorSubcoreMesh(core_axis_name="c", subcore_axis_name="s")


def _fill_ones(ref):
    one = jnp.full((16,), 1.0, jnp.float32)
    nrows = ref.shape[0]

    def body(i, _):
        r = i // (D // 16)
        q = (i % (D // 16)) * 16
        ref[r, pl.ds(q, 16)] = one
        return 0

    lax.fori_loop(0, nrows * (D // 16), body, 0)


def _feature_body(src_hbm, gidx_hbm, sidx_hbm, z_hbm, out_hbm,
                  rows, sems, gidx, sidx, acc):
    c = lax.axis_index("c")
    s = lax.axis_index("s")
    wid = c * NS + s
    base0 = wid * PER_W

    pltpu.sync_copy(gidx_hbm.at[pl.ds(base0, PER_W)], gidx)

    for b in range(NBUF):
        off = base0 + b * CHUNK
        pltpu.async_copy(sidx_hbm.at[pl.ds(off, CHUNK)], sidx[b], sems[b])
        pltpu.async_copy(src_hbm.at[gidx.at[pl.ds(b * CHUNK, CHUNK)]],
                         rows[b], sems[b])

    @pl.when(s == 0)
    def _():
        pltpu.sync_copy(z_hbm, acc)

    plsc.subcore_barrier()

    def outer(it, _):
        jj = it * NBUF
        for b in range(NBUF):
            j = jj + b
            pltpu.make_async_copy(
                sidx_hbm.at[pl.ds(base0, CHUNK)], sidx[b], sems[b]).wait()
            pltpu.make_async_copy(
                src_hbm.at[gidx.at[pl.ds(0, CHUNK)]], rows[b], sems[b]).wait()
            pltpu.sync_copy(rows[b], acc.at[sidx[b]], add=True)

            @pl.when(j + NBUF < STEPS)
            def _():
                off = base0 + (j + NBUF) * CHUNK
                pltpu.async_copy(sidx_hbm.at[pl.ds(off, CHUNK)], sidx[b], sems[b])
                pltpu.async_copy(
                    src_hbm.at[gidx.at[pl.ds((j + NBUF) * CHUNK, CHUNK)]],
                    rows[b], sems[b])
        return 0

    lax.fori_loop(0, STEPS // NBUF, outer, 0)

    plsc.subcore_barrier()

    @pl.when(s == 0)
    def _():
        pltpu.sync_copy(acc, out_hbm.at[c])


def _phase1_body(x_hbm, vtx_hbm, edg_hbm, z_ed, xe_out, *scr):
    rows = list(scr[0:NBUF])
    sems = list(scr[NBUF:2 * NBUF])
    gidx = scr[2 * NBUF]
    sidx = list(scr[2 * NBUF + 1:2 * NBUF + 1 + NBUF])
    acc = scr[2 * NBUF + 1 + NBUF]
    _feature_body(x_hbm, vtx_hbm, edg_hbm, z_ed, xe_out,
                  rows, sems, gidx, sidx, acc)


def _phase2_body(xe_hbm, vtx_hbm, edg_hbm, z_nd, xv_out, *scr):
    rows = list(scr[0:NBUF])
    sems = list(scr[NBUF:2 * NBUF])
    gidx = scr[2 * NBUF]
    sidx = list(scr[2 * NBUF + 1:2 * NBUF + 1 + NBUF])
    acc = scr[2 * NBUF + 1 + NBUF]
    _feature_body(xe_hbm, edg_hbm, vtx_hbm, z_nd, xv_out,
                  rows, sems, gidx, sidx, acc)


def _feat_scratch(nseg):
    return (
        [pltpu.VMEM((CHUNK, D), jnp.float32) for _ in range(NBUF)]
        + [pltpu.SemaphoreType.DMA for _ in range(NBUF)]
        + [pltpu.VMEM((PER_W,), jnp.int32)]
        + [pltpu.VMEM((CHUNK,), jnp.int32) for _ in range(NBUF)]
        + [pltpu.VMEM_SHARED((nseg, D), jnp.float32)]
    )


_phase1 = pl.kernel(
    _phase1_body,
    out_type=jax.ShapeDtypeStruct((NC, E, D), jnp.float32),
    mesh=_MESH,
    scratch_types=_feat_scratch(E),
)

_phase2 = pl.kernel(
    _phase2_body,
    out_type=jax.ShapeDtypeStruct((NC, N, D), jnp.float32),
    mesh=_MESH,
    scratch_types=_feat_scratch(N),
)


def _count_body(idx_hbm, z_hbm, cnt_out, *scr):
    bufs = list(scr[0:CNB])
    sems = list(scr[CNB:2 * CNB])
    ones, acc = scr[2 * CNB:]

    c = lax.axis_index("c")
    s = lax.axis_index("s")
    wid = c * NS + s
    base0 = wid * PER_W

    _fill_ones(ones)

    for b in range(CNB):
        off = base0 + b * CCHUNK
        pltpu.async_copy(idx_hbm.at[pl.ds(off, CCHUNK)], bufs[b], sems[b])

    @pl.when(s == 0)
    def _():
        pltpu.sync_copy(z_hbm, acc)

    plsc.subcore_barrier()

    def outer(it, _):
        jj = it * CNB
        for b in range(CNB):
            j = jj + b
            pltpu.make_async_copy(
                idx_hbm.at[pl.ds(base0, CCHUNK)], bufs[b], sems[b]).wait()
            pltpu.sync_copy(ones, acc.at[bufs[b]], add=True)

            @pl.when(j + CNB < CSTEPS)
            def _():
                off = base0 + (j + CNB) * CCHUNK
                pltpu.async_copy(idx_hbm.at[pl.ds(off, CCHUNK)], bufs[b], sems[b])
        return 0

    lax.fori_loop(0, CSTEPS // CNB, outer, 0)

    plsc.subcore_barrier()

    @pl.when(s == 0)
    def _():
        pltpu.sync_copy(acc, cnt_out.at[c])


def _make_count(nseg):
    return pl.kernel(
        _count_body,
        out_type=jax.ShapeDtypeStruct((NC, nseg, D), jnp.float32),
        mesh=_MESH,
        scratch_types=(
            [pltpu.VMEM((CCHUNK,), jnp.int32) for _ in range(CNB)]
            + [pltpu.SemaphoreType.DMA for _ in range(CNB)]
            + [
                pltpu.VMEM((CCHUNK, D), jnp.float32),
                pltpu.VMEM_SHARED((nseg, D), jnp.float32),
            ]
        ),
    )


_ecount = _make_count(E)
_vcount = _make_count(N)


def _norm_body(xe_ref, ce_ref, out_ref):
    cnt = ce_ref[0, :, 0] + ce_ref[1, :, 0]
    s = xe_ref[0] + xe_ref[1]
    out_ref[...] = s / jnp.clip(cnt, 1.0)[:, None]


_BE = 1000


def _normalize(xe_parts, ce_parts):
    return pl.pallas_call(
        _norm_body,
        out_shape=jax.ShapeDtypeStruct((E, D), jnp.float32),
        grid=(E // _BE,),
        in_specs=[
            pl.BlockSpec((NC, _BE, D), lambda i: (0, i, 0)),
            pl.BlockSpec((NC, _BE, D), lambda i: (0, i, 0)),
        ],
        out_specs=pl.BlockSpec((_BE, D), lambda i: (i, 0)),
    )(xe_parts, ce_parts)


def _tail_body(xv_ref, cv_ref, x0_ref, w_ref, ab_ref, out_ref):
    a = ab_ref[0, 0]
    b = ab_ref[0, 1]
    cnt = cv_ref[0, :, 0] + cv_ref[1, :, 0]
    xv = (xv_ref[0] + xv_ref[1]) / jnp.clip(cnt, 1.0)[:, None]
    xi = (1.0 - a) * xv + a * x0_ref[...]
    out_ref[...] = (1.0 - b) * xi + b * jnp.dot(
        xi, w_ref[...].T, preferred_element_type=jnp.float32)


_BN = 1000


def _tail(xv_parts, cv_parts, x0, w, ab):
    return pl.pallas_call(
        _tail_body,
        out_shape=jax.ShapeDtypeStruct((N, D), jnp.float32),
        grid=(N // _BN,),
        in_specs=[
            pl.BlockSpec((NC, _BN, D), lambda i: (0, i, 0)),
            pl.BlockSpec((NC, _BN, D), lambda i: (0, i, 0)),
            pl.BlockSpec((_BN, D), lambda i: (i, 0)),
            pl.BlockSpec((D, D), lambda i: (0, 0)),
            pl.BlockSpec(memory_space=pltpu.SMEM),
        ],
        out_specs=pl.BlockSpec((_BN, D), lambda i: (i, 0)),
    )(xv_parts, cv_parts, x0, w, ab)


def kernel(X, vertex, edges, alpha, beta, X0, W):
    vertex = vertex.astype(jnp.int32)
    edges = edges.astype(jnp.int32)
    z_ed = jnp.zeros((E, D), jnp.float32)
    z_nd = jnp.zeros((N, D), jnp.float32)

    xe_p = _phase1(X, vertex, edges, z_ed)
    ce_p = _ecount(edges, z_ed)
    cv_p = _vcount(vertex, z_nd)
    xe = _normalize(xe_p, ce_p)
    xv_p = _phase2(xe, vertex, edges, z_nd)
    ab = jnp.stack([alpha, beta]).astype(jnp.float32).reshape(1, 2)
    return _tail(xv_p, cv_p, X0, W, ab)

# --- scband reference (transcript-rebuilt; emitter-appended) ---
"""Pipeline reference for scband-uni-gcniiconv-29575144800475 (READ-ONLY COPY).

The authoritative reference and input builder live on the scoring server;
editing this copy changes nothing except your own understanding.
"""

import jax, jax.numpy as jnp
import numpy as np

N = 10000       # n_nodes
NNZ = 320000    # incidence entries
E = 5000        # n_hyperedges
D = 128         # feature dim


def setup_inputs(seed: int = 0) -> dict:
    key = jax.random.key(seed)
    k1, k2, k3, k4, k5 = jax.random.split(key, 5)
    X = jax.random.normal(k1, (N, D), dtype=jnp.float32)
    vertex = jax.random.randint(k2, (NNZ,), 0, N)
    edges = jax.random.randint(k3, (NNZ,), 0, E)
    X0 = jax.random.normal(k4, (N, D), dtype=jnp.float32)
    # Linear(in=128, out=128, bias=False) weight, shape [out, in]
    W = jax.random.normal(k5, (D, D), dtype=jnp.float32) * (1.0 / np.sqrt(D))
    alpha = jnp.float32(0.1)
    beta = jnp.float32(0.5)
    return {"X": X, "vertex": vertex, "edges": edges, "alpha": alpha, "beta": beta, "X0": X0, "W": W}


def _scatter_mean(src, index, num_segments):
    # torch_scatter.scatter(..., reduce='mean'): empty segments -> 0
    s = jax.ops.segment_sum(src, index, num_segments=num_segments)
    cnt = jax.ops.segment_sum(jnp.ones((src.shape[0],), src.dtype), index, num_segments=num_segments)
    return s / jnp.clip(cnt, 1.0)[:, None]


def reference(X, vertex, edges, alpha, beta, X0, W):
    n = X.shape[-2]
    # gather node features to incidence entries
    Xve = X[vertex]                                   # [NNZ, D]
    # aggregate to hyperedges (mean)
    Xe = _scatter_mean(Xve, edges, E)                 # [E, D]
    # gather hyperedge features back to incidence entries
    Xev = Xe[edges]                                   # [NNZ, D]
    # aggregate back to nodes (mean), dim_size = N
    Xv = _scatter_mean(Xev, vertex, n)                # [N, D]
    # UniGNN_use_norm is False -> no l2 normalization
    Xi = (1.0 - alpha) * Xv + alpha * X0
    out = (1.0 - beta) * Xi + beta * (Xi @ W.T)
    return out

if __name__ == "__main__":
    import jax
    _d = setup_inputs()
    print(jax.jit(kernel)(*tuple(_d.values())))

</pallas_src>

<mosaic_0001>
#map = affine_map<(d0, d1) -> (0)>
#map1 = affine_map<(d0, d1) -> (0, 0)>
#map2 = affine_map<(d0, d1) -> (0, 0, 0)>
module attributes {stable_mosaic.version = 14 : i64} {
  func.func @_count_body(%arg0: i32, %arg1: i32, %arg2: memref<320000xi32, #tpu.memory_space<hbm>>, %arg3: memref<5000x128xf32, #tpu.memory_space<hbm>>, %arg4: memref<2x5000x128xf32, #tpu.memory_space<hbm>>, %arg5: memref<80xi32, #tpu.memory_space<vmem>>, %arg6: memref<80xi32, #tpu.memory_space<vmem>>, %arg7: memref<80xi32, #tpu.memory_space<vmem>>, %arg8: memref<80xi32, #tpu.memory_space<vmem>>, %arg9: memref<80xi32, #tpu.memory_space<vmem>>, %arg10: memref<!tpu.dma_semaphore, #tpu.memory_space<semaphore_mem>>, %arg11: memref<!tpu.dma_semaphore, #tpu.memory_space<semaphore_mem>>, %arg12: memref<!tpu.dma_semaphore, #tpu.memory_space<semaphore_mem>>, %arg13: memref<!tpu.dma_semaphore, #tpu.memory_space<semaphore_mem>>, %arg14: memref<!tpu.dma_semaphore, #tpu.memory_space<semaphore_mem>>, %arg15: memref<80x128xf32, #tpu.memory_space<vmem>>, %arg16: memref<5000x128xf32, #tpu.memory_space<vmem_shared>>) attributes {dimension_semantics = [#tpu.dimension_semantics<core_parallel>, #tpu.dimension_semantics<subcore_parallel>], iteration_bounds = array<i64: 2, 16>, scalar_prefetch = 0 : i64, scratch_operands = 12 : i64, tpu.core_type = #tpu.core_type<sc_vector_subcore>, window_params = [{transform_indices = #map}, {transform_indices = #map1}, {transform_indices = #map2}]} {
    %mul3A = arith.constant 16 : i32
    %mul3A_0 = arith.muli %arg0, %mul3A : i32
    %add3A = arith.addi %mul3A_0, %arg1 : i32
    %mul3A_1 = arith.constant 10000 : i32
    %mul3A_2 = arith.muli %add3A, %mul3A_1 : i32
    %broadcast_in_dim3A = arith.constant 1.000000e+00 : f32
    %broadcast_in_dim3A_3 = vector.broadcast %broadcast_in_dim3A : f32 to vector<16xf32>
    %scan3A = arith.constant 0 : i32
    %scan3A_4 = arith.constant 0 : i32
    %scan3A_5 = arith.constant 640 : i32
    %scan3A_6 = arith.addi %scan3A_4, %scan3A_5 : i32
    %scan3A_7 = arith.constant 1 : i32
    %scan3A_8 = scf.for %scan3A_44 = %scan3A_4 to %scan3A_6 step %scan3A_7 iter_args(%scan3A_45 = %scan3A) -> (i32)  : i32 {
      %jit3A = arith.constant 8 : i32
      %div3A = arith.divsi %scan3A_44, %jit3A : i32
      %sign3A = arith.constant 0 : i32
      %sign3A_46 = arith.cmpi sgt, %scan3A_44, %sign3A : i32
      %sign3A_47 = arith.extui %sign3A_46 : i1 to i32
      %sign3A_48 = arith.constant 0 : i32
      %sign3A_49 = arith.cmpi slt, %scan3A_44, %sign3A_48 : i32
      %sign3A_50 = arith.extui %sign3A_49 : i1 to i32
      %sign3A_51 = arith.subi %sign3A_47, %sign3A_50 : i32
      %sign3A_52 = arith.constant 0 : i32
      %sign3A_53 = arith.cmpi sgt, %jit3A, %sign3A_52 : i32
      %sign3A_54 = arith.extui %sign3A_53 : i1 to i32
      %sign3A_55 = arith.constant 0 : i32
      %sign3A_56 = arith.cmpi slt, %jit3A, %sign3A_55 : i32
      %sign3A_57 = arith.extui %sign3A_56 : i1 to i32
      %sign3A_58 = arith.subi %sign3A_54, %sign3A_57 : i32
      %ne3A = arith.cmpi ne, %sign3A_51, %sign3A_58 : i32
      %rem3A = arith.remsi %scan3A_44, %jit3A : i32
      %ne3A_59 = arith.constant 0 : i32
      %ne3A_60 = arith.cmpi ne, %rem3A, %ne3A_59 : i32
      %and3A = arith.andi %ne3A, %ne3A_60 : i1
      %sub3A = arith.constant 1 : i32
      %sub3A_61 = arith.subi %div3A, %sub3A : i32
      %select_n3A = arith.select %and3A, %sub3A_61, %div3A : i32
      %jit3A_62 = arith.constant 8 : i32
      %eq3A_63 = arith.constant 0 : i32
      %eq3A_64 = arith.cmpi eq, %jit3A_62, %eq3A_63 : i32
      %jit3A_65 = arith.constant 1 : i32
      %select_n3A_66 = arith.select %eq3A_64, %jit3A_65, %jit3A_62 : i32
      %rem3A_67 = arith.remsi %scan3A_44, %select_n3A_66 : i32
      %ne3A_68 = arith.constant 0 : i32
      %ne3A_69 = arith.cmpi ne, %rem3A_67, %ne3A_68 : i32
      %lt3A = arith.constant 0 : i32
      %lt3A_70 = arith.cmpi slt, %rem3A_67, %lt3A : i32
      %lt3A_71 = arith.constant 0 : i32
      %lt3A_72 = arith.cmpi slt, %select_n3A_66, %lt3A_71 : i32
      %ne3A_73 = arith.xori %lt3A_70, %lt3A_72 : i1
      %and3A_74 = arith.andi %ne3A_73, %ne3A_69 : i1
      %add3A_75 = arith.addi %rem3A_67, %select_n3A_66 : i32
      %select_n3A_76 = arith.select %and3A_74, %add3A_75, %rem3A_67 : i32
      %mul3A_77 = arith.constant 16 : i32
      %mul3A_78 = arith.muli %select_n3A_76, %mul3A_77 : i32
      %swap3A = arith.index_cast %select_n3A : i32 to index
      %swap3A_79 = arith.index_cast %mul3A_78 : i32 to index
      %swap3A_80 = tpu.vector_load %arg15[%swap3A, %swap3A_79] {strides = array<i32>} : memref<80x128xf32, #tpu.memory_space<vmem>>, vector<1x16xf32>,
      %swap3A_81 = vector.shape_cast %swap3A_80 : vector<1x16xf32> to vector<16xf32>
      %swap3A_82 = vector.shape_cast %broadcast_in_dim3A_3 : vector<16xf32> to vector<1x16xf32>
      tpu.vector_store %arg15[%swap3A, %swap3A_79], %swap3A_82 {strides = array<i32>} : memref<80x128xf32, #tpu.memory_space<vmem>>, vector<1x16xf32>,
      %scan3A_83 = arith.constant 0 : i32
      scf.yield %scan3A_83 : i32
    }
    %scan3A_9 = arith.constant 640 : i32
    %add3A_10 = arith.constant 0 : i32
    %add3A_11 = arith.addi %mul3A_2, %add3A_10 : i32
    %dma_start3A = tpu.memref_slice %arg2[%add3A_11] : memref<320000xi32, #tpu.memory_space<hbm>> -> memref<80xi32, #tpu.memory_space<hbm>>
    %dma_start3A_12 = tpu.memref_slice %arg2[%add3A_11] : memref<320000xi32, #tpu.memory_space<hbm>> -> memref<80xi32, #tpu.memory_space<hbm>>
    tpu.enqueue_dma source(%dma_start3A_12 : memref<80xi32, #tpu.memory_space<hbm>>) target(%arg5 : memref<80xi32, #tpu.memory_space<vmem>>) target_semaphore(%arg10 : memref<!tpu.dma_semaphore, #tpu.memory_space<semaphore_mem>>)
    %add3A_13 = arith.constant 80 : i32
    %add3A_14 = arith.addi %mul3A_2, %add3A_13 : i32
    %dma_start3A_15 = tpu.memref_slice %arg2[%add3A_14] : memref<320000xi32, #tpu.memory_space<hbm>> -> memref<80xi32, #tpu.memory_space<hbm>>
    %dma_start3A_16 = tpu.memref_slice %arg2[%add3A_14] : memref<320000xi32, #tpu.memory_space<hbm>> -> memref<80xi32, #tpu.memory_space<hbm>>
    tpu.enqueue_dma source(%dma_start3A_16 : memref<80xi32, #tpu.memory_space<hbm>>) target(%arg6 : memref<80xi32, #tpu.memory_space<vmem>>) target_semaphore(%arg11 : memref<!tpu.dma_semaphore, #tpu.memory_space<semaphore_mem>>)
    %add3A_17 = arith.constant 160 : i32
    %add3A_18 = arith.addi %mul3A_2, %add3A_17 : i32
    %dma_start3A_19 = tpu.memref_slice %arg2[%add3A_18] : memref<320000xi32, #tpu.memory_space<hbm>> -> memref<80xi32, #tpu.memory_space<hbm>>
    %dma_start3A_20 = tpu.memref_slice %arg2[%add3A_18] : memref<320000xi32, #tpu.memory_space<hbm>> -> memref<80xi32, #tpu.memory_space<hbm>>
    tpu.enqueue_dma source(%dma_start3A_20 : memref<80xi32, #tpu.memory_space<hbm>>) target(%arg7 : memref<80xi32, #tpu.memory_space<vmem>>) target_semaphore(%arg12 : memref<!tpu.dma_semaphore, #tpu.memory_space<semaphore_mem>>)
    %add3A_21 = arith.constant 240 : i32
    %add3A_22 = arith.addi %mul3A_2, %add3A_21 : i32
    %dma_start3A_23 = tpu.memref_slice %arg2[%add3A_22] : memref<320000xi32, #tpu.memory_space<hbm>> -> memref<80xi32, #tpu.memory_space<hbm>>
    %dma_start3A_24 = tpu.memref_slice %arg2[%add3A_22] : memref<320000xi32, #tpu.memory_space<hbm>> -> memref<80xi32, #tpu.memory_space<hbm>>
    tpu.enqueue_dma source(%dma_start3A_24 : memref<80xi32, #tpu.memory_space<hbm>>) target(%arg8 : memref<80xi32, #tpu.memory_space<vmem>>) target_semaphore(%arg13 : memref<!tpu.dma_semaphore, #tpu.memory_space<semaphore_mem>>)
    %add3A_25 = arith.constant 320 : i32
    %add3A_26 = arith.addi %mul3A_2, %add3A_25 : i32
    %dma_start3A_27 = tpu.memref_slice %arg2[%add3A_26] : memref<320000xi32, #tpu.memory_space<hbm>> -> memref<80xi32, #tpu.memory_space<hbm>>
    %dma_start3A_28 = tpu.memref_slice %arg2[%add3A_26] : memref<320000xi32, #tpu.memory_space<hbm>> -> memref<80xi32, #tpu.memory_space<hbm>>
    tpu.enqueue_dma source(%dma_start3A_28 : memref<80xi32, #tpu.memory_space<hbm>>) target(%arg9 : memref<80xi32, #tpu.memory_space<vmem>>) target_semaphore(%arg14 : memref<!tpu.dma_semaphore, #tpu.memory_space<semaphore_mem>>)
    %eq3A = arith.constant 0 : i32
    %eq3A_29 = arith.cmpi eq, %arg1, %eq3A : i32
    %convert_element_type3A = arith.extui %eq3A_29 : i1 to i32
    %cond3A = arith.constant 0 : i32
    %cond3A_30 = arith.cmpi ne, %convert_element_type3A, %cond3A : i32
    scf.if %cond3A_30 {
      "tpu.region"() ({
        %run_scoped3A = tpu.sem_alloc : memref<!tpu.dma_semaphore, #tpu.memory_space<semaphore_mem>>
        tpu.enqueue_dma source(%arg3 : memref<5000x128xf32, #tpu.memory_space<hbm>>) target(%arg16 : memref<5000x128xf32, #tpu.memory_space<vmem_shared>>) target_semaphore(%run_scoped3A : memref<!tpu.dma_semaphore, #tpu.memory_space<semaphore_mem>>)
        tpu.wait_dma2 semaphore(%run_scoped3A : memref<!tpu.dma_semaphore, #tpu.memory_space<semaphore_mem>>) src(%arg3 : memref<5000x128xf32, #tpu.memory_space<hbm>>) dst(%arg16 : memref<5000x128xf32, #tpu.memory_space<vmem_shared>>)
        tpu.yield
      }) : () -> ()
    } else {
    }
    %barrier3A = arith.constant 0 : index
    tpu.barrier barrier_id(%barrier3A)
    %scan3A_31 = arith.constant 0 : i32
    %scan3A_32 = arith.constant 0 : i32
    %scan3A_33 = arith.constant 25 : i32
    %scan3A_34 = arith.addi %scan3A_32, %scan3A_33 : i32
    %scan3A_35 = arith.constant 1 : i32
    %scan3A_36 = scf.for %scan3A_44 = %scan3A_32 to %scan3A_34 step %scan3A_35 iter_args(%scan3A_45 = %scan3A_31) -> (i32)  : i32 {
      %mul3A_46 = arith.constant 5 : i32
      %mul3A_47 = arith.muli %scan3A_44, %mul3A_46 : i32
      %add3A_48 = arith.constant 0 : i32
      %add3A_49 = arith.addi %mul3A_47, %add3A_48 : i32
      %dma_wait3A = tpu.memref_slice %arg2[%mul3A_2] : memref<320000xi32, #tpu.memory_space<hbm>> -> memref<80xi32, #tpu.memory_space<hbm>>
      %dma_wait3A_50 = tpu.memref_slice %arg2[%mul3A_2] : memref<320000xi32, #tpu.memory_space<hbm>> -> memref<80xi32, #tpu.memory_space<hbm>>
      tpu.wait_dma2 semaphore(%arg10 : memref<!tpu.dma_semaphore, #tpu.memory_space<semaphore_mem>>) src(%dma_wait3A_50 : memref<80xi32, #tpu.memory_space<hbm>>) dst(%arg5 : memref<80xi32, #tpu.memory_space<vmem>>)
      "tpu.region"() ({
        %run_scoped3A = tpu.sem_alloc : memref<!tpu.dma_semaphore, #tpu.memory_space<semaphore_mem>>
        %dma_start3A_102 = arith.constant 0 : i32
        %dma_start3A_103 = arith.constant 0 : i32
        %dma_start3A_104 = tpu.memref_slice %arg16[%dma_start3A_102, %dma_start3A_103] : memref<5000x128xf32, #tpu.memory_space<vmem_shared>> -> memref<5000x128xf32, #tpu.memory_space<vmem_shared>>
        tpu.enqueue_indirect_dma source(%arg15 : memref<80x128xf32, #tpu.memory_space<vmem>>) target(%dma_start3A_104 : memref<5000x128xf32, #tpu.memory_space<vmem_shared>>) offsets(%arg5 : memref<80xi32, #tpu.memory_space<vmem>>) semaphore(%run_scoped3A : memref<!tpu.dma_semaphore, #tpu.memory_space<semaphore_mem>>) {add = true}
        %dma_wait3A_105 = arith.constant 0 : i32
        %dma_wait3A_106 = arith.constant 0 : i32
        %dma_wait3A_107 = tpu.memref_slice %arg16[%dma_wait3A_105, %dma_wait3A_106] : memref<5000x128xf32, #tpu.memory_space<vmem_shared>> -> memref<5000x128xf32, #tpu.memory_space<vmem_shared>>
        tpu.wait_indirect_dma semaphore(%run_scoped3A : memref<!tpu.dma_semaphore, #tpu.memory_space<semaphore_mem>>) src(%arg15 : memref<80x128xf32, #tpu.memory_space<vmem>>) dst(%dma_wait3A_107 : memref<5000x128xf32, #tpu.memory_space<vmem_shared>>)
        tpu.yield
      }) : () -> ()
      %add3A_51 = arith.constant 5 : i32
      %add3A_52 = arith.addi %add3A_49, %add3A_51 : i32
      %lt3A = arith.constant 125 : i32
      %lt3A_53 = arith.cmpi slt, %add3A_52, %lt3A : i32
      %convert_element_type3A_54 = arith.extui %lt3A_53 : i1 to i32
      %cond3A_55 = arith.constant 0 : i32
      %cond3A_56 = arith.cmpi ne, %convert_element_type3A_54, %cond3A_55 : i32
      scf.if %cond3A_56 {
        %add3A_102 = arith.constant 5 : i32
        %add3A_103 = arith.addi %add3A_49, %add3A_102 : i32
        %mul3A_104 = arith.constant 80 : i32
        %mul3A_105 = arith.muli %add3A_103, %mul3A_104 : i32
        %add3A_106 = arith.addi %mul3A_2, %mul3A_105 : i32
        %dma_start3A_107 = tpu.memref_slice %arg2[%add3A_106] : memref<320000xi32, #tpu.memory_space<hbm>> -> memref<80xi32, #tpu.memory_space<hbm>>
        %dma_start3A_108 = tpu.memref_slice %arg2[%add3A_106] : memref<320000xi32, #tpu.memory_space<hbm>> -> memref<80xi32, #tpu.memory_space<hbm>>
        tpu.enqueue_dma source(%dma_start3A_108 : memref<80xi32, #tpu.memory_space<hbm>>) target(%arg5 : memref<80xi32, #tpu.memory_space<vmem>>) target_semaphore(%arg10 : memref<!tpu.dma_semaphore, #tpu.memory_space<semaphore_mem>>)
      } else {
      }
      %add3A_57 = arith.constant 1 : i32
      %add3A_58 = arith.addi %mul3A_47, %add3A_57 : i32
      %dma_wait3A_59 = tpu.memref_slice %arg2[%mul3A_2] : memref<320000xi32, #tpu.memory_space<hbm>> -> memref<80xi32, #tpu.memory_space<hbm>>
      %dma_wait3A_60 = tpu.memref_slice %arg2[%mul3A_2] : memref<320000xi32, #tpu.memory_space<hbm>> -> memref<80xi32, #tpu.memory_space<hbm>>
      tpu.wait_dma2 semaphore(%arg11 : memref<!tpu.dma_semaphore, #tpu.memory_space<semaphore_mem>>) src(%dma_wait3A_60 : memref<80xi32, #tpu.memory_space<hbm>>) dst(%arg6 : memref<80xi32, #tpu.memory_space<vmem>>)
      "tpu.region"() ({
        %run_scoped3A = tpu.sem_alloc : memref<!tpu.dma_semaphore, #tpu.memory_space<semaphore_mem>>
        %dma_start3A_102 = arith.constant 0 : i32
        %dma_start3A_103 = arith.constant 0 : i32
        %dma_start3A_104 = tpu.memref_slice %arg16[%dma_start3A_102, %dma_start3A_103] : memref<5000x128xf32, #tpu.memory_space<vmem_shared>> -> memref<5000x128xf32, #tpu.memory_space<vmem_shared>>
        tpu.enqueue_indirect_dma source(%arg15 : memref<80x128xf32, #tpu.memory_space<vmem>>) target(%dma_start3A_104 : memref<5000x128xf32, #tpu.memory_space<vmem_shared>>) offsets(%arg6 : memref<80xi32, #tpu.memory_space<vmem>>) semaphore(%run_scoped3A : memref<!tpu.dma_semaphore, #tpu.memory_space<semaphore_mem>>) {add = true}
        %dma_wait3A_105 = arith.constant 0 : i32
        %dma_wait3A_106 = arith.constant 0 : i32
        %dma_wait3A_107 = tpu.memref_slice %arg16[%dma_wait3A_105, %dma_wait3A_106] : memref<5000x128xf32, #tpu.memory_space<vmem_shared>> -> memref<5000x128xf32, #tpu.memory_space<vmem_shared>>
        tpu.wait_indirect_dma semaphore(%run_scoped3A : memref<!tpu.dma_semaphore, #tpu.memory_space<semaphore_mem>>) src(%arg15 : memref<80x128xf32, #tpu.memory_space<vmem>>) dst(%dma_wait3A_107 : memref<5000x128xf32, #tpu.memory_space<vmem_shared>>)
        tpu.yield
      }) : () -> ()
      %add3A_61 = arith.constant 5 : i32
      %add3A_62 = arith.addi %add3A_58, %add3A_61 : i32
      %lt3A_63 = arith.constant 125 : i32
      %lt3A_64 = arith.cmpi slt, %add3A_62, %lt3A_63 : i32
      %convert_element_type3A_65 = arith.extui %lt3A_64 : i1 to i32
      %cond3A_66 = arith.constant 0 : i32
      %cond3A_67 = arith.cmpi ne, %convert_element_type3A_65, %cond3A_66 : i32
      scf.if %cond3A_67 {
        %add3A_102 = arith.constant 5 : i32
        %add3A_103 = arith.addi %add3A_58, %add3A_102 : i32
        %mul3A_104 = arith.constant 80 : i32
        %mul3A_105 = arith.muli %add3A_103, %mul3A_104 : i32
        %add3A_106 = arith.addi %mul3A_2, %mul3A_105 : i32
        %dma_start3A_107 = tpu.memref_slice %arg2[%add3A_106] : memref<320000xi32, #tpu.memory_space<hbm>> -> memref<80xi32, #tpu.memory_space<hbm>>
        %dma_start3A_108 = tpu.memref_slice %arg2[%add3A_106] : memref<320000xi32, #tpu.memory_space<hbm>> -> memref<80xi32, #tpu.memory_space<hbm>>
        tpu.enqueue_dma source(%dma_start3A_108 : memref<80xi32, #tpu.memory_space<hbm>>) target(%arg6 : memref<80xi32, #tpu.memory_space<vmem>>) target_semaphore(%arg11 : memref<!tpu.dma_semaphore, #tpu.memory_space<semaphore_mem>>)
      } else {
      }
      %add3A_68 = arith.constant 2 : i32
      %add3A_69 = arith.addi %mul3A_47, %add3A_68 : i32
      %dma_wait3A_70 = tpu.memref_slice %arg2[%mul3A_2] : memref<320000xi32, #tpu.memory_space<hbm>> -> memref<80xi32, #tpu.memory_space<hbm>>
      %dma_wait3A_71 = tpu.memref_slice %arg2[%mul3A_2] : memref<320000xi32, #tpu.memory_space<hbm>> -> memref<80xi32, #tpu.memory_space<hbm>>
      tpu.wait_dma2 semaphore(%arg12 : memref<!tpu.dma_semaphore, #tpu.memory_space<semaphore_mem>>) src(%dma_wait3A_71 : memref<80xi32, #tpu.memory_space<hbm>>) dst(%arg7 : memref<80xi32, #tpu.memory_space<vmem>>)
      "tpu.region"() ({
        %run_scoped3A = tpu.sem_alloc : memref<!tpu.dma_semaphore, #tpu.memory_space<semaphore_mem>>
        %dma_start3A_102 = arith.constant 0 : i32
        %dma_start3A_103 = arith.constant 0 : i32
        %dma_start3A_104 = tpu.memref_slice %arg16[%dma_start3A_102, %dma_start3A_103] : memref<5000x128xf32, #tpu.memory_space<vmem_shared>> -> memref<5000x128xf32, #tpu.memory_space<vmem_shared>>
        tpu.enqueue_indirect_dma source(%arg15 : memref<80x128xf32, #tpu.memory_space<vmem>>) target(%dma_start3A_104 : memref<5000x128xf32, #tpu.memory_space<vmem_shared>>) offsets(%arg7 : memref<80xi32, #tpu.memory_space<vmem>>) semaphore(%run_scoped3A : memref<!tpu.dma_semaphore, #tpu.memory_space<semaphore_mem>>) {add = true}
        %dma_wait3A_105 = arith.constant 0 : i32
        %dma_wait3A_106 = arith.constant 0 : i32
        %dma_wait3A_107 = tpu.memref_slice %arg16[%dma_wait3A_105, %dma_wait3A_106] : memref<5000x128xf32, #tpu.memory_space<vmem_shared>> -> memref<5000x128xf32, #tpu.memory_space<vmem_shared>>
        tpu.wait_indirect_dma semaphore(%run_scoped3A : memref<!tpu.dma_semaphore, #tpu.memory_space<semaphore_mem>>) src(%arg15 : memref<80x128xf32, #tpu.memory_space<vmem>>) dst(%dma_wait3A_107 : memref<5000x128xf32, #tpu.memory_space<vmem_shared>>)
        tpu.yield
      }) : () -> ()
      %add3A_72 = arith.constant 5 : i32
      %add3A_73 = arith.addi %add3A_69, %add3A_72 : i32
      %lt3A_74 = arith.constant 125 : i32
      %lt3A_75 = arith.cmpi slt, %add3A_73, %lt3A_74 : i32
      %convert_element_type3A_76 = arith.extui %lt3A_75 : i1 to i32
      %cond3A_77 = arith.constant 0 : i32
      %cond3A_78 = arith.cmpi ne, %convert_element_type3A_76, %cond3A_77 : i32
      scf.if %cond3A_78 {
        %add3A_102 = arith.constant 5 : i32
        %add3A_103 = arith.addi %add3A_69, %add3A_102 : i32
        %mul3A_104 = arith.constant 80 : i32
        %mul3A_105 = arith.muli %add3A_103, %mul3A_104 : i32
        %add3A_106 = arith.addi %mul3A_2, %mul3A_105 : i32
        %dma_start3A_107 = tpu.memref_slice %arg2[%add3A_106] : memref<320000xi32, #tpu.memory_space<hbm>> -> memref<80xi32, #tpu.memory_space<hbm>>
        %dma_start3A_108 = tpu.memref_slice %arg2[%add3A_106] : memref<320000xi32, #tpu.memory_space<hbm>> -> memref<80xi32, #tpu.memory_space<hbm>>
        tpu.enqueue_dma source(%dma_start3A_108 : memref<80xi32, #tpu.memory_space<hbm>>) target(%arg7 : memref<80xi32, #tpu.memory_space<vmem>>) target_semaphore(%arg12 : memref<!tpu.dma_semaphore, #tpu.memory_space<semaphore_mem>>)
      } else {
      }
      %add3A_79 = arith.constant 3 : i32
      %add3A_80 = arith.addi %mul3A_47, %add3A_79 : i32
      %dma_wait3A_81 = tpu.memref_slice %arg2[%mul3A_2] : memref<320000xi32, #tpu.memory_space<hbm>> -> memref<80xi32, #tpu.memory_space<hbm>>
      %dma_wait3A_82 = tpu.memref_slice %arg2[%mul3A_2] : memref<320000xi32, #tpu.memory_space<hbm>> -> memref<80xi32, #tpu.memory_space<hbm>>
      tpu.wait_dma2 semaphore(%arg13 : memref<!tpu.dma_semaphore, #tpu.memory_space<semaphore_mem>>) src(%dma_wait3A_82 : memref<80xi32, #tpu.memory_space<hbm>>) dst(%arg8 : memref<80xi32, #tpu.memory_space<vmem>>)
      "tpu.region"() ({
        %run_scoped3A = tpu.sem_alloc : memref<!tpu.dma_semaphore, #tpu.memory_space<semaphore_mem>>
        %dma_start3A_102 = arith.constant 0 : i32
        %dma_start3A_103 = arith.constant 0 : i32
        %dma_start3A_104 = tpu.memref_slice %arg16[%dma_start3A_102, %dma_start3A_103] : memref<5000x128xf32, #tpu.memory_space<vmem_shared>> -> memref<5000x128xf32, #tpu.memory_space<vmem_shared>>
        tpu.enqueue_indirect_dma source(%arg15 : memref<80x128xf32, #tpu.memory_space<vmem>>) target(%dma_start3A_104 : memref<5000x128xf32, #tpu.memory_space<vmem_shared>>) offsets(%arg8 : memref<80xi32, #tpu.memory_space<vmem>>) semaphore(%run_scoped3A : memref<!tpu.dma_semaphore, #tpu.memory_space<semaphore_mem>>) {add = true}
        %dma_wait3A_105 = arith.constant 0 : i32
        %dma_wait3A_106 = arith.constant 0 : i32
        %dma_wait3A_107 = tpu.memref_slice %arg16[%dma_wait3A_105, %dma_wait3A_106] : memref<5000x128xf32, #tpu.memory_space<vmem_shared>> -> memref<5000x128xf32, #tpu.memory_space<vmem_shared>>
        tpu.wait_indirect_dma semaphore(%run_scoped3A : memref<!tpu.dma_semaphore, #tpu.memory_space<semaphore_mem>>) src(%arg15 : memref<80x128xf32, #tpu.memory_space<vmem>>) dst(%dma_wait3A_107 : memref<5000x128xf32, #tpu.memory_space<vmem_shared>>)
        tpu.yield
      }) : () -> ()
      %add3A_83 = arith.constant 5 : i32
      %add3A_84 = arith.addi %add3A_80, %add3A_83 : i32
      %lt3A_85 = arith.constant 125 : i32
      %lt3A_86 = arith.cmpi slt, %add3A_84, %lt3A_85 : i32
      %convert_element_type3A_87 = arith.extui %lt3A_86 : i1 to i32
      %cond3A_88 = arith.constant 0 : i32
      %cond3A_89 = arith.cmpi ne, %convert_element_type3A_87, %cond3A_88 : i32
      scf.if %cond3A_89 {
        %add3A_102 = arith.constant 5 : i32
        %add3A_103 = arith.addi %add3A_80, %add3A_102 : i32
        %mul3A_104 = arith.constant 80 : i32
        %mul3A_105 = arith.muli %add3A_103, %mul3A_104 : i32
        %add3A_106 = arith.addi %mul3A_2, %mul3A_105 : i32
        %dma_start3A_107 = tpu.memref_slice %arg2[%add3A_106] : memref<320000xi32, #tpu.memory_space<hbm>> -> memref<80xi32, #tpu.memory_space<hbm>>
        %dma_start3A_108 = tpu.memref_slice %arg2[%add3A_106] : memref<320000xi32, #tpu.memory_space<hbm>> -> memref<80xi32, #tpu.memory_space<hbm>>
        tpu.enqueue_dma source(%dma_start3A_108 : memref<80xi32, #tpu.memory_space<hbm>>) target(%arg8 : memref<80xi32, #tpu.memory_space<vmem>>) target_semaphore(%arg13 : memref<!tpu.dma_semaphore, #tpu.memory_space<semaphore_mem>>)
      } else {
      }
      %add3A_90 = arith.constant 4 : i32
      %add3A_91 = arith.addi %mul3A_47, %add3A_90 : i32
      %dma_wait3A_92 = tpu.memref_slice %arg2[%mul3A_2] : memref<320000xi32, #tpu.memory_space<hbm>> -> memref<80xi32, #tpu.memory_space<hbm>>
      %dma_wait3A_93 = tpu.memref_slice %arg2[%mul3A_2] : memref<320000xi32, #tpu.memory_space<hbm>> -> memref<80xi32, #tpu.memory_space<hbm>>
      tpu.wait_dma2 semaphore(%arg14 : memref<!tpu.dma_semaphore, #tpu.memory_space<semaphore_mem>>) src(%dma_wait3A_93 : memref<80xi32, #tpu.memory_space<hbm>>) dst(%arg9 : memref<80xi32, #tpu.memory_space<vmem>>)
      "tpu.region"() ({
        %run_scoped3A = tpu.sem_alloc : memref<!tpu.dma_semaphore, #tpu.memory_space<semaphore_mem>>
        %dma_start3A_102 = arith.constant 0 : i32
        %dma_start3A_103 = arith.constant 0 : i32
        %dma_start3A_104 = tpu.memref_slice %arg16[%dma_start3A_102, %dma_start3A_103] : memref<5000x128xf32, #tpu.memory_space<vmem_shared>> -> memref<5000x128xf32, #tpu.memory_space<vmem_shared>>
        tpu.enqueue_indirect_dma source(%arg15 : memref<80x128xf32, #tpu.memory_space<vmem>>) target(%dma_start3A_104 : memref<5000x128xf32, #tpu.memory_space<vmem_shared>>) offsets(%arg9 : memref<80xi32, #tpu.memory_space<vmem>>) semaphore(%run_scoped3A : memref<!tpu.dma_semaphore, #tpu.memory_space<semaphore_mem>>) {add = true}
        %dma_wait3A_105 = arith.constant 0 : i32
        %dma_wait3A_106 = arith.constant 0 : i32
        %dma_wait3A_107 = tpu.memref_slice %arg16[%dma_wait3A_105, %dma_wait3A_106] : memref<5000x128xf32, #tpu.memory_space<vmem_shared>> -> memref<5000x128xf32, #tpu.memory_space<vmem_shared>>
        tpu.wait_indirect_dma semaphore(%run_scoped3A : memref<!tpu.dma_semaphore, #tpu.memory_space<semaphore_mem>>) src(%arg15 : memref<80x128xf32, #tpu.memory_space<vmem>>) dst(%dma_wait3A_107 : memref<5000x128xf32, #tpu.memory_space<vmem_shared>>)
        tpu.yield
      }) : () -> ()
      %add3A_94 = arith.constant 5 : i32
      %add3A_95 = arith.addi %add3A_91, %add3A_94 : i32
      %lt3A_96 = arith.constant 125 : i32
      %lt3A_97 = arith.cmpi slt, %add3A_95, %lt3A_96 : i32
      %convert_element_type3A_98 = arith.extui %lt3A_97 : i1 to i32
      %cond3A_99 = arith.constant 0 : i32
      %cond3A_100 = arith.cmpi ne, %convert_element_type3A_98, %cond3A_99 : i32
      scf.if %cond3A_100 {
        %add3A_102 = arith.constant 5 : i32
        %add3A_103 = arith.addi %add3A_91, %add3A_102 : i32
        %mul3A_104 = arith.constant 80 : i32
        %mul3A_105 = arith.muli %add3A_103, %mul3A_104 : i32
        %add3A_106 = arith.addi %mul3A_2, %mul3A_105 : i32
        %dma_start3A_107 = tpu.memref_slice %arg2[%add3A_106] : memref<320000xi32, #tpu.memory_space<hbm>> -> memref<80xi32, #tpu.memory_space<hbm>>
        %dma_start3A_108 = tpu.memref_slice %arg2[%add3A_106] : memref<320000xi32, #tpu.memory_space<hbm>> -> memref<80xi32, #tpu.memory_space<hbm>>
        tpu.enqueue_dma source(%dma_start3A_108 : memref<80xi32, #tpu.memory_space<hbm>>) target(%arg9 : memref<80xi32, #tpu.memory_space<vmem>>) target_semaphore(%arg14 : memref<!tpu.dma_semaphore, #tpu.memory_space<semaphore_mem>>)
      } else {
      }
      %scan3A_101 = arith.constant 0 : i32
      scf.yield %scan3A_101 : i32
    }
    %scan3A_37 = arith.constant 25 : i32
    %barrier3A_38 = arith.constant 0 : index
    tpu.barrier barrier_id(%barrier3A_38)
    %eq3A_39 = arith.constant 0 : i32
    %eq3A_40 = arith.cmpi eq, %arg1, %eq3A_39 : i32
    %convert_element_type3A_41 = arith.extui %eq3A_40 : i1 to i32
    %cond3A_42 = arith.constant 0 : i32
    %cond3A_43 = arith.cmpi ne, %convert_element_type3A_41, %cond3A_42 : i32
    scf.if %cond3A_43 {
      "tpu.region"() ({
        %run_scoped3A = tpu.sem_alloc : memref<!tpu.dma_semaphore, #tpu.memory_space<semaphore_mem>>
        %dma_start3A_44 = arith.constant 0 : i32
        %dma_start3A_45 = arith.constant 0 : i32
        %dma_start3A_46 = tpu.memref_slice %arg4[%arg0, %dma_start3A_44, %dma_start3A_45] : memref<2x5000x128xf32, #tpu.memory_space<hbm>> -> memref<1x5000x128xf32, #tpu.memory_space<hbm>>
        %dma_start3A_47 = tpu.memref_squeeze %dma_start3A_46 : memref<1x5000x128xf32, #tpu.memory_space<hbm>> -> memref<5000x128xf32, #tpu.memory_space<hbm>>
        tpu.enqueue_dma source(%arg16 : memref<5000x128xf32, #tpu.memory_space<vmem_shared>>) target(%dma_start3A_47 : memref<5000x128xf32, #tpu.memory_space<hbm>>) target_semaphore(%run_scoped3A : memref<!tpu.dma_semaphore, #tpu.memory_space<semaphore_mem>>)
        %dma_wait3A = arith.constant 0 : i32
        %dma_wait3A_48 = arith.constant 0 : i32
        %dma_wait3A_49 = tpu.memref_slice %arg4[%arg0, %dma_wait3A, %dma_wait3A_48] : memref<2x5000x128xf32, #tpu.memory_space<hbm>> -> memref<1x5000x128xf32, #tpu.memory_space<hbm>>
        %dma_wait3A_50 = tpu.memref_squeeze %dma_wait3A_49 : memref<1x5000x128xf32, #tpu.memory_space<hbm>> -> memref<5000x128xf32, #tpu.memory_space<hbm>>
        tpu.wait_dma2 semaphore(%run_scoped3A : memref<!tpu.dma_semaphore, #tpu.memory_space<semaphore_mem>>) src(%arg16 : memref<5000x128xf32, #tpu.memory_space<vmem_shared>>) dst(%dma_wait3A_50 : memref<5000x128xf32, #tpu.memory_space<hbm>>)
        tpu.yield
      }) : () -> ()
    } else {
    }
    return
  }
}

#map = affine_map<(d0, d1) -> (0)>
#map1 = affine_map<(d0, d1) -> (0, 0)>
#map2 = affine_map<(d0, d1) -> (0, 0, 0)>
module attributes {stable_mosaic.version = 14 : i64} {
  func.func @_count_body(%arg0: i32, %arg1: i32, %arg2: memref<320000xi32, #tpu.memory_space<hbm>>, %arg3: memref<10000x128xf32, #tpu.memory_space<hbm>>, %arg4: memref<2x10000x128xf32, #tpu.memory_space<hbm>>, %arg5: memref<80xi32, #tpu.memory_space<vmem>>, %arg6: memref<80xi32, #tpu.memory_space<vmem>>, %arg7: memref<80xi32, #tpu.memory_space<vmem>>, %arg8: memref<80xi32, #tpu.memory_space<vmem>>, %arg9: memref<80xi32, #tpu.memory_space<vmem>>, %arg10: memref<!tpu.dma_semaphore, #tpu.memory_space<semaphore_mem>>, %arg11: memref<!tpu.dma_semaphore, #tpu.memory_space<semaphore_mem>>, %arg12: memref<!tpu.dma_semaphore, #tpu.memory_space<semaphore_mem>>, %arg13: memref<!tpu.dma_semaphore, #tpu.memory_space<semaphore_mem>>, %arg14: memref<!tpu.dma_semaphore, #tpu.memory_space<semaphore_mem>>, %arg15: memref<80x128xf32, #tpu.memory_space<vmem>>, %arg16: memref<10000x128xf32, #tpu.memory_space<vmem_shared>>) attributes {dimension_semantics = [#tpu.dimension_semantics<core_parallel>, #tpu.dimension_semantics<subcore_parallel>], iteration_bounds = array<i64: 2, 16>, scalar_prefetch = 0 : i64, scratch_operands = 12 : i64, tpu.core_type = #tpu.core_type<sc_vector_subcore>, window_params = [{transform_indices = #map}, {transform_indices = #map1}, {transform_indices = #map2}]} {
    %mul3A = arith.constant 16 : i32
    %mul3A_0 = arith.muli %arg0, %mul3A : i32
    %add3A = arith.addi %mul3A_0, %arg1 : i32
    %mul3A_1 = arith.constant 10000 : i32
    %mul3A_2 = arith.muli %add3A, %mul3A_1 : i32
    %broadcast_in_dim3A = arith.constant 1.000000e+00 : f32
    %broadcast_in_dim3A_3 = vector.broadcast %broadcast_in_dim3A : f32 to vector<16xf32>
    %scan3A = arith.constant 0 : i32
    %scan3A_4 = arith.constant 0 : i32
    %scan3A_5 = arith.constant 640 : i32
    %scan3A_6 = arith.addi %scan3A_4, %scan3A_5 : i32
    %scan3A_7 = arith.constant 1 : i32
    %scan3A_8 = scf.for %scan3A_44 = %scan3A_4 to %scan3A_6 step %scan3A_7 iter_args(%scan3A_45 = %scan3A) -> (i32)  : i32 {
      %jit3A = arith.constant 8 : i32
      %div3A = arith.divsi %scan3A_44, %jit3A : i32
      %sign3A = arith.constant 0 : i32
      %sign3A_46 = arith.cmpi sgt, %scan3A_44, %sign3A : i32
      %sign3A_47 = arith.extui %sign3A_46 : i1 to i32
      %sign3A_48 = arith.constant 0 : i32
      %sign3A_49 = arith.cmpi slt, %scan3A_44, %sign3A_48 : i32
      %sign3A_50 = arith.extui %sign3A_49 : i1 to i32
      %sign3A_51 = arith.subi %sign3A_47, %sign3A_50 : i32
      %sign3A_52 = arith.constant 0 : i32
      %sign3A_53 = arith.cmpi sgt, %jit3A, %sign3A_52 : i32
      %sign3A_54 = arith.extui %sign3A_53 : i1 to i32
      %sign3A_55 = arith.constant 0 : i32
      %sign3A_56 = arith.cmpi slt, %jit3A, %sign3A_55 : i32
      %sign3A_57 = arith.extui %sign3A_56 : i1 to i32
      %sign3A_58 = arith.subi %sign3A_54, %sign3A_57 : i32
      %ne3A = arith.cmpi ne, %sign3A_51, %sign3A_58 : i32
      %rem3A = arith.remsi %scan3A_44, %jit3A : i32
      %ne3A_59 = arith.constant 0 : i32
      %ne3A_60 = arith.cmpi ne, %rem3A, %ne3A_59 : i32
      %and3A = arith.andi %ne3A, %ne3A_60 : i1
      %sub3A = arith.constant 1 : i32
      %sub3A_61 = arith.subi %div3A, %sub3A : i32
      %select_n3A = arith.select %and3A, %sub3A_61, %div3A : i32
      %jit3A_62 = arith.constant 8 : i32
      %eq3A_63 = arith.constant 0 : i32
      %eq3A_64 = arith.cmpi eq, %jit3A_62, %eq3A_63 : i32
      %jit3A_65 = arith.constant 1 : i32
      %select_n3A_66 = arith.select %eq3A_64, %jit3A_65, %jit3A_62 : i32
      %rem3A_67 = arith.remsi %scan3A_44, %select_n3A_66 : i32
      %ne3A_68 = arith.constant 0 : i32
      %ne3A_69 = arith.cmpi ne, %rem3A_67, %ne3A_68 : i32
      %lt3A = arith.constant 0 : i32
      %lt3A_70 = arith.cmpi slt, %rem3A_67, %lt3A : i32
      %lt3A_71 = arith.constant 0 : i32
      %lt3A_72 = arith.cmpi slt, %select_n3A_66, %lt3A_71 : i32
      %ne3A_73 = arith.xori %lt3A_70, %lt3A_72 : i1
      %and3A_74 = arith.andi %ne3A_73, %ne3A_69 : i1
      %add3A_75 = arith.addi %rem3A_67, %select_n3A_66 : i32
      %select_n3A_76 = arith.select %and3A_74, %add3A_75, %rem3A_67 : i32
      %mul3A_77 = arith.constant 16 : i32
      %mul3A_78 = arith.muli %select_n3A_76, %mul3A_77 : i32
      %swap3A = arith.index_cast %select_n3A : i32 to index
      %swap3A_79 = arith.index_cast %mul3A_78 : i32 to index
      %swap3A_80 = tpu.vector_load %arg15[%swap3A, %swap3A_79] {strides = array<i32>} : memref<80x128xf32, #tpu.memory_space<vmem>>, vector<1x16xf32>,
      %swap3A_81 = vector.shape_cast %swap3A_80 : vector<1x16xf32> to vector<16xf32>
      %swap3A_82 = vector.shape_cast %broadcast_in_dim3A_3 : vector<16xf32> to vector<1x16xf32>
      tpu.vector_store %arg15[%swap3A, %swap3A_79], %swap3A_82 {strides = array<i32>} : memref<80x128xf32, #tpu.memory_space<vmem>>, vector<1x16xf32>,
      %scan3A_83 = arith.constant 0 : i32
      scf.yield %scan3A_83 : i32
    }
    %scan3A_9 = arith.constant 640 : i32
    %add3A_10 = arith.constant 0 : i32
    %add3A_11 = arith.addi %mul3A_2, %add3A_10 : i32
    %dma_start3A = tpu.memref_slice %arg2[%add3A_11] : memref<320000xi32, #tpu.memory_space<hbm>> -> memref<80xi32, #tpu.memory_space<hbm>>
    %dma_start3A_12 = tpu.memref_slice %arg2[%add3A_11] : memref<320000xi32, #tpu.memory_space<hbm>> -> memref<80xi32, #tpu.memory_space<hbm>>
    tpu.enqueue_dma source(%dma_start3A_12 : memref<80xi32, #tpu.memory_space<hbm>>) target(%arg5 : memref<80xi32, #tpu.memory_space<vmem>>) target_semaphore(%arg10 : memref<!tpu.dma_semaphore, #tpu.memory_space<semaphore_mem>>)
    %add3A_13 = arith.constant 80 : i32
    %add3A_14 = arith.addi %mul3A_2, %add3A_13 : i32
    %dma_start3A_15 = tpu.memref_slice %arg2[%add3A_14] : memref<320000xi32, #tpu.memory_space<hbm>> -> memref<80xi32, #tpu.memory_space<hbm>>
    %dma_start3A_16 = tpu.memref_slice %arg2[%add3A_14] : memref<320000xi32, #tpu.memory_space<hbm>> -> memref<80xi32, #tpu.memory_space<hbm>>
    tpu.enqueue_dma source(%dma_start3A_16 : memref<80xi32, #tpu.memory_space<hbm>>) target(%arg6 : memref<80xi32, #tpu.memory_space<vmem>>) target_semaphore(%arg11 : memref<!tpu.dma_semaphore, #tpu.memory_space<semaphore_mem>>)
    %add3A_17 = arith.constant 160 : i32
    %add3A_18 = arith.addi %mul3A_2, %add3A_17 : i32
    %dma_start3A_19 = tpu.memref_slice %arg2[%add3A_18] : memref<320000xi32, #tpu.memory_space<hbm>> -> memref<80xi32, #tpu.memory_space<hbm>>
    %dma_start3A_20 = tpu.memref_slice %arg2[%add3A_18] : memref<320000xi32, #tpu.memory_space<hbm>> -> memref<80xi32, #tpu.memory_space<hbm>>
    tpu.enqueue_dma source(%dma_start3A_20 : memref<80xi32, #tpu.memory_space<hbm>>) target(%arg7 : memref<80xi32, #tpu.memory_space<vmem>>) target_semaphore(%arg12 : memref<!tpu.dma_semaphore, #tpu.memory_space<semaphore_mem>>)
    %add3A_21 = arith.constant 240 : i32
    %add3A_22 = arith.addi %mul3A_2, %add3A_21 : i32
    %dma_start3A_23 = tpu.memref_slice %arg2[%add3A_22] : memref<320000xi32, #tpu.memory_space<hbm>> -> memref<80xi32, #tpu.memory_space<hbm>>
    %dma_start3A_24 = tpu.memref_slice %arg2[%add3A_22] : memref<320000xi32, #tpu.memory_space<hbm>> -> memref<80xi32, #tpu.memory_space<hbm>>
    tpu.enqueue_dma source(%dma_start3A_24 : memref<80xi32, #tpu.memory_space<hbm>>) target(%arg8 : memref<80xi32, #tpu.memory_space<vmem>>) target_semaphore(%arg13 : memref<!tpu.dma_semaphore, #tpu.memory_space<semaphore_mem>>)
    %add3A_25 = arith.constant 320 : i32
    %add3A_26 = arith.addi %mul3A_2, %add3A_25 : i32
    %dma_start3A_27 = tpu.memref_slice %arg2[%add3A_26] : memref<320000xi32, #tpu.memory_space<hbm>> -> memref<80xi32, #tpu.memory_space<hbm>>
    %dma_start3A_28 = tpu.memref_slice %arg2[%add3A_26] : memref<320000xi32, #tpu.memory_space<hbm>> -> memref<80xi32, #tpu.memory_space<hbm>>
    tpu.enqueue_dma source(%dma_start3A_28 : memref<80xi32, #tpu.memory_space<hbm>>) target(%arg9 : memref<80xi32, #tpu.memory_space<vmem>>) target_semaphore(%arg14 : memref<!tpu.dma_semaphore, #tpu.memory_space<semaphore_mem>>)
    %eq3A = arith.constant 0 : i32
    %eq3A_29 = arith.cmpi eq, %arg1, %eq3A : i32
    %convert_element_type3A = arith.extui %eq3A_29 : i1 to i32
    %cond3A = arith.constant 0 : i32
    %cond3A_30 = arith.cmpi ne, %convert_element_type3A, %cond3A : i32
    scf.if %cond3A_30 {
      "tpu.region"() ({
        %run_scoped3A = tpu.sem_alloc : memref<!tpu.dma_semaphore, #tpu.memory_space<semaphore_mem>>
        tpu.enqueue_dma source(%arg3 : memref<10000x128xf32, #tpu.memory_space<hbm>>) target(%arg16 : memref<10000x128xf32, #tpu.memory_space<vmem_shared>>) target_semaphore(%run_scoped3A : memref<!tpu.dma_semaphore, #tpu.memory_space<semaphore_mem>>)
        tpu.wait_dma2 semaphore(%run_scoped3A : memref<!tpu.dma_semaphore, #tpu.memory_space<semaphore_mem>>) src(%arg3 : memref<10000x128xf32, #tpu.memory_space<hbm>>) dst(%arg16 : memref<10000x128xf32, #tpu.memory_space<vmem_shared>>)
        tpu.yield
      }) : () -> ()
    } else {
    }
    %barrier3A = arith.constant 0 : index
    tpu.barrier barrier_id(%barrier3A)
    %scan3A_31 = arith.constant 0 : i32
    %scan3A_32 = arith.constant 0 : i32
    %scan3A_33 = arith.constant 25 : i32
    %scan3A_34 = arith.addi %scan3A_32, %scan3A_33 : i32
    %scan3A_35 = arith.constant 1 : i32
    %scan3A_36 = scf.for %scan3A_44 = %scan3A_32 to %scan3A_34 step %scan3A_35 iter_args(%scan3A_45 = %scan3A_31) -> (i32)  : i32 {
      %mul3A_46 = arith.constant 5 : i32
      %mul3A_47 = arith.muli %scan3A_44, %mul3A_46 : i32
      %add3A_48 = arith.constant 0 : i32
      %add3A_49 = arith.addi %mul3A_47, %add3A_48 : i32
      %dma_wait3A = tpu.memref_slice %arg2[%mul3A_2] : memref<320000xi32, #tpu.memory_space<hbm>> -> memref<80xi32, #tpu.memory_space<hbm>>
      %dma_wait3A_50 = tpu.memref_slice %arg2[%mul3A_2] : memref<320000xi32, #tpu.memory_space<hbm>> -> memref<80xi32, #tpu.memory_space<hbm>>
      tpu.wait_dma2 semaphore(%arg10 : memref<!tpu.dma_semaphore, #tpu.memory_space<semaphore_mem>>) src(%dma_wait3A_50 : memref<80xi32, #tpu.memory_space<hbm>>) dst(%arg5 : memref<80xi32, #tpu.memory_space<vmem>>)
      "tpu.region"() ({
        %run_scoped3A = tpu.sem_alloc : memref<!tpu.dma_semaphore, #tpu.memory_space<semaphore_mem>>
        %dma_start3A_102 = arith.constant 0 : i32
        %dma_start3A_103 = arith.constant 0 : i32
        %dma_start3A_104 = tpu.memref_slice %arg16[%dma_start3A_102, %dma_start3A_103] : memref<10000x128xf32, #tpu.memory_space<vmem_shared>> -> memref<10000x128xf32, #tpu.memory_space<vmem_shared>>
        tpu.enqueue_indirect_dma source(%arg15 : memref<80x128xf32, #tpu.memory_space<vmem>>) target(%dma_start3A_104 : memref<10000x128xf32, #tpu.memory_space<vmem_shared>>) offsets(%arg5 : memref<80xi32, #tpu.memory_space<vmem>>) semaphore(%run_scoped3A : memref<!tpu.dma_semaphore, #tpu.memory_space<semaphore_mem>>) {add = true}
        %dma_wait3A_105 = arith.constant 0 : i32
        %dma_wait3A_106 = arith.constant 0 : i32
        %dma_wait3A_107 = tpu.memref_slice %arg16[%dma_wait3A_105, %dma_wait3A_106] : memref<10000x128xf32, #tpu.memory_space<vmem_shared>> -> memref<10000x128xf32, #tpu.memory_space<vmem_shared>>
        tpu.wait_indirect_dma semaphore(%run_scoped3A : memref<!tpu.dma_semaphore, #tpu.memory_space<semaphore_mem>>) src(%arg15 : memref<80x128xf32, #tpu.memory_space<vmem>>) dst(%dma_wait3A_107 : memref<10000x128xf32, #tpu.memory_space<vmem_shared>>)
        tpu.yield
      }) : () -> ()
      %add3A_51 = arith.constant 5 : i32
      %add3A_52 = arith.addi %add3A_49, %add3A_51 : i32
      %lt3A = arith.constant 125 : i32
      %lt3A_53 = arith.cmpi slt, %add3A_52, %lt3A : i32
      %convert_element_type3A_54 = arith.extui %lt3A_53 : i1 to i32
      %cond3A_55 = arith.constant 0 : i32
      %cond3A_56 = arith.cmpi ne, %convert_element_type3A_54, %cond3A_55 : i32
      scf.if %cond3A_56 {
        %add3A_102 = arith.constant 5 : i32
        %add3A_103 = arith.addi %add3A_49, %add3A_102 : i32
        %mul3A_104 = arith.constant 80 : i32
        %mul3A_105 = arith.muli %add3A_103, %mul3A_104 : i32
        %add3A_106 = arith.addi %mul3A_2, %mul3A_105 : i32
        %dma_start3A_107 = tpu.memref_slice %arg2[%add3A_106] : memref<320000xi32, #tpu.memory_space<hbm>> -> memref<80xi32, #tpu.memory_space<hbm>>
        %dma_start3A_108 = tpu.memref_slice %arg2[%add3A_106] : memref<320000xi32, #tpu.memory_space<hbm>> -> memref<80xi32, #tpu.memory_space<hbm>>
        tpu.enqueue_dma source(%dma_start3A_108 : memref<80xi32, #tpu.memory_space<hbm>>) target(%arg5 : memref<80xi32, #tpu.memory_space<vmem>>) target_semaphore(%arg10 : memref<!tpu.dma_semaphore, #tpu.memory_space<semaphore_mem>>)
      } else {
      }
      %add3A_57 = arith.constant 1 : i32
      %add3A_58 = arith.addi %mul3A_47, %add3A_57 : i32
      %dma_wait3A_59 = tpu.memref_slice %arg2[%mul3A_2] : memref<320000xi32, #tpu.memory_space<hbm>> -> memref<80xi32, #tpu.memory_space<hbm>>
      %dma_wait3A_60 = tpu.memref_slice %arg2[%mul3A_2] : memref<320000xi32, #tpu.memory_space<hbm>> -> memref<80xi32, #tpu.memory_space<hbm>>
      tpu.wait_dma2 semaphore(%arg11 : memref<!tpu.dma_semaphore, #tpu.memory_space<semaphore_mem>>) src(%dma_wait3A_60 : memref<80xi32, #tpu.memory_space<hbm>>) dst(%arg6 : memref<80xi32, #tpu.memory_space<vmem>>)
      "tpu.region"() ({
        %run_scoped3A = tpu.sem_alloc : memref<!tpu.dma_semaphore, #tpu.memory_space<semaphore_mem>>
        %dma_start3A_102 = arith.constant 0 : i32
        %dma_start3A_103 = arith.constant 0 : i32
        %dma_start3A_104 = tpu.memref_slice %arg16[%dma_start3A_102, %dma_start3A_103] : memref<10000x128xf32, #tpu.memory_space<vmem_shared>> -> memref<10000x128xf32, #tpu.memory_space<vmem_shared>>
        tpu.enqueue_indirect_dma source(%arg15 : memref<80x128xf32, #tpu.memory_space<vmem>>) target(%dma_start3A_104 : memref<10000x128xf32, #tpu.memory_space<vmem_shared>>) offsets(%arg6 : memref<80xi32, #tpu.memory_space<vmem>>) semaphore(%run_scoped3A : memref<!tpu.dma_semaphore, #tpu.memory_space<semaphore_mem>>) {add = true}
        %dma_wait3A_105 = arith.constant 0 : i32
        %dma_wait3A_106 = arith.constant 0 : i32
        %dma_wait3A_107 = tpu.memref_slice %arg16[%dma_wait3A_105, %dma_wait3A_106] : memref<10000x128xf32, #tpu.memory_space<vmem_shared>> -> memref<10000x128xf32, #tpu.memory_space<vmem_shared>>
        tpu.wait_indirect_dma semaphore(%run_scoped3A : memref<!tpu.dma_semaphore, #tpu.memory_space<semaphore_mem>>) src(%arg15 : memref<80x128xf32, #tpu.memory_space<vmem>>) dst(%dma_wait3A_107 : memref<10000x128xf32, #tpu.memory_space<vmem_shared>>)
        tpu.yield
      }) : () -> ()
      %add3A_61 = arith.constant 5 : i32
      %add3A_62 = arith.addi %add3A_58, %add3A_61 : i32
      %lt3A_63 = arith.constant 125 : i32
      %lt3A_64 = arith.cmpi slt, %add3A_62, %lt3A_63 : i32
      %convert_element_type3A_65 = arith.extui %lt3A_64 : i1 to i32
      %cond3A_66 = arith.constant 0 : i32
      %cond3A_67 = arith.cmpi ne, %convert_element_type3A_65, %cond3A_66 : i32
      scf.if %cond3A_67 {
        %add3A_102 = arith.constant 5 : i32
        %add3A_103 = arith.addi %add3A_58, %add3A_102 : i32
        %mul3A_104 = arith.constant 80 : i32
        %mul3A_105 = arith.muli %add3A_103, %mul3A_104 : i32
        %add3A_106 = arith.addi %mul3A_2, %mul3A_105 : i32
        %dma_start3A_107 = tpu.memref_slice %arg2[%add3A_106] : memref<320000xi32, #tpu.memory_space<hbm>> -> memref<80xi32, #tpu.memory_space<hbm>>
        %dma_start3A_108 = tpu.memref_slice %arg2[%add3A_106] : memref<320000xi32, #tpu.memory_space<hbm>> -> memref<80xi32, #tpu.memory_space<hbm>>
        tpu.enqueue_dma source(%dma_start3A_108 : memref<80xi32, #tpu.memory_space<hbm>>) target(%arg6 : memref<80xi32, #tpu.memory_space<vmem>>) target_semaphore(%arg11 : memref<!tpu.dma_semaphore, #tpu.memory_space<semaphore_mem>>)
      } else {
      }
      %add3A_68 = arith.constant 2 : i32
      %add3A_69 = arith.addi %mul3A_47, %add3A_68 : i32
      %dma_wait3A_70 = tpu.memref_slice %arg2[%mul3A_2] : memref<320000xi32, #tpu.memory_space<hbm>> -> memref<80xi32, #tpu.memory_space<hbm>>
      %dma_wait3A_71 = tpu.memref_slice %arg2[%mul3A_2] : memref<320000xi32, #tpu.memory_space<hbm>> -> memref<80xi32, #tpu.memory_space<hbm>>
      tpu.wait_dma2 semaphore(%arg12 : memref<!tpu.dma_semaphore, #tpu.memory_space<semaphore_mem>>) src(%dma_wait3A_71 : memref<80xi32, #tpu.memory_space<hbm>>) dst(%arg7 : memref<80xi32, #tpu.memory_space<vmem>>)
      "tpu.region"() ({
        %run_scoped3A = tpu.sem_alloc : memref<!tpu.dma_semaphore, #tpu.memory_space<semaphore_mem>>
        %dma_start3A_102 = arith.constant 0 : i32
        %dma_start3A_103 = arith.constant 0 : i32
        %dma_start3A_104 = tpu.memref_slice %arg16[%dma_start3A_102, %dma_start3A_103] : memref<10000x128xf32, #tpu.memory_space<vmem_shared>> -> memref<10000x128xf32, #tpu.memory_space<vmem_shared>>
        tpu.enqueue_indirect_dma source(%arg15 : memref<80x128xf32, #tpu.memory_space<vmem>>) target(%dma_start3A_104 : memref<10000x128xf32, #tpu.memory_space<vmem_shared>>) offsets(%arg7 : memref<80xi32, #tpu.memory_space<vmem>>) semaphore(%run_scoped3A : memref<!tpu.dma_semaphore, #tpu.memory_space<semaphore_mem>>) {add = true}
        %dma_wait3A_105 = arith.constant 0 : i32
        %dma_wait3A_106 = arith.constant 0 : i32
        %dma_wait3A_107 = tpu.memref_slice %arg16[%dma_wait3A_105, %dma_wait3A_106] : memref<10000x128xf32, #tpu.memory_space<vmem_shared>> -> memref<10000x128xf32, #tpu.memory_space<vmem_shared>>
        tpu.wait_indirect_dma semaphore(%run_scoped3A : memref<!tpu.dma_semaphore, #tpu.memory_space<semaphore_mem>>) src(%arg15 : memref<80x128xf32, #tpu.memory_space<vmem>>) dst(%dma_wait3A_107 : memref<10000x128xf32, #tpu.memory_space<vmem_shared>>)
        tpu.yield
      }) : () -> ()
      %add3A_72 = arith.constant 5 : i32
      %add3A_73 = arith.addi %add3A_69, %add3A_72 : i32
      %lt3A_74 = arith.constant 125 : i32
      %lt3A_75 = arith.cmpi slt, %add3A_73, %lt3A_74 : i32
      %convert_element_type3A_76 = arith.extui %lt3A_75 : i1 to i32
      %cond3A_77 = arith.constant 0 : i32
      %cond3A_78 = arith.cmpi ne, %convert_element_type3A_76, %cond3A_77 : i32
      scf.if %cond3A_78 {
        %add3A_102 = arith.constant 5 : i32
        %add3A_103 = arith.addi %add3A_69, %add3A_102 : i32
        %mul3A_104 = arith.constant 80 : i32
        %mul3A_105 = arith.muli %add3A_103, %mul3A_104 : i32
        %add3A_106 = arith.addi %mul3A_2, %mul3A_105 : i32
        %dma_start3A_107 = tpu.memref_slice %arg2[%add3A_106] : memref<320000xi32, #tpu.memory_space<hbm>> -> memref<80xi32, #tpu.memory_space<hbm>>
        %dma_start3A_108 = tpu.memref_slice %arg2[%add3A_106] : memref<320000xi32, #tpu.memory_space<hbm>> -> memref<80xi32, #tpu.memory_space<hbm>>
        tpu.enqueue_dma source(%dma_start3A_108 : memref<80xi32, #tpu.memory_space<hbm>>) target(%arg7 : memref<80xi32, #tpu.memory_space<vmem>>) target_semaphore(%arg12 : memref<!tpu.dma_semaphore, #tpu.memory_space<semaphore_mem>>)
      } else {
      }
      %add3A_79 = arith.constant 3 : i32
      %add3A_80 = arith.addi %mul3A_47, %add3A_79 : i32
      %dma_wait3A_81 = tpu.memref_slice %arg2[%mul3A_2] : memref<320000xi32, #tpu.memory_space<hbm>> -> memref<80xi32, #tpu.memory_space<hbm>>
      %dma_wait3A_82 = tpu.memref_slice %arg2[%mul3A_2] : memref<320000xi32, #tpu.memory_space<hbm>> -> memref<80xi32, #tpu.memory_space<hbm>>
      tpu.wait_dma2 semaphore(%arg13 : memref<!tpu.dma_semaphore, #tpu.memory_space<semaphore_mem>>) src(%dma_wait3A_82 : memref<80xi32, #tpu.memory_space<hbm>>) dst(%arg8 : memref<80xi32, #tpu.memory_space<vmem>>)
      "tpu.region"() ({
        %run_scoped3A = tpu.sem_alloc : memref<!tpu.dma_semaphore, #tpu.memory_space<semaphore_mem>>
        %dma_start3A_102 = arith.constant 0 : i32
        %dma_start3A_103 = arith.constant 0 : i32
        %dma_start3A_104 = tpu.memref_slice %arg16[%dma_start3A_102, %dma_start3A_103] : memref<10000x128xf32, #tpu.memory_space<vmem_shared>> -> memref<10000x128xf32, #tpu.memory_space<vmem_shared>>
        tpu.enqueue_indirect_dma source(%arg15 : memref<80x128xf32, #tpu.memory_space<vmem>>) target(%dma_start3A_104 : memref<10000x128xf32, #tpu.memory_space<vmem_shared>>) offsets(%arg8 : memref<80xi32, #tpu.memory_space<vmem>>) semaphore(%run_scoped3A : memref<!tpu.dma_semaphore, #tpu.memory_space<semaphore_mem>>) {add = true}
        %dma_wait3A_105 = arith.constant 0 : i32
        %dma_wait3A_106 = arith.constant 0 : i32
        %dma_wait3A_107 = tpu.memref_slice %arg16[%dma_wait3A_105, %dma_wait3A_106] : memref<10000x128xf32, #tpu.memory_space<vmem_shared>> -> memref<10000x128xf32, #tpu.memory_space<vmem_shared>>
        tpu.wait_indirect_dma semaphore(%run_scoped3A : memref<!tpu.dma_semaphore, #tpu.memory_space<semaphore_mem>>) src(%arg15 : memref<80x128xf32, #tpu.memory_space<vmem>>) dst(%dma_wait3A_107 : memref<10000x128xf32, #tpu.memory_space<vmem_shared>>)
        tpu.yield
      }) : () -> ()
      %add3A_83 = arith.constant 5 : i32
      %add3A_84 = arith.addi %add3A_80, %add3A_83 : i32
      %lt3A_85 = arith.constant 125 : i32
      %lt3A_86 = arith.cmpi slt, %add3A_84, %lt3A_85 : i32
      %convert_element_type3A_87 = arith.extui %lt3A_86 : i1 to i32
      %cond3A_88 = arith.constant 0 : i32
      %cond3A_89 = arith.cmpi ne, %convert_element_type3A_87, %cond3A_88 : i32
      scf.if %cond3A_89 {
        %add3A_102 = arith.constant 5 : i32
        %add3A_103 = arith.addi %add3A_80, %add3A_102 : i32
        %mul3A_104 = arith.constant 80 : i32
        %mul3A_105 = arith.muli %add3A_103, %mul3A_104 : i32
        %add3A_106 = arith.addi %mul3A_2, %mul3A_105 : i32
        %dma_start3A_107 = tpu.memref_slice %arg2[%add3A_106] : memref<320000xi32, #tpu.memory_space<hbm>> -> memref<80xi32, #tpu.memory_space<hbm>>
        %dma_start3A_108 = tpu.memref_slice %arg2[%add3A_106] : memref<320000xi32, #tpu.memory_space<hbm>> -> memref<80xi32, #tpu.memory_space<hbm>>
        tpu.enqueue_dma source(%dma_start3A_108 : memref<80xi32, #tpu.memory_space<hbm>>) target(%arg8 : memref<80xi32, #tpu.memory_space<vmem>>) target_semaphore(%arg13 : memref<!tpu.dma_semaphore, #tpu.memory_space<semaphore_mem>>)
      } else {
      }
      %add3A_90 = arith.constant 4 : i32
      %add3A_91 = arith.addi %mul3A_47, %add3A_90 : i32
      %dma_wait3A_92 = tpu.memref_slice %arg2[%mul3A_2] : memref<320000xi32, #tpu.memory_space<hbm>> -> memref<80xi32, #tpu.memory_space<hbm>>
      %dma_wait3A_93 = tpu.memref_slice %arg2[%mul3A_2] : memref<320000xi32, #tpu.memory_space<hbm>> -> memref<80xi32, #tpu.memory_space<hbm>>
      tpu.wait_dma2 semaphore(%arg14 : memref<!tpu.dma_semaphore, #tpu.memory_space<semaphore_mem>>) src(%dma_wait3A_93 : memref<80xi32, #tpu.memory_space<hbm>>) dst(%arg9 : memref<80xi32, #tpu.memory_space<vmem>>)
      "tpu.region"() ({
        %run_scoped3A = tpu.sem_alloc : memref<!tpu.dma_semaphore, #tpu.memory_space<semaphore_mem>>
        %dma_start3A_102 = arith.constant 0 : i32
        %dma_start3A_103 = arith.constant 0 : i32
        %dma_start3A_104 = tpu.memref_slice %arg16[%dma_start3A_102, %dma_start3A_103] : memref<10000x128xf32, #tpu.memory_space<vmem_shared>> -> memref<10000x128xf32, #tpu.memory_space<vmem_shared>>
        tpu.enqueue_indirect_dma source(%arg15 : memref<80x128xf32, #tpu.memory_space<vmem>>) target(%dma_start3A_104 : memref<10000x128xf32, #tpu.memory_space<vmem_shared>>) offsets(%arg9 : memref<80xi32, #tpu.memory_space<vmem>>) semaphore(%run_scoped3A : memref<!tpu.dma_semaphore, #tpu.memory_space<semaphore_mem>>) {add = true}
        %dma_wait3A_105 = arith.constant 0 : i32
        %dma_wait3A_106 = arith.constant 0 : i32
        %dma_wait3A_107 = tpu.memref_slice %arg16[%dma_wait3A_105, %dma_wait3A_106] : memref<10000x128xf32, #tpu.memory_space<vmem_shared>> -> memref<10000x128xf32, #tpu.memory_space<vmem_shared>>
        tpu.wait_indirect_dma semaphore(%run_scoped3A : memref<!tpu.dma_semaphore, #tpu.memory_space<semaphore_mem>>) src(%arg15 : memref<80x128xf32, #tpu.memory_space<vmem>>) dst(%dma_wait3A_107 : memref<10000x128xf32, #tpu.memory_space<vmem_shared>>)
        tpu.yield
      }) : () -> ()
      %add3A_94 = arith.constant 5 : i32
      %add3A_95 = arith.addi %add3A_91, %add3A_94 : i32
      %lt3A_96 = arith.constant 125 : i32
      %lt3A_97 = arith.cmpi slt, %add3A_95, %lt3A_96 : i32
      %convert_element_type3A_98 = arith.extui %lt3A_97 : i1 to i32
      %cond3A_99 = arith.constant 0 : i32
      %cond3A_100 = arith.cmpi ne, %convert_element_type3A_98, %cond3A_99 : i32
      scf.if %cond3A_100 {
        %add3A_102 = arith.constant 5 : i32
        %add3A_103 = arith.addi %add3A_91, %add3A_102 : i32
        %mul3A_104 = arith.constant 80 : i32
        %mul3A_105 = arith.muli %add3A_103, %mul3A_104 : i32
        %add3A_106 = arith.addi %mul3A_2, %mul3A_105 : i32
        %dma_start3A_107 = tpu.memref_slice %arg2[%add3A_106] : memref<320000xi32, #tpu.memory_space<hbm>> -> memref<80xi32, #tpu.memory_space<hbm>>
        %dma_start3A_108 = tpu.memref_slice %arg2[%add3A_106] : memref<320000xi32, #tpu.memory_space<hbm>> -> memref<80xi32, #tpu.memory_space<hbm>>
        tpu.enqueue_dma source(%dma_start3A_108 : memref<80xi32, #tpu.memory_space<hbm>>) target(%arg9 : memref<80xi32, #tpu.memory_space<vmem>>) target_semaphore(%arg14 : memref<!tpu.dma_semaphore, #tpu.memory_space<semaphore_mem>>)
      } else {
      }
      %scan3A_101 = arith.constant 0 : i32
      scf.yield %scan3A_101 : i32
    }
    %scan3A_37 = arith.constant 25 : i32
    %barrier3A_38 = arith.constant 0 : index
    tpu.barrier barrier_id(%barrier3A_38)
    %eq3A_39 = arith.constant 0 : i32
    %eq3A_40 = arith.cmpi eq, %arg1, %eq3A_39 : i32
    %convert_element_type3A_41 = arith.extui %eq3A_40 : i1 to i32
    %cond3A_42 = arith.constant 0 : i32
    %cond3A_43 = arith.cmpi ne, %convert_element_type3A_41, %cond3A_42 : i32
    scf.if %cond3A_43 {
      "tpu.region"() ({
        %run_scoped3A = tpu.sem_alloc : memref<!tpu.dma_semaphore, #tpu.memory_space<semaphore_mem>>
        %dma_start3A_44 = arith.constant 0 : i32
        %dma_start3A_45 = arith.constant 0 : i32
        %dma_start3A_46 = tpu.memref_slice %arg4[%arg0, %dma_start3A_44, %dma_start3A_45] : memref<2x10000x128xf32, #tpu.memory_space<hbm>> -> memref<1x10000x128xf32, #tpu.memory_space<hbm>>
        %dma_start3A_47 = tpu.memref_squeeze %dma_start3A_46 : memref<1x10000x128xf32, #tpu.memory_space<hbm>> -> memref<10000x128xf32, #tpu.memory_space<hbm>>
        tpu.enqueue_dma source(%arg16 : memref<10000x128xf32, #tpu.memory_space<vmem_shared>>) target(%dma_start3A_47 : memref<10000x128xf32, #tpu.memory_space<hbm>>) target_semaphore(%run_scoped3A : memref<!tpu.dma_semaphore, #tpu.memory_space<semaphore_mem>>)
        %dma_wait3A = arith.constant 0 : i32
        %dma_wait3A_48 = arith.constant 0 : i32
        %dma_wait3A_49 = tpu.memref_slice %arg4[%arg0, %dma_wait3A, %dma_wait3A_48] : memref<2x10000x128xf32, #tpu.memory_space<hbm>> -> memref<1x10000x128xf32, #tpu.memory_space<hbm>>
        %dma_wait3A_50 = tpu.memref_squeeze %dma_wait3A_49 : memref<1x10000x128xf32, #tpu.memory_space<hbm>> -> memref<10000x128xf32, #tpu.memory_space<hbm>>
        tpu.wait_dma2 semaphore(%run_scoped3A : memref<!tpu.dma_semaphore, #tpu.memory_space<semaphore_mem>>) src(%arg16 : memref<10000x128xf32, #tpu.memory_space<vmem_shared>>) dst(%dma_wait3A_50 : memref<10000x128xf32, #tpu.memory_space<hbm>>)
        tpu.yield
      }) : () -> ()
    } else {
    }
    return
  }
}

#map = affine_map<(d0, d1) -> (0, 0)>
#map1 = affine_map<(d0, d1) -> (0)>
#map2 = affine_map<(d0, d1) -> (0, 0, 0)>
module attributes {stable_mosaic.version = 14 : i64} {
  func.func @_phase2_body(%arg0: i32, %arg1: i32, %arg2: memref<5000x128xf32, #tpu.memory_space<hbm>>, %arg3: memref<320000xi32, #tpu.memory_space<hbm>>, %arg4: memref<320000xi32, #tpu.memory_space<hbm>>, %arg5: memref<10000x128xf32, #tpu.memory_space<hbm>>, %arg6: memref<2x10000x128xf32, #tpu.memory_space<hbm>>, %arg7: memref<40x128xf32, #tpu.memory_space<vmem>>, %arg8: memref<40x128xf32, #tpu.memory_space<vmem>>, %arg9: memref<40x128xf32, #tpu.memory_space<vmem>>, %arg10: memref<40x128xf32, #tpu.memory_space<vmem>>, %arg11: memref<40x128xf32, #tpu.memory_space<vmem>>, %arg12: memref<!tpu.dma_semaphore, #tpu.memory_space<semaphore_mem>>, %arg13: memref<!tpu.dma_semaphore, #tpu.memory_space<semaphore_mem>>, %arg14: memref<!tpu.dma_semaphore, #tpu.memory_space<semaphore_mem>>, %arg15: memref<!tpu.dma_semaphore, #tpu.memory_space<semaphore_mem>>, %arg16: memref<!tpu.dma_semaphore, #tpu.memory_space<semaphore_mem>>, %arg17: memref<10000xi32, #tpu.memory_space<vmem>>, %arg18: memref<40xi32, #tpu.memory_space<vmem>>, %arg19: memref<40xi32, #tpu.memory_space<vmem>>, %arg20: memref<40xi32, #tpu.memory_space<vmem>>, %arg21: memref<40xi32, #tpu.memory_space<vmem>>, %arg22: memref<40xi32, #tpu.memory_space<vmem>>, %arg23: memref<10000x128xf32, #tpu.memory_space<vmem_shared>>) attributes {dimension_semantics = [#tpu.dimension_semantics<core_parallel>, #tpu.dimension_semantics<subcore_parallel>], iteration_bounds = array<i64: 2, 16>, scalar_prefetch = 0 : i64, scratch_operands = 17 : i64, tpu.core_type = #tpu.core_type<sc_vector_subcore>, window_params = [{transform_indices = #map}, {transform_indices = #map1}, {transform_indices = #map1}, {transform_indices = #map}, {transform_indices = #map2}]} {
    %mul3A = arith.constant 16 : i32
    %mul3A_0 = arith.muli %arg0, %mul3A : i32
    %add3A = arith.addi %mul3A_0, %arg1 : i32
    %mul3A_1 = arith.constant 10000 : i32
    %mul3A_2 = arith.muli %add3A, %mul3A_1 : i32
    "tpu.region"() ({
      %run_scoped3A = tpu.sem_alloc : memref<!tpu.dma_semaphore, #tpu.memory_space<semaphore_mem>>
      %dma_start3A_61 = tpu.memref_slice %arg4[%mul3A_2] : memref<320000xi32, #tpu.memory_space<hbm>> -> memref<10000xi32, #tpu.memory_space<hbm>>
      %dma_start3A_62 = tpu.memref_slice %arg4[%mul3A_2] : memref<320000xi32, #tpu.memory_space<hbm>> -> memref<10000xi32, #tpu.memory_space<hbm>>
      tpu.enqueue_dma source(%dma_start3A_62 : memref<10000xi32, #tpu.memory_space<hbm>>) target(%arg17 : memref<10000xi32, #tpu.memory_space<vmem>>) target_semaphore(%run_scoped3A : memref<!tpu.dma_semaphore, #tpu.memory_space<semaphore_mem>>)
      %dma_wait3A = tpu.memref_slice %arg4[%mul3A_2] : memref<320000xi32, #tpu.memory_space<hbm>> -> memref<10000xi32, #tpu.memory_space<hbm>>
      %dma_wait3A_63 = tpu.memref_slice %arg4[%mul3A_2] : memref<320000xi32, #tpu.memory_space<hbm>> -> memref<10000xi32, #tpu.memory_space<hbm>>
      tpu.wait_dma2 semaphore(%run_scoped3A : memref<!tpu.dma_semaphore, #tpu.memory_space<semaphore_mem>>) src(%dma_wait3A_63 : memref<10000xi32, #tpu.memory_space<hbm>>) dst(%arg17 : memref<10000xi32, #tpu.memory_space<vmem>>)
      tpu.yield
    }) : () -> ()
    %add3A_3 = arith.constant 0 : i32
    %add3A_4 = arith.addi %mul3A_2, %add3A_3 : i32
    %dma_start3A = tpu.memref_slice %arg3[%add3A_4] : memref<320000xi32, #tpu.memory_space<hbm>> -> memref<40xi32, #tpu.memory_space<hbm>>
    %dma_start3A_5 = tpu.memref_slice %arg3[%add3A_4] : memref<320000xi32, #tpu.memory_space<hbm>> -> memref<40xi32, #tpu.memory_space<hbm>>
    tpu.enqueue_dma source(%dma_start3A_5 : memref<40xi32, #tpu.memory_space<hbm>>) target(%arg18 : memref<40xi32, #tpu.memory_space<vmem>>) target_semaphore(%arg12 : memref<!tpu.dma_semaphore, #tpu.memory_space<semaphore_mem>>)
    %dma_start3A_6 = arith.constant 0 : i32
    %dma_start3A_7 = tpu.memref_slice %arg17[%dma_start3A_6] : memref<10000xi32, #tpu.memory_space<vmem>> -> memref<40xi32, #tpu.memory_space<vmem>>
    %dma_start3A_8 = arith.constant 0 : i32
    %dma_start3A_9 = arith.constant 0 : i32
    %dma_start3A_10 = tpu.memref_slice %arg2[%dma_start3A_8, %dma_start3A_9] : memref<5000x128xf32, #tpu.memory_space<hbm>> -> memref<5000x128xf32, #tpu.memory_space<hbm>>
    tpu.enqueue_indirect_dma source(%dma_start3A_10 : memref<5000x128xf32, #tpu.memory_space<hbm>>) target(%arg7 : memref<40x128xf32, #tpu.memory_space<vmem>>) offsets(%dma_start3A_7 : memref<40xi32, #tpu.memory_space<vmem>>) semaphore(%arg12 : memref<!tpu.dma_semaphore, #tpu.memory_space<semaphore_mem>>)
    %add3A_11 = arith.constant 40 : i32
    %add3A_12 = arith.addi %mul3A_2, %add3A_11 : i32
    %dma_start3A_13 = tpu.memref_slice %arg3[%add3A_12] : memref<320000xi32, #tpu.memory_space<hbm>> -> memref<40xi32, #tpu.memory_space<hbm>>
    %dma_start3A_14 = tpu.memref_slice %arg3[%add3A_12] : memref<320000xi32, #tpu.memory_space<hbm>> -> memref<40xi32, #tpu.memory_space<hbm>>
    tpu.enqueue_dma source(%dma_start3A_14 : memref<40xi32, #tpu.memory_space<hbm>>) target(%arg19 : memref<40xi32, #tpu.memory_space<vmem>>) target_semaphore(%arg13 : memref<!tpu.dma_semaphore, #tpu.memory_space<semaphore_mem>>)
    %dma_start3A_15 = arith.constant 40 : i32
    %dma_start3A_16 = tpu.memref_slice %arg17[%dma_start3A_15] : memref<10000xi32, #tpu.memory_space<vmem>> -> memref<40xi32, #tpu.memory_space<vmem>>
    %dma_start3A_17 = arith.constant 0 : i32
    %dma_start3A_18 = arith.constant 0 : i32
    %dma_start3A_19 = tpu.memref_slice %arg2[%dma_start3A_17, %dma_start3A_18] : memref<5000x128xf32, #tpu.memory_space<hbm>> -> memref<5000x128xf32, #tpu.memory_space<hbm>>
    tpu.enqueue_indirect_dma source(%dma_start3A_19 : memref<5000x128xf32, #tpu.memory_space<hbm>>) target(%arg8 : memref<40x128xf32, #tpu.memory_space<vmem>>) offsets(%dma_start3A_16 : memref<40xi32, #tpu.memory_space<vmem>>) semaphore(%arg13 : memref<!tpu.dma_semaphore, #tpu.memory_space<semaphore_mem>>)
    %add3A_20 = arith.constant 80 : i32
    %add3A_21 = arith.addi %mul3A_2, %add3A_20 : i32
    %dma_start3A_22 = tpu.memref_slice %arg3[%add3A_21] : memref<320000xi32, #tpu.memory_space<hbm>> -> memref<40xi32, #tpu.memory_space<hbm>>
    %dma_start3A_23 = tpu.memref_slice %arg3[%add3A_21] : memref<320000xi32, #tpu.memory_space<hbm>> -> memref<40xi32, #tpu.memory_space<hbm>>
    tpu.enqueue_dma source(%dma_start3A_23 : memref<40xi32, #tpu.memory_space<hbm>>) target(%arg20 : memref<40xi32, #tpu.memory_space<vmem>>) target_semaphore(%arg14 : memref<!tpu.dma_semaphore, #tpu.memory_space<semaphore_mem>>)
    %dma_start3A_24 = arith.constant 80 : i32
    %dma_start3A_25 = tpu.memref_slice %arg17[%dma_start3A_24] : memref<10000xi32, #tpu.memory_space<vmem>> -> memref<40xi32, #tpu.memory_space<vmem>>
    %dma_start3A_26 = arith.constant 0 : i32
    %dma_start3A_27 = arith.constant 0 : i32
    %dma_start3A_28 = tpu.memref_slice %arg2[%dma_start3A_26, %dma_start3A_27] : memref<5000x128xf32, #tpu.memory_space<hbm>> -> memref<5000x128xf32, #tpu.memory_space<hbm>>
    tpu.enqueue_indirect_dma source(%dma_start3A_28 : memref<5000x128xf32, #tpu.memory_space<hbm>>) target(%arg9 : memref<40x128xf32, #tpu.memory_space<vmem>>) offsets(%dma_start3A_25 : memref<40xi32, #tpu.memory_space<vmem>>) semaphore(%arg14 : memref<!tpu.dma_semaphore, #tpu.memory_space<semaphore_mem>>)
    %add3A_29 = arith.constant 120 : i32
    %add3A_30 = arith.addi %mul3A_2, %add3A_29 : i32
    %dma_start3A_31 = tpu.memref_slice %arg3[%add3A_30] : memref<320000xi32, #tpu.memory_space<hbm>> -> memref<40xi32, #tpu.memory_space<hbm>>
    %dma_start3A_32 = tpu.memref_slice %arg3[%add3A_30] : memref<320000xi32, #tpu.memory_space<hbm>> -> memref<40xi32, #tpu.memory_space<hbm>>
    tpu.enqueue_dma source(%dma_start3A_32 : memref<40xi32, #tpu.memory_space<hbm>>) target(%arg21 : memref<40xi32, #tpu.memory_space<vmem>>) target_semaphore(%arg15 : memref<!tpu.dma_semaphore, #tpu.memory_space<semaphore_mem>>)
    %dma_start3A_33 = arith.constant 120 : i32
    %dma_start3A_34 = tpu.memref_slice %arg17[%dma_start3A_33] : memref<10000xi32, #tpu.memory_space<vmem>> -> memref<40xi32, #tpu.memory_space<vmem>>
    %dma_start3A_35 = arith.constant 0 : i32
    %dma_start3A_36 = arith.constant 0 : i32
    %dma_start3A_37 = tpu.memref_slice %arg2[%dma_start3A_35, %dma_start3A_36] : memref<5000x128xf32, #tpu.memory_space<hbm>> -> memref<5000x128xf32, #tpu.memory_space<hbm>>
    tpu.enqueue_indirect_dma source(%dma_start3A_37 : memref<5000x128xf32, #tpu.memory_space<hbm>>) target(%arg10 : memref<40x128xf32, #tpu.memory_space<vmem>>) offsets(%dma_start3A_34 : memref<40xi32, #tpu.memory_space<vmem>>) semaphore(%arg15 : memref<!tpu.dma_semaphore, #tpu.memory_space<semaphore_mem>>)
    %add3A_38 = arith.constant 160 : i32
    %add3A_39 = arith.addi %mul3A_2, %add3A_38 : i32
    %dma_start3A_40 = tpu.memref_slice %arg3[%add3A_39] : memref<320000xi32, #tpu.memory_space<hbm>> -> memref<40xi32, #tpu.memory_space<hbm>>
    %dma_start3A_41 = tpu.memref_slice %arg3[%add3A_39] : memref<320000xi32, #tpu.memory_space<hbm>> -> memref<40xi32, #tpu.memory_space<hbm>>
    tpu.enqueue_dma source(%dma_start3A_41 : memref<40xi32, #tpu.memory_space<hbm>>) target(%arg22 : memref<40xi32, #tpu.memory_space<vmem>>) target_semaphore(%arg16 : memref<!tpu.dma_semaphore, #tpu.memory_space<semaphore_mem>>)
    %dma_start3A_42 = arith.constant 160 : i32
    %dma_start3A_43 = tpu.memref_slice %arg17[%dma_start3A_42] : memref<10000xi32, #tpu.memory_space<vmem>> -> memref<40xi32, #tpu.memory_space<vmem>>
    %dma_start3A_44 = arith.constant 0 : i32
    %dma_start3A_45 = arith.constant 0 : i32
    %dma_start3A_46 = tpu.memref_slice %arg2[%dma_start3A_44, %dma_start3A_45] : memref<5000x128xf32, #tpu.memory_space<hbm>> -> memref<5000x128xf32, #tpu.memory_space<hbm>>
    tpu.enqueue_indirect_dma source(%dma_start3A_46 : memref<5000x128xf32, #tpu.memory_space<hbm>>) target(%arg11 : memref<40x128xf32, #tpu.memory_space<vmem>>) offsets(%dma_start3A_43 : memref<40xi32, #tpu.memory_space<vmem>>) semaphore(%arg16 : memref<!tpu.dma_semaphore, #tpu.memory_space<semaphore_mem>>)
    %eq3A = arith.constant 0 : i32
    %eq3A_47 = arith.cmpi eq, %arg1, %eq3A : i32
    %convert_element_type3A = arith.extui %eq3A_47 : i1 to i32
    %cond3A = arith.constant 0 : i32
    %cond3A_48 = arith.cmpi ne, %convert_element_type3A, %cond3A : i32
    scf.if %cond3A_48 {
      "tpu.region"() ({
        %run_scoped3A = tpu.sem_alloc : memref<!tpu.dma_semaphore, #tpu.memory_space<semaphore_mem>>
        tpu.enqueue_dma source(%arg5 : memref<10000x128xf32, #tpu.memory_space<hbm>>) target(%arg23 : memref<10000x128xf32, #tpu.memory_space<vmem_shared>>) target_semaphore(%run_scoped3A : memref<!tpu.dma_semaphore, #tpu.memory_space<semaphore_mem>>)
        tpu.wait_dma2 semaphore(%run_scoped3A : memref<!tpu.dma_semaphore, #tpu.memory_space<semaphore_mem>>) src(%arg5 : memref<10000x128xf32, #tpu.memory_space<hbm>>) dst(%arg23 : memref<10000x128xf32, #tpu.memory_space<vmem_shared>>)
        tpu.yield
      }) : () -> ()
    } else {
    }
    %barrier3A = arith.constant 0 : index
    tpu.barrier barrier_id(%barrier3A)
    %scan3A = arith.constant 0 : i32
    %scan3A_49 = arith.constant 0 : i32
    %scan3A_50 = arith.constant 50 : i32
    %scan3A_51 = arith.addi %scan3A_49, %scan3A_50 : i32
    %scan3A_52 = arith.constant 1 : i32
    %scan3A_53 = scf.for %scan3A_61 = %scan3A_49 to %scan3A_51 step %scan3A_52 iter_args(%scan3A_62 = %scan3A) -> (i32)  : i32 {
      %mul3A_63 = arith.constant 5 : i32
      %mul3A_64 = arith.muli %scan3A_61, %mul3A_63 : i32
      %add3A_65 = arith.constant 0 : i32
      %add3A_66 = arith.addi %mul3A_64, %add3A_65 : i32
      %dma_wait3A = tpu.memref_slice %arg3[%mul3A_2] : memref<320000xi32, #tpu.memory_space<hbm>> -> memref<40xi32, #tpu.memory_space<hbm>>
      %dma_wait3A_67 = tpu.memref_slice %arg3[%mul3A_2] : memref<320000xi32, #tpu.memory_space<hbm>> -> memref<40xi32, #tpu.memory_space<hbm>>
      tpu.wait_dma2 semaphore(%arg12 : memref<!tpu.dma_semaphore, #tpu.memory_space<semaphore_mem>>) src(%dma_wait3A_67 : memref<40xi32, #tpu.memory_space<hbm>>) dst(%arg18 : memref<40xi32, #tpu.memory_space<vmem>>)
      %dma_wait3A_68 = arith.constant 0 : i32
      %dma_wait3A_69 = tpu.memref_slice %arg17[%dma_wait3A_68] : memref<10000xi32, #tpu.memory_space<vmem>> -> memref<40xi32, #tpu.memory_space<vmem>>
      %dma_wait3A_70 = arith.constant 0 : i32
      %dma_wait3A_71 = arith.constant 0 : i32
      %dma_wait3A_72 = tpu.memref_slice %arg2[%dma_wait3A_70, %dma_wait3A_71] : memref<5000x128xf32, #tpu.memory_space<hbm>> -> memref<5000x128xf32, #tpu.memory_space<hbm>>
      tpu.wait_indirect_dma semaphore(%arg12 : memref<!tpu.dma_semaphore, #tpu.memory_space<semaphore_mem>>) src(%dma_wait3A_72 : memref<5000x128xf32, #tpu.memory_space<hbm>>) dst(%arg7 : memref<40x128xf32, #tpu.memory_space<vmem>>)
      "tpu.region"() ({
        %run_scoped3A = tpu.sem_alloc : memref<!tpu.dma_semaphore, #tpu.memory_space<semaphore_mem>>
        %dma_start3A_144 = arith.constant 0 : i32
        %dma_start3A_145 = arith.constant 0 : i32
        %dma_start3A_146 = tpu.memref_slice %arg23[%dma_start3A_144, %dma_start3A_145] : memref<10000x128xf32, #tpu.memory_space<vmem_shared>> -> memref<10000x128xf32, #tpu.memory_space<vmem_shared>>
        tpu.enqueue_indirect_dma source(%arg7 : memref<40x128xf32, #tpu.memory_space<vmem>>) target(%dma_start3A_146 : memref<10000x128xf32, #tpu.memory_space<vmem_shared>>) offsets(%arg18 : memref<40xi32, #tpu.memory_space<vmem>>) semaphore(%run_scoped3A : memref<!tpu.dma_semaphore, #tpu.memory_space<semaphore_mem>>) {add = true}
        %dma_wait3A_147 = arith.constant 0 : i32
        %dma_wait3A_148 = arith.constant 0 : i32
        %dma_wait3A_149 = tpu.memref_slice %arg23[%dma_wait3A_147, %dma_wait3A_148] : memref<10000x128xf32, #tpu.memory_space<vmem_shared>> -> memref<10000x128xf32, #tpu.memory_space<vmem_shared>>
        tpu.wait_indirect_dma semaphore(%run_scoped3A : memref<!tpu.dma_semaphore, #tpu.memory_space<semaphore_mem>>) src(%arg7 : memref<40x128xf32, #tpu.memory_space<vmem>>) dst(%dma_wait3A_149 : memref<10000x128xf32, #tpu.memory_space<vmem_shared>>)
        tpu.yield
      }) : () -> ()
      %add3A_73 = arith.constant 5 : i32
      %add3A_74 = arith.addi %add3A_66, %add3A_73 : i32
      %lt3A = arith.constant 250 : i32
      %lt3A_75 = arith.cmpi slt, %add3A_74, %lt3A : i32
      %convert_element_type3A_76 = arith.extui %lt3A_75 : i1 to i32
      %cond3A_77 = arith.constant 0 : i32
      %cond3A_78 = arith.cmpi ne, %convert_element_type3A_76, %cond3A_77 : i32
      scf.if %cond3A_78 {
        %add3A_144 = arith.constant 5 : i32
        %add3A_145 = arith.addi %add3A_66, %add3A_144 : i32
        %mul3A_146 = arith.constant 40 : i32
        %mul3A_147 = arith.muli %add3A_145, %mul3A_146 : i32
        %add3A_148 = arith.addi %mul3A_2, %mul3A_147 : i32
        %dma_start3A_149 = tpu.memref_slice %arg3[%add3A_148] : memref<320000xi32, #tpu.memory_space<hbm>> -> memref<40xi32, #tpu.memory_space<hbm>>
        %dma_start3A_150 = tpu.memref_slice %arg3[%add3A_148] : memref<320000xi32, #tpu.memory_space<hbm>> -> memref<40xi32, #tpu.memory_space<hbm>>
        tpu.enqueue_dma source(%dma_start3A_150 : memref<40xi32, #tpu.memory_space<hbm>>) target(%arg18 : memref<40xi32, #tpu.memory_space<vmem>>) target_semaphore(%arg12 : memref<!tpu.dma_semaphore, #tpu.memory_space<semaphore_mem>>)
        %add3A_151 = arith.constant 5 : i32
        %add3A_152 = arith.addi %add3A_66, %add3A_151 : i32
        %mul3A_153 = arith.constant 40 : i32
        %mul3A_154 = arith.muli %add3A_152, %mul3A_153 : i32
        %dma_start3A_155 = tpu.memref_slice %arg17[%mul3A_154] : memref<10000xi32, #tpu.memory_space<vmem>> -> memref<40xi32, #tpu.memory_space<vmem>>
        %dma_start3A_156 = arith.constant 0 : i32
        %dma_start3A_157 = arith.constant 0 : i32
        %dma_start3A_158 = tpu.memref_slice %arg2[%dma_start3A_156, %dma_start3A_157] : memref<5000x128xf32, #tpu.memory_space<hbm>> -> memref<5000x128xf32, #tpu.memory_space<hbm>>
        tpu.enqueue_indirect_dma source(%dma_start3A_158 : memref<5000x128xf32, #tpu.memory_space<hbm>>) target(%arg7 : memref<40x128xf32, #tpu.memory_space<vmem>>) offsets(%dma_start3A_155 : memref<40xi32, #tpu.memory_space<vmem>>) semaphore(%arg12 : memref<!tpu.dma_semaphore, #tpu.memory_space<semaphore_mem>>)
      } else {
      }
      %add3A_79 = arith.constant 1 : i32
      %add3A_80 = arith.addi %mul3A_64, %add3A_79 : i32
      %dma_wait3A_81 = tpu.memref_slice %arg3[%mul3A_2] : memref<320000xi32, #tpu.memory_space<hbm>> -> memref<40xi32, #tpu.memory_space<hbm>>
      %dma_wait3A_82 = tpu.memref_slice %arg3[%mul3A_2] : memref<320000xi32, #tpu.memory_space<hbm>> -> memref<40xi32, #tpu.memory_space<hbm>>
      tpu.wait_dma2 semaphore(%arg13 : memref<!tpu.dma_semaphore, #tpu.memory_space<semaphore_mem>>) src(%dma_wait3A_82 : memref<40xi32, #tpu.memory_space<hbm>>) dst(%arg19 : memref<40xi32, #tpu.memory_space<vmem>>)
      %dma_wait3A_83 = arith.constant 0 : i32
      %dma_wait3A_84 = tpu.memref_slice %arg17[%dma_wait3A_83] : memref<10000xi32, #tpu.memory_space<vmem>> -> memref<40xi32, #tpu.memory_space<vmem>>
      %dma_wait3A_85 = arith.constant 0 : i32
      %dma_wait3A_86 = arith.constant 0 : i32
      %dma_wait3A_87 = tpu.memref_slice %arg2[%dma_wait3A_85, %dma_wait3A_86] : memref<5000x128xf32, #tpu.memory_space<hbm>> -> memref<5000x128xf32, #tpu.memory_space<hbm>>
      tpu.wait_indirect_dma semaphore(%arg13 : memref<!tpu.dma_semaphore, #tpu.memory_space<semaphore_mem>>) src(%dma_wait3A_87 : memref<5000x128xf32, #tpu.memory_space<hbm>>) dst(%arg8 : memref<40x128xf32, #tpu.memory_space<vmem>>)
      "tpu.region"() ({
        %run_scoped3A = tpu.sem_alloc : memref<!tpu.dma_semaphore, #tpu.memory_space<semaphore_mem>>
        %dma_start3A_144 = arith.constant 0 : i32
        %dma_start3A_145 = arith.constant 0 : i32
        %dma_start3A_146 = tpu.memref_slice %arg23[%dma_start3A_144, %dma_start3A_145] : memref<10000x128xf32, #tpu.memory_space<vmem_shared>> -> memref<10000x128xf32, #tpu.memory_space<vmem_shared>>
        tpu.enqueue_indirect_dma source(%arg8 : memref<40x128xf32, #tpu.memory_space<vmem>>) target(%dma_start3A_146 : memref<10000x128xf32, #tpu.memory_space<vmem_shared>>) offsets(%arg19 : memref<40xi32, #tpu.memory_space<vmem>>) semaphore(%run_scoped3A : memref<!tpu.dma_semaphore, #tpu.memory_space<semaphore_mem>>) {add = true}
        %dma_wait3A_147 = arith.constant 0 : i32
        %dma_wait3A_148 = arith.constant 0 : i32
        %dma_wait3A_149 = tpu.memref_slice %arg23[%dma_wait3A_147, %dma_wait3A_148] : memref<10000x128xf32, #tpu.memory_space<vmem_shared>> -> memref<10000x128xf32, #tpu.memory_space<vmem_shared>>
        tpu.wait_indirect_dma semaphore(%run_scoped3A : memref<!tpu.dma_semaphore, #tpu.memory_space<semaphore_mem>>) src(%arg8 : memref<40x128xf32, #tpu.memory_space<vmem>>) dst(%dma_wait3A_149 : memref<10000x128xf32, #tpu.memory_space<vmem_shared>>)
        tpu.yield
      }) : () -> ()
      %add3A_88 = arith.constant 5 : i32
      %add3A_89 = arith.addi %add3A_80, %add3A_88 : i32
      %lt3A_90 = arith.constant 250 : i32
      %lt3A_91 = arith.cmpi slt, %add3A_89, %lt3A_90 : i32
      %convert_element_type3A_92 = arith.extui %lt3A_91 : i1 to i32
      %cond3A_93 = arith.constant 0 : i32
      %cond3A_94 = arith.cmpi ne, %convert_element_type3A_92, %cond3A_93 : i32
      scf.if %cond3A_94 {
        %add3A_144 = arith.constant 5 : i32
        %add3A_145 = arith.addi %add3A_80, %add3A_144 : i32
        %mul3A_146 = arith.constant 40 : i32
        %mul3A_147 = arith.muli %add3A_145, %mul3A_146 : i32
        %add3A_148 = arith.addi %mul3A_2, %mul3A_147 : i32
        %dma_start3A_149 = tpu.memref_slice %arg3[%add3A_148] : memref<320000xi32, #tpu.memory_space<hbm>> -> memref<40xi32, #tpu.memory_space<hbm>>
        %dma_start3A_150 = tpu.memref_slice %arg3[%add3A_148] : memref<320000xi32, #tpu.memory_space<hbm>> -> memref<40xi32, #tpu.memory_space<hbm>>
        tpu.enqueue_dma source(%dma_start3A_150 : memref<40xi32, #tpu.memory_space<hbm>>) target(%arg19 : memref<40xi32, #tpu.memory_space<vmem>>) target_semaphore(%arg13 : memref<!tpu.dma_semaphore, #tpu.memory_space<semaphore_mem>>)
        %add3A_151 = arith.constant 5 : i32
        %add3A_152 = arith.addi %add3A_80, %add3A_151 : i32
        %mul3A_153 = arith.constant 40 : i32
        %mul3A_154 = arith.muli %add3A_152, %mul3A_153 : i32
        %dma_start3A_155 = tpu.memref_slice %arg17[%mul3A_154] : memref<10000xi32, #tpu.memory_space<vmem>> -> memref<40xi32, #tpu.memory_space<vmem>>
        %dma_start3A_156 = arith.constant 0 : i32
        %dma_start3A_157 = arith.constant 0 : i32
        %dma_start3A_158 = tpu.memref_slice %arg2[%dma_start3A_156, %dma_start3A_157] : memref<5000x128xf32, #tpu.memory_space<hbm>> -> memref<5000x128xf32, #tpu.memory_space<hbm>>
        tpu.enqueue_indirect_dma source(%dma_start3A_158 : memref<5000x128xf32, #tpu.memory_space<hbm>>) target(%arg8 : memref<40x128xf32, #tpu.memory_space<vmem>>) offsets(%dma_start3A_155 : memref<40xi32, #tpu.memory_space<vmem>>) semaphore(%arg13 : memref<!tpu.dma_semaphore, #tpu.memory_space<semaphore_mem>>)
      } else {
      }
      %add3A_95 = arith.constant 2 : i32
      %add3A_96 = arith.addi %mul3A_64, %add3A_95 : i32
      %dma_wait3A_97 = tpu.memref_slice %arg3[%mul3A_2] : memref<320000xi32, #tpu.memory_space<hbm>> -> memref<40xi32, #tpu.memory_space<hbm>>
      %dma_wait3A_98 = tpu.memref_slice %arg3[%mul3A_2] : memref<320000xi32, #tpu.memory_space<hbm>> -> memref<40xi32, #tpu.memory_space<hbm>>
      tpu.wait_dma2 semaphore(%arg14 : memref<!tpu.dma_semaphore, #tpu.memory_space<semaphore_mem>>) src(%dma_wait3A_98 : memref<40xi32, #tpu.memory_space<hbm>>) dst(%arg20 : memref<40xi32, #tpu.memory_space<vmem>>)
      %dma_wait3A_99 = arith.constant 0 : i32
      %dma_wait3A_100 = tpu.memref_slice %arg17[%dma_wait3A_99] : memref<10000xi32, #tpu.memory_space<vmem>> -> memref<40xi32, #tpu.memory_space<vmem>>
      %dma_wait3A_101 = arith.constant 0 : i32
      %dma_wait3A_102 = arith.constant 0 : i32
      %dma_wait3A_103 = tpu.memref_slice %arg2[%dma_wait3A_101, %dma_wait3A_102] : memref<5000x128xf32, #tpu.memory_space<hbm>> -> memref<5000x128xf32, #tpu.memory_space<hbm>>
      tpu.wait_indirect_dma semaphore(%arg14 : memref<!tpu.dma_semaphore, #tpu.memory_space<semaphore_mem>>) src(%dma_wait3A_103 : memref<5000x128xf32, #tpu.memory_space<hbm>>) dst(%arg9 : memref<40x128xf32, #tpu.memory_space<vmem>>)
      "tpu.region"() ({
        %run_scoped3A = tpu.sem_alloc : memref<!tpu.dma_semaphore, #tpu.memory_space<semaphore_mem>>
        %dma_start3A_144 = arith.constant 0 : i32
        %dma_start3A_145 = arith.constant 0 : i32
        %dma_start3A_146 = tpu.memref_slice %arg23[%dma_start3A_144, %dma_start3A_145] : memref<10000x128xf32, #tpu.memory_space<vmem_shared>> -> memref<10000x128xf32, #tpu.memory_space<vmem_shared>>
        tpu.enqueue_indirect_dma source(%arg9 : memref<40x128xf32, #tpu.memory_space<vmem>>) target(%dma_start3A_146 : memref<10000x128xf32, #tpu.memory_space<vmem_shared>>) offsets(%arg20 : memref<40xi32, #tpu.memory_space<vmem>>) semaphore(%run_scoped3A : memref<!tpu.dma_semaphore, #tpu.memory_space<semaphore_mem>>) {add = true}
        %dma_wait3A_147 = arith.constant 0 : i32
        %dma_wait3A_148 = arith.constant 0 : i32
        %dma_wait3A_149 = tpu.memref_slice %arg23[%dma_wait3A_147, %dma_wait3A_148] : memref<10000x128xf32, #tpu.memory_space<vmem_shared>> -> memref<10000x128xf32, #tpu.memory_space<vmem_shared>>
        tpu.wait_indirect_dma semaphore(%run_scoped3A : memref<!tpu.dma_semaphore, #tpu.memory_space<semaphore_mem>>) src(%arg9 : memref<40x128xf32, #tpu.memory_space<vmem>>) dst(%dma_wait3A_149 : memref<10000x128xf32, #tpu.memory_space<vmem_shared>>)
        tpu.yield
      }) : () -> ()
      %add3A_104 = arith.constant 5 : i32
      %add3A_105 = arith.addi %add3A_96, %add3A_104 : i32
      %lt3A_106 = arith.constant 250 : i32
      %lt3A_107 = arith.cmpi slt, %add3A_105, %lt3A_106 : i32
      %convert_element_type3A_108 = arith.extui %lt3A_107 : i1 to i32
      %cond3A_109 = arith.constant 0 : i32
      %cond3A_110 = arith.cmpi ne, %convert_element_type3A_108, %cond3A_109 : i32
      scf.if %cond3A_110 {
        %add3A_144 = arith.constant 5 : i32
        %add3A_145 = arith.addi %add3A_96, %add3A_144 : i32
        %mul3A_146 = arith.constant 40 : i32
        %mul3A_147 = arith.muli %add3A_145, %mul3A_146 : i32
        %add3A_148 = arith.addi %mul3A_2, %mul3A_147 : i32
        %dma_start3A_149 = tpu.memref_slice %arg3[%add3A_148] : memref<320000xi32, #tpu.memory_space<hbm>> -> memref<40xi32, #tpu.memory_space<hbm>>
        %dma_start3A_150 = tpu.memref_slice %arg3[%add3A_148] : memref<320000xi32, #tpu.memory_space<hbm>> -> memref<40xi32, #tpu.memory_space<hbm>>
        tpu.enqueue_dma source(%dma_start3A_150 : memref<40xi32, #tpu.memory_space<hbm>>) target(%arg20 : memref<40xi32, #tpu.memory_space<vmem>>) target_semaphore(%arg14 : memref<!tpu.dma_semaphore, #tpu.memory_space<semaphore_mem>>)
        %add3A_151 = arith.constant 5 : i32
        %add3A_152 = arith.addi %add3A_96, %add3A_151 : i32
        %mul3A_153 = arith.constant 40 : i32
        %mul3A_154 = arith.muli %add3A_152, %mul3A_153 : i32
        %dma_start3A_155 = tpu.memref_slice %arg17[%mul3A_154] : memref<10000xi32, #tpu.memory_space<vmem>> -> memref<40xi32, #tpu.memory_space<vmem>>
        %dma_start3A_156 = arith.constant 0 : i32
        %dma_start3A_157 = arith.constant 0 : i32
        %dma_start3A_158 = tpu.memref_slice %arg2[%dma_start3A_156, %dma_start3A_157] : memref<5000x128xf32, #tpu.memory_space<hbm>> -> memref<5000x128xf32, #tpu.memory_space<hbm>>
        tpu.enqueue_indirect_dma source(%dma_start3A_158 : memref<5000x128xf32, #tpu.memory_space<hbm>>) target(%arg9 : memref<40x128xf32, #tpu.memory_space<vmem>>) offsets(%dma_start3A_155 : memref<40xi32, #tpu.memory_space<vmem>>) semaphore(%arg14 : memref<!tpu.dma_semaphore, #tpu.memory_space<semaphore_mem>>)
      } else {
      }
      %add3A_111 = arith.constant 3 : i32
      %add3A_112 = arith.addi %mul3A_64, %add3A_111 : i32
      %dma_wait3A_113 = tpu.memref_slice %arg3[%mul3A_2] : memref<320000xi32, #tpu.memory_space<hbm>> -> memref<40xi32, #tpu.memory_space<hbm>>
      %dma_wait3A_114 = tpu.memref_slice %arg3[%mul3A_2] : memref<320000xi32, #tpu.memory_space<hbm>> -> memref<40xi32, #tpu.memory_space<hbm>>
      tpu.wait_dma2 semaphore(%arg15 : memref<!tpu.dma_semaphore, #tpu.memory_space<semaphore_mem>>) src(%dma_wait3A_114 : memref<40xi32, #tpu.memory_space<hbm>>) dst(%arg21 : memref<40xi32, #tpu.memory_space<vmem>>)
      %dma_wait3A_115 = arith.constant 0 : i32
      %dma_wait3A_116 = tpu.memref_slice %arg17[%dma_wait3A_115] : memref<10000xi32, #tpu.memory_space<vmem>> -> memref<40xi32, #tpu.memory_space<vmem>>
      %dma_wait3A_117 = arith.constant 0 : i32
      %dma_wait3A_118 = arith.constant 0 : i32
      %dma_wait3A_119 = tpu.memref_slice %arg2[%dma_wait3A_117, %dma_wait3A_118] : memref<5000x128xf32, #tpu.memory_space<hbm>> -> memref<5000x128xf32, #tpu.memory_space<hbm>>
      tpu.wait_indirect_dma semaphore(%arg15 : memref<!tpu.dma_semaphore, #tpu.memory_space<semaphore_mem>>) src(%dma_wait3A_119 : memref<5000x128xf32, #tpu.memory_space<hbm>>) dst(%arg10 : memref<40x128xf32, #tpu.memory_space<vmem>>)
      "tpu.region"() ({
        %run_scoped3A = tpu.sem_alloc : memref<!tpu.dma_semaphore, #tpu.memory_space<semaphore_mem>>
        %dma_start3A_144 = arith.constant 0 : i32
        %dma_start3A_145 = arith.constant 0 : i32
        %dma_start3A_146 = tpu.memref_slice %arg23[%dma_start3A_144, %dma_start3A_145] : memref<10000x128xf32, #tpu.memory_space<vmem_shared>> -> memref<10000x128xf32, #tpu.memory_space<vmem_shared>>
        tpu.enqueue_indirect_dma source(%arg10 : memref<40x128xf32, #tpu.memory_space<vmem>>) target(%dma_start3A_146 : memref<10000x128xf32, #tpu.memory_space<vmem_shared>>) offsets(%arg21 : memref<40xi32, #tpu.memory_space<vmem>>) semaphore(%run_scoped3A : memref<!tpu.dma_semaphore, #tpu.memory_space<semaphore_mem>>) {add = true}
        %dma_wait3A_147 = arith.constant 0 : i32
        %dma_wait3A_148 = arith.constant 0 : i32
        %dma_wait3A_149 = tpu.memref_slice %arg23[%dma_wait3A_147, %dma_wait3A_148] : memref<10000x128xf32, #tpu.memory_space<vmem_shared>> -> memref<10000x128xf32, #tpu.memory_space<vmem_shared>>
        tpu.wait_indirect_dma semaphore(%run_scoped3A : memref<!tpu.dma_semaphore, #tpu.memory_space<semaphore_mem>>) src(%arg10 : memref<40x128xf32, #tpu.memory_space<vmem>>) dst(%dma_wait3A_149 : memref<10000x128xf32, #tpu.memory_space<vmem_shared>>)
        tpu.yield
      }) : () -> ()
      %add3A_120 = arith.constant 5 : i32
      %add3A_121 = arith.addi %add3A_112, %add3A_120 : i32
      %lt3A_122 = arith.constant 250 : i32
      %lt3A_123 = arith.cmpi slt, %add3A_121, %lt3A_122 : i32
      %convert_element_type3A_124 = arith.extui %lt3A_123 : i1 to i32
      %cond3A_125 = arith.constant 0 : i32
      %cond3A_126 = arith.cmpi ne, %convert_element_type3A_124, %cond3A_125 : i32
      scf.if %cond3A_126 {
        %add3A_144 = arith.constant 5 : i32
        %add3A_145 = arith.addi %add3A_112, %add3A_144 : i32
        %mul3A_146 = arith.constant 40 : i32
        %mul3A_147 = arith.muli %add3A_145, %mul3A_146 : i32
        %add3A_148 = arith.addi %mul3A_2, %mul3A_147 : i32
        %dma_start3A_149 = tpu.memref_slice %arg3[%add3A_148] : memref<320000xi32, #tpu.memory_space<hbm>> -> memref<40xi32, #tpu.memory_space<hbm>>
        %dma_start3A_150 = tpu.memref_slice %arg3[%add3A_148] : memref<320000xi32, #tpu.memory_space<hbm>> -> memref<40xi32, #tpu.memory_space<hbm>>
        tpu.enqueue_dma source(%dma_start3A_150 : memref<40xi32, #tpu.memory_space<hbm>>) target(%arg21 : memref<40xi32, #tpu.memory_space<vmem>>) target_semaphore(%arg15 : memref<!tpu.dma_semaphore, #tpu.memory_space<semaphore_mem>>)
        %add3A_151 = arith.constant 5 : i32
        %add3A_152 = arith.addi %add3A_112, %add3A_151 : i32
        %mul3A_153 = arith.constant 40 : i32
        %mul3A_154 = arith.muli %add3A_152, %mul3A_153 : i32
        %dma_start3A_155 = tpu.memref_slice %arg17[%mul3A_154] : memref<10000xi32, #tpu.memory_space<vmem>> -> memref<40xi32, #tpu.memory_space<vmem>>
        %dma_start3A_156 = arith.constant 0 : i32
        %dma_start3A_157 = arith.constant 0 : i32
        %dma_start3A_158 = tpu.memref_slice %arg2[%dma_start3A_156, %dma_start3A_157] : memref<5000x128xf32, #tpu.memory_space<hbm>> -> memref<5000x128xf32, #tpu.memory_space<hbm>>
        tpu.enqueue_indirect_dma source(%dma_start3A_158 : memref<5000x128xf32, #tpu.memory_space<hbm>>) target(%arg10 : memref<40x128xf32, #tpu.memory_space<vmem>>) offsets(%dma_start3A_155 : memref<40xi32, #tpu.memory_space<vmem>>) semaphore(%arg15 : memref<!tpu.dma_semaphore, #tpu.memory_space<semaphore_mem>>)
      } else {
      }
      %add3A_127 = arith.constant 4 : i32
      %add3A_128 = arith.addi %mul3A_64, %add3A_127 : i32
      %dma_wait3A_129 = tpu.memref_slice %arg3[%mul3A_2] : memref<320000xi32, #tpu.memory_space<hbm>> -> memref<40xi32, #tpu.memory_space<hbm>>
      %dma_wait3A_130 = tpu.memref_slice %arg3[%mul3A_2] : memref<320000xi32, #tpu.memory_space<hbm>> -> memref<40xi32, #tpu.memory_space<hbm>>
      tpu.wait_dma2 semaphore(%arg16 : memref<!tpu.dma_semaphore, #tpu.memory_space<semaphore_mem>>) src(%dma_wait3A_130 : memref<40xi32, #tpu.memory_space<hbm>>) dst(%arg22 : memref<40xi32, #tpu.memory_space<vmem>>)
      %dma_wait3A_131 = arith.constant 0 : i32
      %dma_wait3A_132 = tpu.memref_slice %arg17[%dma_wait3A_131] : memref<10000xi32, #tpu.memory_space<vmem>> -> memref<40xi32, #tpu.memory_space<vmem>>
      %dma_wait3A_133 = arith.constant 0 : i32
      %dma_wait3A_134 = arith.constant 0 : i32
      %dma_wait3A_135 = tpu.memref_slice %arg2[%dma_wait3A_133, %dma_wait3A_134] : memref<5000x128xf32, #tpu.memory_space<hbm>> -> memref<5000x128xf32, #tpu.memory_space<hbm>>
      tpu.wait_indirect_dma semaphore(%arg16 : memref<!tpu.dma_semaphore, #tpu.memory_space<semaphore_mem>>) src(%dma_wait3A_135 : memref<5000x128xf32, #tpu.memory_space<hbm>>) dst(%arg11 : memref<40x128xf32, #tpu.memory_space<vmem>>)
      "tpu.region"() ({
        %run_scoped3A = tpu.sem_alloc : memref<!tpu.dma_semaphore, #tpu.memory_space<semaphore_mem>>
        %dma_start3A_144 = arith.constant 0 : i32
        %dma_start3A_145 = arith.constant 0 : i32
        %dma_start3A_146 = tpu.memref_slice %arg23[%dma_start3A_144, %dma_start3A_145] : memref<10000x128xf32, #tpu.memory_space<vmem_shared>> -> memref<10000x128xf32, #tpu.memory_space<vmem_shared>>
        tpu.enqueue_indirect_dma source(%arg11 : memref<40x128xf32, #tpu.memory_space<vmem>>) target(%dma_start3A_146 : memref<10000x128xf32, #tpu.memory_space<vmem_shared>>) offsets(%arg22 : memref<40xi32, #tpu.memory_space<vmem>>) semaphore(%run_scoped3A : memref<!tpu.dma_semaphore, #tpu.memory_space<semaphore_mem>>) {add = true}
        %dma_wait3A_147 = arith.constant 0 : i32
        %dma_wait3A_148 = arith.constant 0 : i32
        %dma_wait3A_149 = tpu.memref_slice %arg23[%dma_wait3A_147, %dma_wait3A_148] : memref<10000x128xf32, #tpu.memory_space<vmem_shared>> -> memref<10000x128xf32, #tpu.memory_space<vmem_shared>>
        tpu.wait_indirect_dma semaphore(%run_scoped3A : memref<!tpu.dma_semaphore, #tpu.memory_space<semaphore_mem>>) src(%arg11 : memref<40x128xf32, #tpu.memory_space<vmem>>) dst(%dma_wait3A_149 : memref<10000x128xf32, #tpu.memory_space<vmem_shared>>)
        tpu.yield
      }) : () -> ()
      %add3A_136 = arith.constant 5 : i32
      %add3A_137 = arith.addi %add3A_128, %add3A_136 : i32
      %lt3A_138 = arith.constant 250 : i32
      %lt3A_139 = arith.cmpi slt, %add3A_137, %lt3A_138 : i32
      %convert_element_type3A_140 = arith.extui %lt3A_139 : i1 to i32
      %cond3A_141 = arith.constant 0 : i32
      %cond3A_142 = arith.cmpi ne, %convert_element_type3A_140, %cond3A_141 : i32
      scf.if %cond3A_142 {
        %add3A_144 = arith.constant 5 : i32
        %add3A_145 = arith.addi %add3A_128, %add3A_144 : i32
        %mul3A_146 = arith.constant 40 : i32
        %mul3A_147 = arith.muli %add3A_145, %mul3A_146 : i32
        %add3A_148 = arith.addi %mul3A_2, %mul3A_147 : i32
        %dma_start3A_149 = tpu.memref_slice %arg3[%add3A_148] : memref<320000xi32, #tpu.memory_space<hbm>> -> memref<40xi32, #tpu.memory_space<hbm>>
        %dma_start3A_150 = tpu.memref_slice %arg3[%add3A_148] : memref<320000xi32, #tpu.memory_space<hbm>> -> memref<40xi32, #tpu.memory_space<hbm>>
        tpu.enqueue_dma source(%dma_start3A_150 : memref<40xi32, #tpu.memory_space<hbm>>) target(%arg22 : memref<40xi32, #tpu.memory_space<vmem>>) target_semaphore(%arg16 : memref<!tpu.dma_semaphore, #tpu.memory_space<semaphore_mem>>)
        %add3A_151 = arith.constant 5 : i32
        %add3A_152 = arith.addi %add3A_128, %add3A_151 : i32
        %mul3A_153 = arith.constant 40 : i32
        %mul3A_154 = arith.muli %add3A_152, %mul3A_153 : i32
        %dma_start3A_155 = tpu.memref_slice %arg17[%mul3A_154] : memref<10000xi32, #tpu.memory_space<vmem>> -> memref<40xi32, #tpu.memory_space<vmem>>
        %dma_start3A_156 = arith.constant 0 : i32
        %dma_start3A_157 = arith.constant 0 : i32
        %dma_start3A_158 = tpu.memref_slice %arg2[%dma_start3A_156, %dma_start3A_157] : memref<5000x128xf32, #tpu.memory_space<hbm>> -> memref<5000x128xf32, #tpu.memory_space<hbm>>
        tpu.enqueue_indirect_dma source(%dma_start3A_158 : memref<5000x128xf32, #tpu.memory_space<hbm>>) target(%arg11 : memref<40x128xf32, #tpu.memory_space<vmem>>) offsets(%dma_start3A_155 : memref<40xi32, #tpu.memory_space<vmem>>) semaphore(%arg16 : memref<!tpu.dma_semaphore, #tpu.memory_space<semaphore_mem>>)
      } else {
      }
      %scan3A_143 = arith.constant 0 : i32
      scf.yield %scan3A_143 : i32
    }
    %scan3A_54 = arith.constant 50 : i32
    %barrier3A_55 = arith.constant 0 : index
    tpu.barrier barrier_id(%barrier3A_55)
    %eq3A_56 = arith.constant 0 : i32
    %eq3A_57 = arith.cmpi eq, %arg1, %eq3A_56 : i32
    %convert_element_type3A_58 = arith.extui %eq3A_57 : i1 to i32
    %cond3A_59 = arith.constant 0 : i32
    %cond3A_60 = arith.cmpi ne, %convert_element_type3A_58, %cond3A_59 : i32
    scf.if %cond3A_60 {
      "tpu.region"() ({
        %run_scoped3A = tpu.sem_alloc : memref<!tpu.dma_semaphore, #tpu.memory_space<semaphore_mem>>
        %dma_start3A_61 = arith.constant 0 : i32
        %dma_start3A_62 = arith.constant 0 : i32
        %dma_start3A_63 = tpu.memref_slice %arg6[%arg0, %dma_start3A_61, %dma_start3A_62] : memref<2x10000x128xf32, #tpu.memory_space<hbm>> -> memref<1x10000x128xf32, #tpu.memory_space<hbm>>
        %dma_start3A_64 = tpu.memref_squeeze %dma_start3A_63 : memref<1x10000x128xf32, #tpu.memory_space<hbm>> -> memref<10000x128xf32, #tpu.memory_space<hbm>>
        tpu.enqueue_dma source(%arg23 : memref<10000x128xf32, #tpu.memory_space<vmem_shared>>) target(%dma_start3A_64 : memref<10000x128xf32, #tpu.memory_space<hbm>>) target_semaphore(%run_scoped3A : memref<!tpu.dma_semaphore, #tpu.memory_space<semaphore_mem>>)
        %dma_wait3A = arith.constant 0 : i32
        %dma_wait3A_65 = arith.constant 0 : i32
        %dma_wait3A_66 = tpu.memref_slice %arg6[%arg0, %dma_wait3A, %dma_wait3A_65] : memref<2x10000x128xf32, #tpu.memory_space<hbm>> -> memref<1x10000x128xf32, #tpu.memory_space<hbm>>
        %dma_wait3A_67 = tpu.memref_squeeze %dma_wait3A_66 : memref<1x10000x128xf32, #tpu.memory_space<hbm>> -> memref<10000x128xf32, #tpu.memory_space<hbm>>
        tpu.wait_dma2 semaphore(%run_scoped3A : memref<!tpu.dma_semaphore, #tpu.memory_space<semaphore_mem>>) src(%arg23 : memref<10000x128xf32, #tpu.memory_space<vmem_shared>>) dst(%dma_wait3A_67 : memref<10000x128xf32, #tpu.memory_space<hbm>>)
        tpu.yield
      }) : () -> ()
    } else {
    }
    return
  }
}

#map = affine_map<(d0, d1) -> (0, 0)>
#map1 = affine_map<(d0, d1) -> (0)>
#map2 = affine_map<(d0, d1) -> (0, 0, 0)>
module attributes {stable_mosaic.version = 14 : i64} {
  func.func @_phase1_body(%arg0: i32, %arg1: i32, %arg2: memref<10000x128xf32, #tpu.memory_space<hbm>>, %arg3: memref<320000xi32, #tpu.memory_space<hbm>>, %arg4: memref<320000xi32, #tpu.memory_space<hbm>>, %arg5: memref<5000x128xf32, #tpu.memory_space<hbm>>, %arg6: memref<2x5000x128xf32, #tpu.memory_space<hbm>>, %arg7: memref<40x128xf32, #tpu.memory_space<vmem>>, %arg8: memref<40x128xf32, #tpu.memory_space<vmem>>, %arg9: memref<40x128xf32, #tpu.memory_space<vmem>>, %arg10: memref<40x128xf32, #tpu.memory_space<vmem>>, %arg11: memref<40x128xf32, #tpu.memory_space<vmem>>, %arg12: memref<!tpu.dma_semaphore, #tpu.memory_space<semaphore_mem>>, %arg13: memref<!tpu.dma_semaphore, #tpu.memory_space<semaphore_mem>>, %arg14: memref<!tpu.dma_semaphore, #tpu.memory_space<semaphore_mem>>, %arg15: memref<!tpu.dma_semaphore, #tpu.memory_space<semaphore_mem>>, %arg16: memref<!tpu.dma_semaphore, #tpu.memory_space<semaphore_mem>>, %arg17: memref<10000xi32, #tpu.memory_space<vmem>>, %arg18: memref<40xi32, #tpu.memory_space<vmem>>, %arg19: memref<40xi32, #tpu.memory_space<vmem>>, %arg20: memref<40xi32, #tpu.memory_space<vmem>>, %arg21: memref<40xi32, #tpu.memory_space<vmem>>, %arg22: memref<40xi32, #tpu.memory_space<vmem>>, %arg23: memref<5000x128xf32, #tpu.memory_space<vmem_shared>>) attributes {dimension_semantics = [#tpu.dimension_semantics<core_parallel>, #tpu.dimension_semantics<subcore_parallel>], iteration_bounds = array<i64: 2, 16>, scalar_prefetch = 0 : i64, scratch_operands = 17 : i64, tpu.core_type = #tpu.core_type<sc_vector_subcore>, window_params = [{transform_indices = #map}, {transform_indices = #map1}, {transform_indices = #map1}, {transform_indices = #map}, {transform_indices = #map2}]} {
    %mul3A = arith.constant 16 : i32
    %mul3A_0 = arith.muli %arg0, %mul3A : i32
    %add3A = arith.addi %mul3A_0, %arg1 : i32
    %mul3A_1 = arith.constant 10000 : i32
    %mul3A_2 = arith.muli %add3A, %mul3A_1 : i32
    "tpu.region"() ({
      %run_scoped3A = tpu.sem_alloc : memref<!tpu.dma_semaphore, #tpu.memory_space<semaphore_mem>>
      %dma_start3A_61 = tpu.memref_slice %arg3[%mul3A_2] : memref<320000xi32, #tpu.memory_space<hbm>> -> memref<10000xi32, #tpu.memory_space<hbm>>
      %dma_start3A_62 = tpu.memref_slice %arg3[%mul3A_2] : memref<320000xi32, #tpu.memory_space<hbm>> -> memref<10000xi32, #tpu.memory_space<hbm>>
      tpu.enqueue_dma source(%dma_start3A_62 : memref<10000xi32, #tpu.memory_space<hbm>>) target(%arg17 : memref<10000xi32, #tpu.memory_space<vmem>>) target_semaphore(%run_scoped3A : memref<!tpu.dma_semaphore, #tpu.memory_space<semaphore_mem>>)
      %dma_wait3A = tpu.memref_slice %arg3[%mul3A_2] : memref<320000xi32, #tpu.memory_space<hbm>> -> memref<10000xi32, #tpu.memory_space<hbm>>
      %dma_wait3A_63 = tpu.memref_slice %arg3[%mul3A_2] : memref<320000xi32, #tpu.memory_space<hbm>> -> memref<10000xi32, #tpu.memory_space<hbm>>
      tpu.wait_dma2 semaphore(%run_scoped3A : memref<!tpu.dma_semaphore, #tpu.memory_space<semaphore_mem>>) src(%dma_wait3A_63 : memref<10000xi32, #tpu.memory_space<hbm>>) dst(%arg17 : memref<10000xi32, #tpu.memory_space<vmem>>)
      tpu.yield
    }) : () -> ()
    %add3A_3 = arith.constant 0 : i32
    %add3A_4 = arith.addi %mul3A_2, %add3A_3 : i32
    %dma_start3A = tpu.memref_slice %arg4[%add3A_4] : memref<320000xi32, #tpu.memory_space<hbm>> -> memref<40xi32, #tpu.memory_space<hbm>>
    %dma_start3A_5 = tpu.memref_slice %arg4[%add3A_4] : memref<320000xi32, #tpu.memory_space<hbm>> -> memref<40xi32, #tpu.memory_space<hbm>>
    tpu.enqueue_dma source(%dma_start3A_5 : memref<40xi32, #tpu.memory_space<hbm>>) target(%arg18 : memref<40xi32, #tpu.memory_space<vmem>>) target_semaphore(%arg12 : memref<!tpu.dma_semaphore, #tpu.memory_space<semaphore_mem>>)
    %dma_start3A_6 = arith.constant 0 : i32
    %dma_start3A_7 = tpu.memref_slice %arg17[%dma_start3A_6] : memref<10000xi32, #tpu.memory_space<vmem>> -> memref<40xi32, #tpu.memory_space<vmem>>
    %dma_start3A_8 = arith.constant 0 : i32
    %dma_start3A_9 = arith.constant 0 : i32
    %dma_start3A_10 = tpu.memref_slice %arg2[%dma_start3A_8, %dma_start3A_9] : memref<10000x128xf32, #tpu.memory_space<hbm>> -> memref<10000x128xf32, #tpu.memory_space<hbm>>
    tpu.enqueue_indirect_dma source(%dma_start3A_10 : memref<10000x128xf32, #tpu.memory_space<hbm>>) target(%arg7 : memref<40x128xf32, #tpu.memory_space<vmem>>) offsets(%dma_start3A_7 : memref<40xi32, #tpu.memory_space<vmem>>) semaphore(%arg12 : memref<!tpu.dma_semaphore, #tpu.memory_space<semaphore_mem>>)
    %add3A_11 = arith.constant 40 : i32
    %add3A_12 = arith.addi %mul3A_2, %add3A_11 : i32
    %dma_start3A_13 = tpu.memref_slice %arg4[%add3A_12] : memref<320000xi32, #tpu.memory_space<hbm>> -> memref<40xi32, #tpu.memory_space<hbm>>
    %dma_start3A_14 = tpu.memref_slice %arg4[%add3A_12] : memref<320000xi32, #tpu.memory_space<hbm>> -> memref<40xi32, #tpu.memory_space<hbm>>
    tpu.enqueue_dma source(%dma_start3A_14 : memref<40xi32, #tpu.memory_space<hbm>>) target(%arg19 : memref<40xi32, #tpu.memory_space<vmem>>) target_semaphore(%arg13 : memref<!tpu.dma_semaphore, #tpu.memory_space<semaphore_mem>>)
    %dma_start3A_15 = arith.constant 40 : i32
    %dma_start3A_16 = tpu.memref_slice %arg17[%dma_start3A_15] : memref<10000xi32, #tpu.memory_space<vmem>> -> memref<40xi32, #tpu.memory_space<vmem>>
    %dma_start3A_17 = arith.constant 0 : i32
    %dma_start3A_18 = arith.constant 0 : i32
    %dma_start3A_19 = tpu.memref_slice %arg2[%dma_start3A_17, %dma_start3A_18] : memref<10000x128xf32, #tpu.memory_space<hbm>> -> memref<10000x128xf32, #tpu.memory_space<hbm>>
    tpu.enqueue_indirect_dma source(%dma_start3A_19 : memref<10000x128xf32, #tpu.memory_space<hbm>>) target(%arg8 : memref<40x128xf32, #tpu.memory_space<vmem>>) offsets(%dma_start3A_16 : memref<40xi32, #tpu.memory_space<vmem>>) semaphore(%arg13 : memref<!tpu.dma_semaphore, #tpu.memory_space<semaphore_mem>>)
    %add3A_20 = arith.constant 80 : i32
    %add3A_21 = arith.addi %mul3A_2, %add3A_20 : i32
    %dma_start3A_22 = tpu.memref_slice %arg4[%add3A_21] : memref<320000xi32, #tpu.memory_space<hbm>> -> memref<40xi32, #tpu.memory_space<hbm>>
    %dma_start3A_23 = tpu.memref_slice %arg4[%add3A_21] : memref<320000xi32, #tpu.memory_space<hbm>> -> memref<40xi32, #tpu.memory_space<hbm>>
    tpu.enqueue_dma source(%dma_start3A_23 : memref<40xi32, #tpu.memory_space<hbm>>) target(%arg20 : memref<40xi32, #tpu.memory_space<vmem>>) target_semaphore(%arg14 : memref<!tpu.dma_semaphore, #tpu.memory_space<semaphore_mem>>)
    %dma_start3A_24 = arith.constant 80 : i32
    %dma_start3A_25 = tpu.memref_slice %arg17[%dma_start3A_24] : memref<10000xi32, #tpu.memory_space<vmem>> -> memref<40xi32, #tpu.memory_space<vmem>>
    %dma_start3A_26 = arith.constant 0 : i32
    %dma_start3A_27 = arith.constant 0 : i32
    %dma_start3A_28 = tpu.memref_slice %arg2[%dma_start3A_26, %dma_start3A_27] : memref<10000x128xf32, #tpu.memory_space<hbm>> -> memref<10000x128xf32, #tpu.memory_space<hbm>>
    tpu.enqueue_indirect_dma source(%dma_start3A_28 : memref<10000x128xf32, #tpu.memory_space<hbm>>) target(%arg9 : memref<40x128xf32, #tpu.memory_space<vmem>>) offsets(%dma_start3A_25 : memref<40xi32, #tpu.memory_space<vmem>>) semaphore(%arg14 : memref<!tpu.dma_semaphore, #tpu.memory_space<semaphore_mem>>)
    %add3A_29 = arith.constant 120 : i32
    %add3A_30 = arith.addi %mul3A_2, %add3A_29 : i32
    %dma_start3A_31 = tpu.memref_slice %arg4[%add3A_30] : memref<320000xi32, #tpu.memory_space<hbm>> -> memref<40xi32, #tpu.memory_space<hbm>>
    %dma_start3A_32 = tpu.memref_slice %arg4[%add3A_30] : memref<320000xi32, #tpu.memory_space<hbm>> -> memref<40xi32, #tpu.memory_space<hbm>>
    tpu.enqueue_dma source(%dma_start3A_32 : memref<40xi32, #tpu.memory_space<hbm>>) target(%arg21 : memref<40xi32, #tpu.memory_space<vmem>>) target_semaphore(%arg15 : memref<!tpu.dma_semaphore, #tpu.memory_space<semaphore_mem>>)
    %dma_start3A_33 = arith.constant 120 : i32
    %dma_start3A_34 = tpu.memref_slice %arg17[%dma_start3A_33] : memref<10000xi32, #tpu.memory_space<vmem>> -> memref<40xi32, #tpu.memory_space<vmem>>
    %dma_start3A_35 = arith.constant 0 : i32
    %dma_start3A_36 = arith.constant 0 : i32
    %dma_start3A_37 = tpu.memref_slice %arg2[%dma_start3A_35, %dma_start3A_36] : memref<10000x128xf32, #tpu.memory_space<hbm>> -> memref<10000x128xf32, #tpu.memory_space<hbm>>
    tpu.enqueue_indirect_dma source(%dma_start3A_37 : memref<10000x128xf32, #tpu.memory_space<hbm>>) target(%arg10 : memref<40x128xf32, #tpu.memory_space<vmem>>) offsets(%dma_start3A_34 : memref<40xi32, #tpu.memory_space<vmem>>) semaphore(%arg15 : memref<!tpu.dma_semaphore, #tpu.memory_space<semaphore_mem>>)
    %add3A_38 = arith.constant 160 : i32
    %add3A_39 = arith.addi %mul3A_2, %add3A_38 : i32
    %dma_start3A_40 = tpu.memref_slice %arg4[%add3A_39] : memref<320000xi32, #tpu.memory_space<hbm>> -> memref<40xi32, #tpu.memory_space<hbm>>
    %dma_start3A_41 = tpu.memref_slice %arg4[%add3A_39] : memref<320000xi32, #tpu.memory_space<hbm>> -> memref<40xi32, #tpu.memory_space<hbm>>
    tpu.enqueue_dma source(%dma_start3A_41 : memref<40xi32, #tpu.memory_space<hbm>>) target(%arg22 : memref<40xi32, #tpu.memory_space<vmem>>) target_semaphore(%arg16 : memref<!tpu.dma_semaphore, #tpu.memory_space<semaphore_mem>>)
    %dma_start3A_42 = arith.constant 160 : i32
    %dma_start3A_43 = tpu.memref_slice %arg17[%dma_start3A_42] : memref<10000xi32, #tpu.memory_space<vmem>> -> memref<40xi32, #tpu.memory_space<vmem>>
    %dma_start3A_44 = arith.constant 0 : i32
    %dma_start3A_45 = arith.constant 0 : i32
    %dma_start3A_46 = tpu.memref_slice %arg2[%dma_start3A_44, %dma_start3A_45] : memref<10000x128xf32, #tpu.memory_space<hbm>> -> memref<10000x128xf32, #tpu.memory_space<hbm>>
    tpu.enqueue_indirect_dma source(%dma_start3A_46 : memref<10000x128xf32, #tpu.memory_space<hbm>>) target(%arg11 : memref<40x128xf32, #tpu.memory_space<vmem>>) offsets(%dma_start3A_43 : memref<40xi32, #tpu.memory_space<vmem>>) semaphore(%arg16 : memref<!tpu.dma_semaphore, #tpu.memory_space<semaphore_mem>>)
    %eq3A = arith.constant 0 : i32
    %eq3A_47 = arith.cmpi eq, %arg1, %eq3A : i32
    %convert_element_type3A = arith.extui %eq3A_47 : i1 to i32
    %cond3A = arith.constant 0 : i32
    %cond3A_48 = arith.cmpi ne, %convert_element_type3A, %cond3A : i32
    scf.if %cond3A_48 {
      "tpu.region"() ({
        %run_scoped3A = tpu.sem_alloc : memref<!tpu.dma_semaphore, #tpu.memory_space<semaphore_mem>>
        tpu.enqueue_dma source(%arg5 : memref<5000x128xf32, #tpu.memory_space<hbm>>) target(%arg23 : memref<5000x128xf32, #tpu.memory_space<vmem_shared>>) target_semaphore(%run_scoped3A : memref<!tpu.dma_semaphore, #tpu.memory_space<semaphore_mem>>)
        tpu.wait_dma2 semaphore(%run_scoped3A : memref<!tpu.dma_semaphore, #tpu.memory_space<semaphore_mem>>) src(%arg5 : memref<5000x128xf32, #tpu.memory_space<hbm>>) dst(%arg23 : memref<5000x128xf32, #tpu.memory_space<vmem_shared>>)
        tpu.yield
      }) : () -> ()
    } else {
    }
    %barrier3A = arith.constant 0 : index
    tpu.barrier barrier_id(%barrier3A)
    %scan3A = arith.constant 0 : i32
    %scan3A_49 = arith.constant 0 : i32
    %scan3A_50 = arith.constant 50 : i32
    %scan3A_51 = arith.addi %scan3A_49, %scan3A_50 : i32
    %scan3A_52 = arith.constant 1 : i32
    %scan3A_53 = scf.for %scan3A_61 = %scan3A_49 to %scan3A_51 step %scan3A_52 iter_args(%scan3A_62 = %scan3A) -> (i32)  : i32 {
      %mul3A_63 = arith.constant 5 : i32
      %mul3A_64 = arith.muli %scan3A_61, %mul3A_63 : i32
      %add3A_65 = arith.constant 0 : i32
      %add3A_66 = arith.addi %mul3A_64, %add3A_65 : i32
      %dma_wait3A = tpu.memref_slice %arg4[%mul3A_2] : memref<320000xi32, #tpu.memory_space<hbm>> -> memref<40xi32, #tpu.memory_space<hbm>>
      %dma_wait3A_67 = tpu.memref_slice %arg4[%mul3A_2] : memref<320000xi32, #tpu.memory_space<hbm>> -> memref<40xi32, #tpu.memory_space<hbm>>
      tpu.wait_dma2 semaphore(%arg12 : memref<!tpu.dma_semaphore, #tpu.memory_space<semaphore_mem>>) src(%dma_wait3A_67 : memref<40xi32, #tpu.memory_space<hbm>>) dst(%arg18 : memref<40xi32, #tpu.memory_space<vmem>>)
      %dma_wait3A_68 = arith.constant 0 : i32
      %dma_wait3A_69 = tpu.memref_slice %arg17[%dma_wait3A_68] : memref<10000xi32, #tpu.memory_space<vmem>> -> memref<40xi32, #tpu.memory_space<vmem>>
      %dma_wait3A_70 = arith.constant 0 : i32
      %dma_wait3A_71 = arith.constant 0 : i32
      %dma_wait3A_72 = tpu.memref_slice %arg2[%dma_wait3A_70, %dma_wait3A_71] : memref<10000x128xf32, #tpu.memory_space<hbm>> -> memref<10000x128xf32, #tpu.memory_space<hbm>>
      tpu.wait_indirect_dma semaphore(%arg12 : memref<!tpu.dma_semaphore, #tpu.memory_space<semaphore_mem>>) src(%dma_wait3A_72 : memref<10000x128xf32, #tpu.memory_space<hbm>>) dst(%arg7 : memref<40x128xf32, #tpu.memory_space<vmem>>)
      "tpu.region"() ({
        %run_scoped3A = tpu.sem_alloc : memref<!tpu.dma_semaphore, #tpu.memory_space<semaphore_mem>>
        %dma_start3A_144 = arith.constant 0 : i32
        %dma_start3A_145 = arith.constant 0 : i32
        %dma_start3A_146 = tpu.memref_slice %arg23[%dma_start3A_144, %dma_start3A_145] : memref<5000x128xf32, #tpu.memory_space<vmem_shared>> -> memref<5000x128xf32, #tpu.memory_space<vmem_shared>>
        tpu.enqueue_indirect_dma source(%arg7 : memref<40x128xf32, #tpu.memory_space<vmem>>) target(%dma_start3A_146 : memref<5000x128xf32, #tpu.memory_space<vmem_shared>>) offsets(%arg18 : memref<40xi32, #tpu.memory_space<vmem>>) semaphore(%run_scoped3A : memref<!tpu.dma_semaphore, #tpu.memory_space<semaphore_mem>>) {add = true}
        %dma_wait3A_147 = arith.constant 0 : i32
        %dma_wait3A_148 = arith.constant 0 : i32
        %dma_wait3A_149 = tpu.memref_slice %arg23[%dma_wait3A_147, %dma_wait3A_148] : memref<5000x128xf32, #tpu.memory_space<vmem_shared>> -> memref<5000x128xf32, #tpu.memory_space<vmem_shared>>
        tpu.wait_indirect_dma semaphore(%run_scoped3A : memref<!tpu.dma_semaphore, #tpu.memory_space<semaphore_mem>>) src(%arg7 : memref<40x128xf32, #tpu.memory_space<vmem>>) dst(%dma_wait3A_149 : memref<5000x128xf32, #tpu.memory_space<vmem_shared>>)
        tpu.yield
      }) : () -> ()
      %add3A_73 = arith.constant 5 : i32
      %add3A_74 = arith.addi %add3A_66, %add3A_73 : i32
      %lt3A = arith.constant 250 : i32
      %lt3A_75 = arith.cmpi slt, %add3A_74, %lt3A : i32
      %convert_element_type3A_76 = arith.extui %lt3A_75 : i1 to i32
      %cond3A_77 = arith.constant 0 : i32
      %cond3A_78 = arith.cmpi ne, %convert_element_type3A_76, %cond3A_77 : i32
      scf.if %cond3A_78 {
        %add3A_144 = arith.constant 5 : i32
        %add3A_145 = arith.addi %add3A_66, %add3A_144 : i32
        %mul3A_146 = arith.constant 40 : i32
        %mul3A_147 = arith.muli %add3A_145, %mul3A_146 : i32
        %add3A_148 = arith.addi %mul3A_2, %mul3A_147 : i32
        %dma_start3A_149 = tpu.memref_slice %arg4[%add3A_148] : memref<320000xi32, #tpu.memory_space<hbm>> -> memref<40xi32, #tpu.memory_space<hbm>>
        %dma_start3A_150 = tpu.memref_slice %arg4[%add3A_148] : memref<320000xi32, #tpu.memory_space<hbm>> -> memref<40xi32, #tpu.memory_space<hbm>>
        tpu.enqueue_dma source(%dma_start3A_150 : memref<40xi32, #tpu.memory_space<hbm>>) target(%arg18 : memref<40xi32, #tpu.memory_space<vmem>>) target_semaphore(%arg12 : memref<!tpu.dma_semaphore, #tpu.memory_space<semaphore_mem>>)
        %add3A_151 = arith.constant 5 : i32
        %add3A_152 = arith.addi %add3A_66, %add3A_151 : i32
        %mul3A_153 = arith.constant 40 : i32
        %mul3A_154 = arith.muli %add3A_152, %mul3A_153 : i32
        %dma_start3A_155 = tpu.memref_slice %arg17[%mul3A_154] : memref<10000xi32, #tpu.memory_space<vmem>> -> memref<40xi32, #tpu.memory_space<vmem>>
        %dma_start3A_156 = arith.constant 0 : i32
        %dma_start3A_157 = arith.constant 0 : i32
        %dma_start3A_158 = tpu.memref_slice %arg2[%dma_start3A_156, %dma_start3A_157] : memref<10000x128xf32, #tpu.memory_space<hbm>> -> memref<10000x128xf32, #tpu.memory_space<hbm>>
        tpu.enqueue_indirect_dma source(%dma_start3A_158 : memref<10000x128xf32, #tpu.memory_space<hbm>>) target(%arg7 : memref<40x128xf32, #tpu.memory_space<vmem>>) offsets(%dma_start3A_155 : memref<40xi32, #tpu.memory_space<vmem>>) semaphore(%arg12 : memref<!tpu.dma_semaphore, #tpu.memory_space<semaphore_mem>>)
      } else {
      }
      %add3A_79 = arith.constant 1 : i32
      %add3A_80 = arith.addi %mul3A_64, %add3A_79 : i32
      %dma_wait3A_81 = tpu.memref_slice %arg4[%mul3A_2] : memref<320000xi32, #tpu.memory_space<hbm>> -> memref<40xi32, #tpu.memory_space<hbm>>
      %dma_wait3A_82 = tpu.memref_slice %arg4[%mul3A_2] : memref<320000xi32, #tpu.memory_space<hbm>> -> memref<40xi32, #tpu.memory_space<hbm>>
      tpu.wait_dma2 semaphore(%arg13 : memref<!tpu.dma_semaphore, #tpu.memory_space<semaphore_mem>>) src(%dma_wait3A_82 : memref<40xi32, #tpu.memory_space<hbm>>) dst(%arg19 : memref<40xi32, #tpu.memory_space<vmem>>)
      %dma_wait3A_83 = arith.constant 0 : i32
      %dma_wait3A_84 = tpu.memref_slice %arg17[%dma_wait3A_83] : memref<10000xi32, #tpu.memory_space<vmem>> -> memref<40xi32, #tpu.memory_space<vmem>>
      %dma_wait3A_85 = arith.constant 0 : i32
      %dma_wait3A_86 = arith.constant 0 : i32
      %dma_wait3A_87 = tpu.memref_slice %arg2[%dma_wait3A_85, %dma_wait3A_86] : memref<10000x128xf32, #tpu.memory_space<hbm>> -> memref<10000x128xf32, #tpu.memory_space<hbm>>
      tpu.wait_indirect_dma semaphore(%arg13 : memref<!tpu.dma_semaphore, #tpu.memory_space<semaphore_mem>>) src(%dma_wait3A_87 : memref<10000x128xf32, #tpu.memory_space<hbm>>) dst(%arg8 : memref<40x128xf32, #tpu.memory_space<vmem>>)
      "tpu.region"() ({
        %run_scoped3A = tpu.sem_alloc : memref<!tpu.dma_semaphore, #tpu.memory_space<semaphore_mem>>
        %dma_start3A_144 = arith.constant 0 : i32
        %dma_start3A_145 = arith.constant 0 : i32
        %dma_start3A_146 = tpu.memref_slice %arg23[%dma_start3A_144, %dma_start3A_145] : memref<5000x128xf32, #tpu.memory_space<vmem_shared>> -> memref<5000x128xf32, #tpu.memory_space<vmem_shared>>
        tpu.enqueue_indirect_dma source(%arg8 : memref<40x128xf32, #tpu.memory_space<vmem>>) target(%dma_start3A_146 : memref<5000x128xf32, #tpu.memory_space<vmem_shared>>) offsets(%arg19 : memref<40xi32, #tpu.memory_space<vmem>>) semaphore(%run_scoped3A : memref<!tpu.dma_semaphore, #tpu.memory_space<semaphore_mem>>) {add = true}
        %dma_wait3A_147 = arith.constant 0 : i32
        %dma_wait3A_148 = arith.constant 0 : i32
        %dma_wait3A_149 = tpu.memref_slice %arg23[%dma_wait3A_147, %dma_wait3A_148] : memref<5000x128xf32, #tpu.memory_space<vmem_shared>> -> memref<5000x128xf32, #tpu.memory_space<vmem_shared>>
        tpu.wait_indirect_dma semaphore(%run_scoped3A : memref<!tpu.dma_semaphore, #tpu.memory_space<semaphore_mem>>) src(%arg8 : memref<40x128xf32, #tpu.memory_space<vmem>>) dst(%dma_wait3A_149 : memref<5000x128xf32, #tpu.memory_space<vmem_shared>>)
        tpu.yield
      }) : () -> ()
      %add3A_88 = arith.constant 5 : i32
      %add3A_89 = arith.addi %add3A_80, %add3A_88 : i32
      %lt3A_90 = arith.constant 250 : i32
      %lt3A_91 = arith.cmpi slt, %add3A_89, %lt3A_90 : i32
      %convert_element_type3A_92 = arith.extui %lt3A_91 : i1 to i32
      %cond3A_93 = arith.constant 0 : i32
      %cond3A_94 = arith.cmpi ne, %convert_element_type3A_92, %cond3A_93 : i32
      scf.if %cond3A_94 {
        %add3A_144 = arith.constant 5 : i32
        %add3A_145 = arith.addi %add3A_80, %add3A_144 : i32
        %mul3A_146 = arith.constant 40 : i32
        %mul3A_147 = arith.muli %add3A_145, %mul3A_146 : i32
        %add3A_148 = arith.addi %mul3A_2, %mul3A_147 : i32
        %dma_start3A_149 = tpu.memref_slice %arg4[%add3A_148] : memref<320000xi32, #tpu.memory_space<hbm>> -> memref<40xi32, #tpu.memory_space<hbm>>
        %dma_start3A_150 = tpu.memref_slice %arg4[%add3A_148] : memref<320000xi32, #tpu.memory_space<hbm>> -> memref<40xi32, #tpu.memory_space<hbm>>
        tpu.enqueue_dma source(%dma_start3A_150 : memref<40xi32, #tpu.memory_space<hbm>>) target(%arg19 : memref<40xi32, #tpu.memory_space<vmem>>) target_semaphore(%arg13 : memref<!tpu.dma_semaphore, #tpu.memory_space<semaphore_mem>>)
        %add3A_151 = arith.constant 5 : i32
        %add3A_152 = arith.addi %add3A_80, %add3A_151 : i32
        %mul3A_153 = arith.constant 40 : i32
        %mul3A_154 = arith.muli %add3A_152, %mul3A_153 : i32
        %dma_start3A_155 = tpu.memref_slice %arg17[%mul3A_154] : memref<10000xi32, #tpu.memory_space<vmem>> -> memref<40xi32, #tpu.memory_space<vmem>>
        %dma_start3A_156 = arith.constant 0 : i32
        %dma_start3A_157 = arith.constant 0 : i32
        %dma_start3A_158 = tpu.memref_slice %arg2[%dma_start3A_156, %dma_start3A_157] : memref<10000x128xf32, #tpu.memory_space<hbm>> -> memref<10000x128xf32, #tpu.memory_space<hbm>>
        tpu.enqueue_indirect_dma source(%dma_start3A_158 : memref<10000x128xf32, #tpu.memory_space<hbm>>) target(%arg8 : memref<40x128xf32, #tpu.memory_space<vmem>>) offsets(%dma_start3A_155 : memref<40xi32, #tpu.memory_space<vmem>>) semaphore(%arg13 : memref<!tpu.dma_semaphore, #tpu.memory_space<semaphore_mem>>)
      } else {
      }
      %add3A_95 = arith.constant 2 : i32
      %add3A_96 = arith.addi %mul3A_64, %add3A_95 : i32
      %dma_wait3A_97 = tpu.memref_slice %arg4[%mul3A_2] : memref<320000xi32, #tpu.memory_space<hbm>> -> memref<40xi32, #tpu.memory_space<hbm>>
      %dma_wait3A_98 = tpu.memref_slice %arg4[%mul3A_2] : memref<320000xi32, #tpu.memory_space<hbm>> -> memref<40xi32, #tpu.memory_space<hbm>>
      tpu.wait_dma2 semaphore(%arg14 : memref<!tpu.dma_semaphore, #tpu.memory_space<semaphore_mem>>) src(%dma_wait3A_98 : memref<40xi32, #tpu.memory_space<hbm>>) dst(%arg20 : memref<40xi32, #tpu.memory_space<vmem>>)
      %dma_wait3A_99 = arith.constant 0 : i32
      %dma_wait3A_100 = tpu.memref_slice %arg17[%dma_wait3A_99] : memref<10000xi32, #tpu.memory_space<vmem>> -> memref<40xi32, #tpu.memory_space<vmem>>
      %dma_wait3A_101 = arith.constant 0 : i32
      %dma_wait3A_102 = arith.constant 0 : i32
      %dma_wait3A_103 = tpu.memref_slice %arg2[%dma_wait3A_101, %dma_wait3A_102] : memref<10000x128xf32, #tpu.memory_space<hbm>> -> memref<10000x128xf32, #tpu.memory_space<hbm>>
      tpu.wait_indirect_dma semaphore(%arg14 : memref<!tpu.dma_semaphore, #tpu.memory_space<semaphore_mem>>) src(%dma_wait3A_103 : memref<10000x128xf32, #tpu.memory_space<hbm>>) dst(%arg9 : memref<40x128xf32, #tpu.memory_space<vmem>>)
      "tpu.region"() ({
        %run_scoped3A = tpu.sem_alloc : memref<!tpu.dma_semaphore, #tpu.memory_space<semaphore_mem>>
        %dma_start3A_144 = arith.constant 0 : i32
        %dma_start3A_145 = arith.constant 0 : i32
        %dma_start3A_146 = tpu.memref_slice %arg23[%dma_start3A_144, %dma_start3A_145] : memref<5000x128xf32, #tpu.memory_space<vmem_shared>> -> memref<5000x128xf32, #tpu.memory_space<vmem_shared>>
        tpu.enqueue_indirect_dma source(%arg9 : memref<40x128xf32, #tpu.memory_space<vmem>>) target(%dma_start3A_146 : memref<5000x128xf32, #tpu.memory_space<vmem_shared>>) offsets(%arg20 : memref<40xi32, #tpu.memory_space<vmem>>) semaphore(%run_scoped3A : memref<!tpu.dma_semaphore, #tpu.memory_space<semaphore_mem>>) {add = true}
        %dma_wait3A_147 = arith.constant 0 : i32
        %dma_wait3A_148 = arith.constant 0 : i32
        %dma_wait3A_149 = tpu.memref_slice %arg23[%dma_wait3A_147, %dma_wait3A_148] : memref<5000x128xf32, #tpu.memory_space<vmem_shared>> -> memref<5000x128xf32, #tpu.memory_space<vmem_shared>>
        tpu.wait_indirect_dma semaphore(%run_scoped3A : memref<!tpu.dma_semaphore, #tpu.memory_space<semaphore_mem>>) src(%arg9 : memref<40x128xf32, #tpu.memory_space<vmem>>) dst(%dma_wait3A_149 : memref<5000x128xf32, #tpu.memory_space<vmem_shared>>)
        tpu.yield
      }) : () -> ()
      %add3A_104 = arith.constant 5 : i32
      %add3A_105 = arith.addi %add3A_96, %add3A_104 : i32
      %lt3A_106 = arith.constant 250 : i32
      %lt3A_107 = arith.cmpi slt, %add3A_105, %lt3A_106 : i32
      %convert_element_type3A_108 = arith.extui %lt3A_107 : i1 to i32
      %cond3A_109 = arith.constant 0 : i32
      %cond3A_110 = arith.cmpi ne, %convert_element_type3A_108, %cond3A_109 : i32
      scf.if %cond3A_110 {
        %add3A_144 = arith.constant 5 : i32
        %add3A_145 = arith.addi %add3A_96, %add3A_144 : i32
        %mul3A_146 = arith.constant 40 : i32
        %mul3A_147 = arith.muli %add3A_145, %mul3A_146 : i32
        %add3A_148 = arith.addi %mul3A_2, %mul3A_147 : i32
        %dma_start3A_149 = tpu.memref_slice %arg4[%add3A_148] : memref<320000xi32, #tpu.memory_space<hbm>> -> memref<40xi32, #tpu.memory_space<hbm>>
        %dma_start3A_150 = tpu.memref_slice %arg4[%add3A_148] : memref<320000xi32, #tpu.memory_space<hbm>> -> memref<40xi32, #tpu.memory_space<hbm>>
        tpu.enqueue_dma source(%dma_start3A_150 : memref<40xi32, #tpu.memory_space<hbm>>) target(%arg20 : memref<40xi32, #tpu.memory_space<vmem>>) target_semaphore(%arg14 : memref<!tpu.dma_semaphore, #tpu.memory_space<semaphore_mem>>)
        %add3A_151 = arith.constant 5 : i32
        %add3A_152 = arith.addi %add3A_96, %add3A_151 : i32
        %mul3A_153 = arith.constant 40 : i32
        %mul3A_154 = arith.muli %add3A_152, %mul3A_153 : i32
        %dma_start3A_155 = tpu.memref_slice %arg17[%mul3A_154] : memref<10000xi32, #tpu.memory_space<vmem>> -> memref<40xi32, #tpu.memory_space<vmem>>
        %dma_start3A_156 = arith.constant 0 : i32
        %dma_start3A_157 = arith.constant 0 : i32
        %dma_start3A_158 = tpu.memref_slice %arg2[%dma_start3A_156, %dma_start3A_157] : memref<10000x128xf32, #tpu.memory_space<hbm>> -> memref<10000x128xf32, #tpu.memory_space<hbm>>
        tpu.enqueue_indirect_dma source(%dma_start3A_158 : memref<10000x128xf32, #tpu.memory_space<hbm>>) target(%arg9 : memref<40x128xf32, #tpu.memory_space<vmem>>) offsets(%dma_start3A_155 : memref<40xi32, #tpu.memory_space<vmem>>) semaphore(%arg14 : memref<!tpu.dma_semaphore, #tpu.memory_space<semaphore_mem>>)
      } else {
      }
      %add3A_111 = arith.constant 3 : i32
      %add3A_112 = arith.addi %mul3A_64, %add3A_111 : i32
      %dma_wait3A_113 = tpu.memref_slice %arg4[%mul3A_2] : memref<320000xi32, #tpu.memory_space<hbm>> -> memref<40xi32, #tpu.memory_space<hbm>>
      %dma_wait3A_114 = tpu.memref_slice %arg4[%mul3A_2] : memref<320000xi32, #tpu.memory_space<hbm>> -> memref<40xi32, #tpu.memory_space<hbm>>
      tpu.wait_dma2 semaphore(%arg15 : memref<!tpu.dma_semaphore, #tpu.memory_space<semaphore_mem>>) src(%dma_wait3A_114 : memref<40xi32, #tpu.memory_space<hbm>>) dst(%arg21 : memref<40xi32, #tpu.memory_space<vmem>>)
      %dma_wait3A_115 = arith.constant 0 : i32
      %dma_wait3A_116 = tpu.memref_slice %arg17[%dma_wait3A_115] : memref<10000xi32, #tpu.memory_space<vmem>> -> memref<40xi32, #tpu.memory_space<vmem>>
      %dma_wait3A_117 = arith.constant 0 : i32
      %dma_wait3A_118 = arith.constant 0 : i32
      %dma_wait3A_119 = tpu.memref_slice %arg2[%dma_wait3A_117, %dma_wait3A_118] : memref<10000x128xf32, #tpu.memory_space<hbm>> -> memref<10000x128xf32, #tpu.memory_space<hbm>>
      tpu.wait_indirect_dma semaphore(%arg15 : memref<!tpu.dma_semaphore, #tpu.memory_space<semaphore_mem>>) src(%dma_wait3A_119 : memref<10000x128xf32, #tpu.memory_space<hbm>>) dst(%arg10 : memref<40x128xf32, #tpu.memory_space<vmem>>)
      "tpu.region"() ({
        %run_scoped3A = tpu.sem_alloc : memref<!tpu.dma_semaphore, #tpu.memory_space<semaphore_mem>>
        %dma_start3A_144 = arith.constant 0 : i32
        %dma_start3A_145 = arith.constant 0 : i32
        %dma_start3A_146 = tpu.memref_slice %arg23[%dma_start3A_144, %dma_start3A_145] : memref<5000x128xf32, #tpu.memory_space<vmem_shared>> -> memref<5000x128xf32, #tpu.memory_space<vmem_shared>>
        tpu.enqueue_indirect_dma source(%arg10 : memref<40x128xf32, #tpu.memory_space<vmem>>) target(%dma_start3A_146 : memref<5000x128xf32, #tpu.memory_space<vmem_shared>>) offsets(%arg21 : memref<40xi32, #tpu.memory_space<vmem>>) semaphore(%run_scoped3A : memref<!tpu.dma_semaphore, #tpu.memory_space<semaphore_mem>>) {add = true}
        %dma_wait3A_147 = arith.constant 0 : i32
        %dma_wait3A_148 = arith.constant 0 : i32
        %dma_wait3A_149 = tpu.memref_slice %arg23[%dma_wait3A_147, %dma_wait3A_148] : memref<5000x128xf32, #tpu.memory_space<vmem_shared>> -> memref<5000x128xf32, #tpu.memory_space<vmem_shared>>
        tpu.wait_indirect_dma semaphore(%run_scoped3A : memref<!tpu.dma_semaphore, #tpu.memory_space<semaphore_mem>>) src(%arg10 : memref<40x128xf32, #tpu.memory_space<vmem>>) dst(%dma_wait3A_149 : memref<5000x128xf32, #tpu.memory_space<vmem_shared>>)
        tpu.yield
      }) : () -> ()
      %add3A_120 = arith.constant 5 : i32
      %add3A_121 = arith.addi %add3A_112, %add3A_120 : i32
      %lt3A_122 = arith.constant 250 : i32
      %lt3A_123 = arith.cmpi slt, %add3A_121, %lt3A_122 : i32
      %convert_element_type3A_124 = arith.extui %lt3A_123 : i1 to i32
      %cond3A_125 = arith.constant 0 : i32
      %cond3A_126 = arith.cmpi ne, %convert_element_type3A_124, %cond3A_125 : i32
      scf.if %cond3A_126 {
        %add3A_144 = arith.constant 5 : i32
        %add3A_145 = arith.addi %add3A_112, %add3A_144 : i32
        %mul3A_146 = arith.constant 40 : i32
        %mul3A_147 = arith.muli %add3A_145, %mul3A_146 : i32
        %add3A_148 = arith.addi %mul3A_2, %mul3A_147 : i32
        %dma_start3A_149 = tpu.memref_slice %arg4[%add3A_148] : memref<320000xi32, #tpu.memory_space<hbm>> -> memref<40xi32, #tpu.memory_space<hbm>>
        %dma_start3A_150 = tpu.memref_slice %arg4[%add3A_148] : memref<320000xi32, #tpu.memory_space<hbm>> -> memref<40xi32, #tpu.memory_space<hbm>>
        tpu.enqueue_dma source(%dma_start3A_150 : memref<40xi32, #tpu.memory_space<hbm>>) target(%arg21 : memref<40xi32, #tpu.memory_space<vmem>>) target_semaphore(%arg15 : memref<!tpu.dma_semaphore, #tpu.memory_space<semaphore_mem>>)
        %add3A_151 = arith.constant 5 : i32
        %add3A_152 = arith.addi %add3A_112, %add3A_151 : i32
        %mul3A_153 = arith.constant 40 : i32
        %mul3A_154 = arith.muli %add3A_152, %mul3A_153 : i32
        %dma_start3A_155 = tpu.memref_slice %arg17[%mul3A_154] : memref<10000xi32, #tpu.memory_space<vmem>> -> memref<40xi32, #tpu.memory_space<vmem>>
        %dma_start3A_156 = arith.constant 0 : i32
        %dma_start3A_157 = arith.constant 0 : i32
        %dma_start3A_158 = tpu.memref_slice %arg2[%dma_start3A_156, %dma_start3A_157] : memref<10000x128xf32, #tpu.memory_space<hbm>> -> memref<10000x128xf32, #tpu.memory_space<hbm>>
        tpu.enqueue_indirect_dma source(%dma_start3A_158 : memref<10000x128xf32, #tpu.memory_space<hbm>>) target(%arg10 : memref<40x128xf32, #tpu.memory_space<vmem>>) offsets(%dma_start3A_155 : memref<40xi32, #tpu.memory_space<vmem>>) semaphore(%arg15 : memref<!tpu.dma_semaphore, #tpu.memory_space<semaphore_mem>>)
      } else {
      }
      %add3A_127 = arith.constant 4 : i32
      %add3A_128 = arith.addi %mul3A_64, %add3A_127 : i32
      %dma_wait3A_129 = tpu.memref_slice %arg4[%mul3A_2] : memref<320000xi32, #tpu.memory_space<hbm>> -> memref<40xi32, #tpu.memory_space<hbm>>
      %dma_wait3A_130 = tpu.memref_slice %arg4[%mul3A_2] : memref<320000xi32, #tpu.memory_space<hbm>> -> memref<40xi32, #tpu.memory_space<hbm>>
      tpu.wait_dma2 semaphore(%arg16 : memref<!tpu.dma_semaphore, #tpu.memory_space<semaphore_mem>>) src(%dma_wait3A_130 : memref<40xi32, #tpu.memory_space<hbm>>) dst(%arg22 : memref<40xi32, #tpu.memory_space<vmem>>)
      %dma_wait3A_131 = arith.constant 0 : i32
      %dma_wait3A_132 = tpu.memref_slice %arg17[%dma_wait3A_131] : memref<10000xi32, #tpu.memory_space<vmem>> -> memref<40xi32, #tpu.memory_space<vmem>>
      %dma_wait3A_133 = arith.constant 0 : i32
      %dma_wait3A_134 = arith.constant 0 : i32
      %dma_wait3A_135 = tpu.memref_slice %arg2[%dma_wait3A_133, %dma_wait3A_134] : memref<10000x128xf32, #tpu.memory_space<hbm>> -> memref<10000x128xf32, #tpu.memory_space<hbm>>
      tpu.wait_indirect_dma semaphore(%arg16 : memref<!tpu.dma_semaphore, #tpu.memory_space<semaphore_mem>>) src(%dma_wait3A_135 : memref<10000x128xf32, #tpu.memory_space<hbm>>) dst(%arg11 : memref<40x128xf32, #tpu.memory_space<vmem>>)
      "tpu.region"() ({
        %run_scoped3A = tpu.sem_alloc : memref<!tpu.dma_semaphore, #tpu.memory_space<semaphore_mem>>
        %dma_start3A_144 = arith.constant 0 : i32
        %dma_start3A_145 = arith.constant 0 : i32
        %dma_start3A_146 = tpu.memref_slice %arg23[%dma_start3A_144, %dma_start3A_145] : memref<5000x128xf32, #tpu.memory_space<vmem_shared>> -> memref<5000x128xf32, #tpu.memory_space<vmem_shared>>
        tpu.enqueue_indirect_dma source(%arg11 : memref<40x128xf32, #tpu.memory_space<vmem>>) target(%dma_start3A_146 : memref<5000x128xf32, #tpu.memory_space<vmem_shared>>) offsets(%arg22 : memref<40xi32, #tpu.memory_space<vmem>>) semaphore(%run_scoped3A : memref<!tpu.dma_semaphore, #tpu.memory_space<semaphore_mem>>) {add = true}
        %dma_wait3A_147 = arith.constant 0 : i32
        %dma_wait3A_148 = arith.constant 0 : i32
        %dma_wait3A_149 = tpu.memref_slice %arg23[%dma_wait3A_147, %dma_wait3A_148] : memref<5000x128xf32, #tpu.memory_space<vmem_shared>> -> memref<5000x128xf32, #tpu.memory_space<vmem_shared>>
        tpu.wait_indirect_dma semaphore(%run_scoped3A : memref<!tpu.dma_semaphore, #tpu.memory_space<semaphore_mem>>) src(%arg11 : memref<40x128xf32, #tpu.memory_space<vmem>>) dst(%dma_wait3A_149 : memref<5000x128xf32, #tpu.memory_space<vmem_shared>>)
        tpu.yield
      }) : () -> ()
      %add3A_136 = arith.constant 5 : i32
      %add3A_137 = arith.addi %add3A_128, %add3A_136 : i32
      %lt3A_138 = arith.constant 250 : i32
      %lt3A_139 = arith.cmpi slt, %add3A_137, %lt3A_138 : i32
      %convert_element_type3A_140 = arith.extui %lt3A_139 : i1 to i32
      %cond3A_141 = arith.constant 0 : i32
      %cond3A_142 = arith.cmpi ne, %convert_element_type3A_140, %cond3A_141 : i32
      scf.if %cond3A_142 {
        %add3A_144 = arith.constant 5 : i32
        %add3A_145 = arith.addi %add3A_128, %add3A_144 : i32
        %mul3A_146 = arith.constant 40 : i32
        %mul3A_147 = arith.muli %add3A_145, %mul3A_146 : i32
        %add3A_148 = arith.addi %mul3A_2, %mul3A_147 : i32
        %dma_start3A_149 = tpu.memref_slice %arg4[%add3A_148] : memref<320000xi32, #tpu.memory_space<hbm>> -> memref<40xi32, #tpu.memory_space<hbm>>
        %dma_start3A_150 = tpu.memref_slice %arg4[%add3A_148] : memref<320000xi32, #tpu.memory_space<hbm>> -> memref<40xi32, #tpu.memory_space<hbm>>
        tpu.enqueue_dma source(%dma_start3A_150 : memref<40xi32, #tpu.memory_space<hbm>>) target(%arg22 : memref<40xi32, #tpu.memory_space<vmem>>) target_semaphore(%arg16 : memref<!tpu.dma_semaphore, #tpu.memory_space<semaphore_mem>>)
        %add3A_151 = arith.constant 5 : i32
        %add3A_152 = arith.addi %add3A_128, %add3A_151 : i32
        %mul3A_153 = arith.constant 40 : i32
        %mul3A_154 = arith.muli %add3A_152, %mul3A_153 : i32
        %dma_start3A_155 = tpu.memref_slice %arg17[%mul3A_154] : memref<10000xi32, #tpu.memory_space<vmem>> -> memref<40xi32, #tpu.memory_space<vmem>>
        %dma_start3A_156 = arith.constant 0 : i32
        %dma_start3A_157 = arith.constant 0 : i32
        %dma_start3A_158 = tpu.memref_slice %arg2[%dma_start3A_156, %dma_start3A_157] : memref<10000x128xf32, #tpu.memory_space<hbm>> -> memref<10000x128xf32, #tpu.memory_space<hbm>>
        tpu.enqueue_indirect_dma source(%dma_start3A_158 : memref<10000x128xf32, #tpu.memory_space<hbm>>) target(%arg11 : memref<40x128xf32, #tpu.memory_space<vmem>>) offsets(%dma_start3A_155 : memref<40xi32, #tpu.memory_space<vmem>>) semaphore(%arg16 : memref<!tpu.dma_semaphore, #tpu.memory_space<semaphore_mem>>)
      } else {
      }
      %scan3A_143 = arith.constant 0 : i32
      scf.yield %scan3A_143 : i32
    }
    %scan3A_54 = arith.constant 50 : i32
    %barrier3A_55 = arith.constant 0 : index
    tpu.barrier barrier_id(%barrier3A_55)
    %eq3A_56 = arith.constant 0 : i32
    %eq3A_57 = arith.cmpi eq, %arg1, %eq3A_56 : i32
    %convert_element_type3A_58 = arith.extui %eq3A_57 : i1 to i32
    %cond3A_59 = arith.constant 0 : i32
    %cond3A_60 = arith.cmpi ne, %convert_element_type3A_58, %cond3A_59 : i32
    scf.if %cond3A_60 {
      "tpu.region"() ({
        %run_scoped3A = tpu.sem_alloc : memref<!tpu.dma_semaphore, #tpu.memory_space<semaphore_mem>>
        %dma_start3A_61 = arith.constant 0 : i32
        %dma_start3A_62 = arith.constant 0 : i32
        %dma_start3A_63 = tpu.memref_slice %arg6[%arg0, %dma_start3A_61, %dma_start3A_62] : memref<2x5000x128xf32, #tpu.memory_space<hbm>> -> memref<1x5000x128xf32, #tpu.memory_space<hbm>>
        %dma_start3A_64 = tpu.memref_squeeze %dma_start3A_63 : memref<1x5000x128xf32, #tpu.memory_space<hbm>> -> memref<5000x128xf32, #tpu.memory_space<hbm>>
        tpu.enqueue_dma source(%arg23 : memref<5000x128xf32, #tpu.memory_space<vmem_shared>>) target(%dma_start3A_64 : memref<5000x128xf32, #tpu.memory_space<hbm>>) target_semaphore(%run_scoped3A : memref<!tpu.dma_semaphore, #tpu.memory_space<semaphore_mem>>)
        %dma_wait3A = arith.constant 0 : i32
        %dma_wait3A_65 = arith.constant 0 : i32
        %dma_wait3A_66 = tpu.memref_slice %arg6[%arg0, %dma_wait3A, %dma_wait3A_65] : memref<2x5000x128xf32, #tpu.memory_space<hbm>> -> memref<1x5000x128xf32, #tpu.memory_space<hbm>>
        %dma_wait3A_67 = tpu.memref_squeeze %dma_wait3A_66 : memref<1x5000x128xf32, #tpu.memory_space<hbm>> -> memref<5000x128xf32, #tpu.memory_space<hbm>>
        tpu.wait_dma2 semaphore(%run_scoped3A : memref<!tpu.dma_semaphore, #tpu.memory_space<semaphore_mem>>) src(%arg23 : memref<5000x128xf32, #tpu.memory_space<vmem_shared>>) dst(%dma_wait3A_67 : memref<5000x128xf32, #tpu.memory_space<hbm>>)
        tpu.yield
      }) : () -> ()
    } else {
    }
    return
  }
}

module attributes {stable_mosaic.version = 14 : i64} {
  func.func @_norm_body(%arg0: i32, %arg1: memref<2x1000x128xf32, #tpu.memory_space<vmem>>, %arg2: memref<2x1000x128xf32, #tpu.memory_space<vmem>>, %arg3: memref<1000x128xf32, #tpu.memory_space<vmem>>) attributes {dimension_semantics = [#tpu.dimension_semantics<arbitrary>], iteration_bounds = array<i64: 5>, scalar_prefetch = 0 : i64, scratch_operands = 0 : i64, tpu.core_type = #tpu.core_type<tc>, window_params = [{transform_indices = @transform_0, window_bounds = array<i64: 2, 1000, 128>}, {transform_indices = @transform_1, window_bounds = array<i64: 2, 1000, 128>}, {transform_indices = @transform_2, window_bounds = array<i64: 1000, 128>}]} {
    %get3A = arith.constant 0 : index
    %get3A_0 = arith.constant 0 : index
    %get3A_1 = arith.constant 0 : index
    %get3A_2 = vector.load %arg2[%get3A, %get3A_0, %get3A_1] : memref<2x1000x128xf32, #tpu.memory_space<vmem>>, vector<1x1000x1xf32>
    %get3A_3 = vector.shape_cast %get3A_2 : vector<1x1000x1xf32> to vector<1000xf32>
    %get3A_4 = arith.constant 1 : index
    %get3A_5 = arith.constant 0 : index
    %get3A_6 = arith.constant 0 : index
    %get3A_7 = vector.load %arg2[%get3A_4, %get3A_5, %get3A_6] : memref<2x1000x128xf32, #tpu.memory_space<vmem>>, vector<1x1000x1xf32>
    %get3A_8 = vector.shape_cast %get3A_7 : vector<1x1000x1xf32> to vector<1000xf32>
    %add3A = arith.addf %get3A_3, %get3A_8 : vector<1000xf32>
    %get3A_9 = arith.constant 0 : index
    %get3A_10 = arith.constant 0 : index
    %get3A_11 = arith.constant 0 : index
    %get3A_12 = vector.load %arg1[%get3A_9, %get3A_10, %get3A_11] : memref<2x1000x128xf32, #tpu.memory_space<vmem>>, vector<1x1000x128xf32>
    %get3A_13 = vector.shape_cast %get3A_12 : vector<1x1000x128xf32> to vector<1000x128xf32>
    %get3A_14 = arith.constant 1 : index
    %get3A_15 = arith.constant 0 : index
    %get3A_16 = arith.constant 0 : index
    %get3A_17 = vector.load %arg1[%get3A_14, %get3A_15, %get3A_16] : memref<2x1000x128xf32, #tpu.memory_space<vmem>>, vector<1x1000x128xf32>
    %get3A_18 = vector.shape_cast %get3A_17 : vector<1x1000x128xf32> to vector<1000x128xf32>
    %add3A_19 = arith.addf %get3A_13, %get3A_18 : vector<1000x128xf32>
    %jit3A = arith.constant 1.000000e+00 : f32
    %max3A = vector.broadcast %jit3A : f32 to vector<1000xf32>
    %max3A_20 = arith.maximumf %max3A, %add3A : vector<1000xf32>
    %broadcast_in_dim3A = vector.shape_cast %max3A_20 : vector<1000xf32> to vector<1000x1xf32>
    %div3A = vector.broadcast %broadcast_in_dim3A : vector<1000x1xf32> to vector<1000x128xf32>
    %div3A_21 = arith.divf %add3A_19, %div3A : vector<1000x128xf32>
    %swap3A = arith.constant 0 : index
    %swap3A_22 = arith.constant 0 : index
    %swap3A_23 = vector.load %arg3[%swap3A, %swap3A_22] : memref<1000x128xf32, #tpu.memory_space<vmem>>, vector<1000x128xf32>
    tpu.vector_store %arg3[%swap3A, %swap3A_22], %div3A_21 {strides = array<i32>} : memref<1000x128xf32, #tpu.memory_space<vmem>>, vector<1000x128xf32>,
    return
  }
  func.func @transform_0(%arg0: i32) -> (i32, i32, i32) {
    %c0_i32 = arith.constant 0 : i32
    %c0_i32_0 = arith.constant 0 : i32
    %c0_i32_1 = arith.constant 0 : i32
    return %c0_i32, %arg0, %c0_i32_0 : i32, i32, i32
  }
  func.func @transform_1(%arg0: i32) -> (i32, i32, i32) {
    %c0_i32 = arith.constant 0 : i32
    %c0_i32_0 = arith.constant 0 : i32
    %c0_i32_1 = arith.constant 0 : i32
    return %c0_i32, %arg0, %c0_i32_0 : i32, i32, i32
  }
  func.func @transform_2(%arg0: i32) -> (i32, i32) {
    %c0_i32 = arith.constant 0 : i32
    %c0_i32_0 = arith.constant 0 : i32
    return %arg0, %c0_i32 : i32, i32
  }
}

module attributes {stable_mosaic.version = 14 : i64} {
  func.func @_tail_body(%arg0: i32, %arg1: memref<2x1000x128xf32, #tpu.memory_space<vmem>>, %arg2: memref<2x1000x128xf32, #tpu.memory_space<vmem>>, %arg3: memref<1000x128xf32, #tpu.memory_space<vmem>>, %arg4: memref<128x128xf32, #tpu.memory_space<vmem>>, %arg5: memref<1x2xf32, #tpu.memory_space<smem>>, %arg6: memref<1000x128xf32, #tpu.memory_space<vmem>>) attributes {dimension_semantics = [#tpu.dimension_semantics<arbitrary>], iteration_bounds = array<i64: 10>, scalar_prefetch = 0 : i64, scratch_operands = 0 : i64, tpu.core_type = #tpu.core_type<tc>, window_params = [{transform_indices = @transform_0, window_bounds = array<i64: 2, 1000, 128>}, {transform_indices = @transform_1, window_bounds = array<i64: 2, 1000, 128>}, {transform_indices = @transform_2, window_bounds = array<i64: 1000, 128>}, {pipeline_mode = #tpu.pipeline_mode<synchronous>, transform_indices = @transform_3, window_bounds = array<i64: 128, 128>}, {transform_indices = @transform_4, window_bounds = array<i64: 1, 2>}, {transform_indices = @transform_5, window_bounds = array<i64: 1000, 128>}]} {
    %get3A = arith.constant 0 : index
    %get3A_0 = arith.constant 0 : index
    %get3A_1 = memref.load %arg5[%get3A, %get3A_0] : memref<1x2xf32, #tpu.memory_space<smem>>
    %get3A_2 = arith.constant 0 : index
    %get3A_3 = arith.constant 1 : index
    %get3A_4 = memref.load %arg5[%get3A_2, %get3A_3] : memref<1x2xf32, #tpu.memory_space<smem>>
    %get3A_5 = arith.constant 0 : index
    %get3A_6 = arith.constant 0 : index
    %get3A_7 = arith.constant 0 : index
    %get3A_8 = vector.load %arg2[%get3A_5, %get3A_6, %get3A_7] : memref<2x1000x128xf32, #tpu.memory_space<vmem>>, vector<1x1000x1xf32>
    %get3A_9 = vector.shape_cast %get3A_8 : vector<1x1000x1xf32> to vector<1000xf32>
    %get3A_10 = arith.constant 1 : index
    %get3A_11 = arith.constant 0 : index
    %get3A_12 = arith.constant 0 : index
    %get3A_13 = vector.load %arg2[%get3A_10, %get3A_11, %get3A_12] : memref<2x1000x128xf32, #tpu.memory_space<vmem>>, vector<1x1000x1xf32>
    %get3A_14 = vector.shape_cast %get3A_13 : vector<1x1000x1xf32> to vector<1000xf32>
    %add3A = arith.addf %get3A_9, %get3A_14 : vector<1000xf32>
    %get3A_15 = arith.constant 0 : index
    %get3A_16 = arith.constant 0 : index
    %get3A_17 = arith.constant 0 : index
    %get3A_18 = vector.load %arg1[%get3A_15, %get3A_16, %get3A_17] : memref<2x1000x128xf32, #tpu.memory_space<vmem>>, vector<1x1000x128xf32>
    %get3A_19 = vector.shape_cast %get3A_18 : vector<1x1000x128xf32> to vector<1000x128xf32>
    %get3A_20 = arith.constant 1 : index
    %get3A_21 = arith.constant 0 : index
    %get3A_22 = arith.constant 0 : index
    %get3A_23 = vector.load %arg1[%get3A_20, %get3A_21, %get3A_22] : memref<2x1000x128xf32, #tpu.memory_space<vmem>>, vector<1x1000x128xf32>
    %get3A_24 = vector.shape_cast %get3A_23 : vector<1x1000x128xf32> to vector<1000x128xf32>
    %add3A_25 = arith.addf %get3A_19, %get3A_24 : vector<1000x128xf32>
    %jit3A = arith.constant 1.000000e+00 : f32
    %max3A = vector.broadcast %jit3A : f32 to vector<1000xf32>
    %max3A_26 = arith.maximumf %max3A, %add3A : vector<1000xf32>
    %broadcast_in_dim3A = vector.shape_cast %max3A_26 : vector<1000xf32> to vector<1000x1xf32>
    %div3A = vector.broadcast %broadcast_in_dim3A : vector<1000x1xf32> to vector<1000x128xf32>
    %div3A_27 = arith.divf %add3A_25, %div3A : vector<1000x128xf32>
    %sub3A = arith.constant 1.000000e+00 : f32
    %sub3A_28 = arith.subf %sub3A, %get3A_1 : f32
    %mul3A = vector.broadcast %sub3A_28 : f32 to vector<1000x128xf32>
    %mul3A_29 = arith.mulf %mul3A, %div3A_27 : vector<1000x128xf32>
    %get3A_30 = arith.constant 0 : index
    %get3A_31 = arith.constant 0 : index
    %get3A_32 = vector.load %arg3[%get3A_30, %get3A_31] : memref<1000x128xf32, #tpu.memory_space<vmem>>, vector<1000x128xf32>
    %mul3A_33 = vector.broadcast %get3A_1 : f32 to vector<1000x128xf32>
    %mul3A_34 = arith.mulf %mul3A_33, %get3A_32 : vector<1000x128xf32>
    %add3A_35 = arith.addf %mul3A_29, %mul3A_34 : vector<1000x128xf32>
    %sub3A_36 = arith.constant 1.000000e+00 : f32
    %sub3A_37 = arith.subf %sub3A_36, %get3A_4 : f32
    %mul3A_38 = vector.broadcast %sub3A_37 : f32 to vector<1000x128xf32>
    %mul3A_39 = arith.mulf %mul3A_38, %add3A_35 : vector<1000x128xf32>
    %get3A_40 = arith.constant 0 : index
    %get3A_41 = arith.constant 0 : index
    %get3A_42 = vector.load %arg4[%get3A_40, %get3A_41] : memref<128x128xf32, #tpu.memory_space<vmem>>, vector<128x128xf32>
    %transpose3A = tpu.transpose %get3A_42, [1, 0] : vector<128x128xf32> -> vector<128x128xf32>
    %dot_general3A = arith.constant dense<0.000000e+00> : vector<1000x128xf32>
    %dot_general3A_43 = tpu.matmul %add3A_35, %transpose3A, %dot_general3A {dimension_numbers = #tpu.dot_dimension_numbers<[1], [0], [0], [1], [0, 0, 1, 1], [], []>, transpose_lhs_hint = false} : vector<1000x128xf32>, vector<128x128xf32>, vector<1000x128xf32> -> vector<1000x128xf32>
    %mul3A_44 = vector.broadcast %get3A_4 : f32 to vector<1000x128xf32>
    %mul3A_45 = arith.mulf %mul3A_44, %dot_general3A_43 : vector<1000x128xf32>
    %add3A_46 = arith.addf %mul3A_39, %mul3A_45 : vector<1000x128xf32>
    %swap3A = arith.constant 0 : index
    %swap3A_47 = arith.constant 0 : index
    %swap3A_48 = vector.load %arg6[%swap3A, %swap3A_47] : memref<1000x128xf32, #tpu.memory_space<vmem>>, vector<1000x128xf32>
    tpu.vector_store %arg6[%swap3A, %swap3A_47], %add3A_46 {strides = array<i32>} : memref<1000x128xf32, #tpu.memory_space<vmem>>, vector<1000x128xf32>,
    return
  }
  func.func @transform_0(%arg0: i32) -> (i32, i32, i32) {
    %c0_i32 = arith.constant 0 : i32
    %c0_i32_0 = arith.constant 0 : i32
    %c0_i32_1 = arith.constant 0 : i32
    return %c0_i32, %arg0, %c0_i32_0 : i32, i32, i32
  }
  func.func @transform_1(%arg0: i32) -> (i32, i32, i32) {
    %c0_i32 = arith.constant 0 : i32
    %c0_i32_0 = arith.constant 0 : i32
    %c0_i32_1 = arith.constant 0 : i32
    return %c0_i32, %arg0, %c0_i32_0 : i32, i32, i32
  }
  func.func @transform_2(%arg0: i32) -> (i32, i32) {
    %c0_i32 = arith.constant 0 : i32
    %c0_i32_0 = arith.constant 0 : i32
    return %arg0, %c0_i32 : i32, i32
  }
  func.func @transform_3(%arg0: i32) -> (i32, i32) {
    %c0_i32 = arith.constant 0 : i32
    %c0_i32_0 = arith.constant 0 : i32
    %c0_i32_1 = arith.constant 0 : i32
    return %c0_i32, %c0_i32_0 : i32, i32
  }
  func.func @transform_4(%arg0: i32) -> (i32, i32) {
    %c0_i32 = arith.constant 0 : i32
    %c0_i32_0 = arith.constant 0 : i32
    %c0_i32_1 = arith.constant 0 : i32
    return %c0_i32, %c0_i32_0 : i32, i32
  }
  func.func @transform_5(%arg0: i32) -> (i32, i32) {
    %c0_i32 = arith.constant 0 : i32
    %c0_i32_0 = arith.constant 0 : i32
    return %arg0, %c0_i32 : i32, i32
  }
}

</mosaic_0001>

<sc_bundles>
// kernel: kernel.11.cloned.1.call-start
scs
__scs_entry_jumppad:
0x0: {  	(pc) =	sbr.rel $0x88, $3  }
0x1: {  	(tag) =	ssettag $0x0;
	lr =	simm.s32 $0x1  }
0x2: {  	[smem:$0x3F9A] =	sst lr;
	_ =	strace $0xD0000000  }
0x3: {  	_ = 	snop  }
0x4: {  	_ = 	snop  }
0x5: {  	_ = 	snop  }
0x6: {  	_ = 	snop  }
0x7: {  	_ = 	snop  }
__scs_overlays_trampoline_lowered:
0x8: {  	[smem:$0x3FA9] =	sst s0  }
0x9: {  	[smem:$0x3FAA] =	sst s1  }
0xa: {  	[smem:$0x3FAB] =	sst s2  }
0xb: {  	[smem:$0x3FAC] =	sst s3  }
0xc: {  	[smem:$0x3FAD] =	sst s4  }
0xd: {  	[smem:$0x3FAE] =	sst s5  }
0xe: {  	[smem:$0x3FAF] =	sst s6  }
0xf: {  	[smem:$0x3FB0] =	sst s7  }
0x10: {  	[smem:$0x3FB1] =	sst s8  }
0x11: {  	[smem:$0x3FB2] =	sst s9;
	s0 =	simm.s32 @!p0 $0x0  }
0x12: {  	s1 =	sld [smem:$0x3F98];
	s0 =	simm.s32 @p0 $0x1  }
0x13: {  	[smem:$0x3FB3] =	sst s0;
	s0 =	simm.s32 @!p1 $0x0  }
0x14: {  	s2 =	sld [smem:$0x3F97];
	s0 =	simm.s32 @p1 $0x1  }
0x15: {  	[smem:$0x3FB4] =	sst s0;
	s0 =	simm.s32 @!p2 $0x0  }
0x16: {  	s3 =	sld [smem:$0x3FDB];
	s0 =	simm.s32 @p2 $0x1  }
0x17: {  	s4 =	simm.s32 $0x1BF5;
	[smem:$0x3FB6] =	sst s0  }
0x18: {  	s0 =	sld [smem:$0x3F99];
	_ =	swait.ge [sflag:s4], $0x0  }
0x19: {  	s7 =	sld [smem:$0x3F9A]  }
0x1a: {  	s8 =	sadd.s32 $0xFFFFE003, lr  }
0x1b: {  	s9 =	sadd.s32 $0xFFFFFEF7, lr;
	s5 =	simm.s32 $0xFFFFFFFF;
	p2 =	slt.u32 s8, $0xFFFFF086  }
0x1c: {  	p1 =	slt.u32 s9, $0xF7A;
	s5 =	simm.s32 @!p2 $0x0  }
0x1d: {  	s5 =	simm.s32 @p1 $0x1;
	p0 =	seq.s32 s7, s2  }
0x1e: {  	s7 =	smul.u32 @!p0 $0xF7A, s2;
	p2 =	seq.s32 @!p0 s5, $0x0  }
0x1f: {  	s9 =	smul.u32 $0xF7A, s1;
	s8 =	simm.s32 @!p0 $0x1BF5;
	p2 =	por !p2, p0  }
0x20: {  	[sflag:s8] =	ssyncset.s32 @!p0 $0xFFFFF086;
	s6 =	sadd.s32 @!p0 s3, s7;
	s7 =	simm.s32 @!p0 $0x108  }
0x21: {  	s3 =	sadd.s32 s3, s9;
	s6 =	sadd.s32 @!p0 $0x88, s6;
	s7 =	simm.s32 @p2 $0x1082  }
0x22: {  	[simem:s7], [sflag:s8] =	dma.local @!p0 [hbm:s6], $0xF7A  }
0x23: {  	s9 =	sor.u32 $0xD0000000, s2;
	s6 =	simm.s32 $0x108;
	_ =	swait.ge @!p0 [sflag:s8], $0x0  }
0x24: {  	s3 =	sadd.s32 $0x88, s3;
	s6 =	simm.s32 @!p1 $0x1082;
	[sflag:s4] =	ssyncset.s32 $0xFFFFF086  }
0x25: {  	[simem:s6], [sflag:s4] =	dma.local [hbm:s3], $0xF7A  }
0x26: {  	[smem:$0x3F9A] =	sst s1;
	(tag) =	ssettag s2;
	_ =	strace s9  }
0x27: {  	s1 =	sld [smem:$0x3FAA]  }
0x28: {  	s2 =	sld [smem:$0x3FAB]  }
0x29: {  	s4 =	sld [smem:$0x3FAD]  }
0x2a: {  	p0 =	seq.s32 s5, $0x0;
	s5 =	sld [smem:$0x3FAE]  }
0x2b: {  	s6 =	sld [smem:$0x3FAF]  }
0x2c: {  	s7 =	sld [smem:$0x3FB0]  }
0x2d: {  	s3 =	simm.s32 $0x108;
	s8 =	sld [smem:$0x3FB1]  }
0x2e: {  	s3 =	simm.s32 @!p0 $0x1082;
	s9 =	sld [smem:$0x3FB2]  }
0x2f: {  	lr =	sadd.s32 s0, s3;
	s0 =	sld [smem:$0x3FA9]  }
0x30: {  	s3 =	sld [smem:$0x3FAC]  }
0x31: {  	[smem:$0x3FB5] =	sst s10  }
0x32: {  	s10 =	sld [smem:$0x3FB3];
	_ =	sdelay $0x3  }
0x33: {  	p0 =	seq.s32 s10, $0x1;
	s10 =	sld [smem:$0x3FB5];
	_ =	sdelay $0x3  }
0x34: {  	[smem:$0x3FB5] =	sst s10  }
0x35: {  	s10 =	sld [smem:$0x3FB4];
	_ =	sdelay $0x3  }
0x36: {  	p1 =	seq.s32 s10, $0x1;
	s10 =	sld [smem:$0x3FB5];
	_ =	sdelay $0x3  }
0x37: {  	[smem:$0x3FB5] =	sst s10  }
0x38: {  	s10 =	sld [smem:$0x3FB6]  }
0x39: {  	_ = 	snop;
	(pc) =	sbr.ind lr, $3  }
0x3a: {  	_ = 	snop  }
0x3b: {  	_ = 	snop  }
0x3c: {  	p2 =	seq.s32 s10, $0x1;
	s10 =	sld [smem:$0x3FB5]  }
0x3d: {  	_ =	shalt  }
0x3e: {  	_ =	shalt  }
0x3f: {  	_ =	shalt  }
0x40: {  	_ =	shalt  }
0x41: {  	_ =	shalt  }
0x42: {  	_ =	shalt  }
0x43: {  	_ =	shalt  }
0x44: {  	_ =	shalt  }
0x45: {  	_ =	shalt  }
0x46: {  	_ =	shalt  }
0x47: {  	_ =	shalt  }
0x48: {  	_ =	shalt  }
0x49: {  	_ =	shalt  }
0x4a: {  	_ =	shalt  }
0x4b: {  	_ =	shalt  }
0x4c: {  	_ =	shalt  }
0x4d: {  	_ =	shalt  }
0x4e: {  	_ =	shalt  }
0x4f: {  	_ =	shalt  }
0x50: {  	_ =	shalt  }
0x51: {  	_ =	shalt  }
0x52: {  	_ =	shalt  }
0x53: {  	_ =	shalt  }
0x54: {  	_ =	shalt  }
0x55: {  	_ =	shalt  }
0x56: {  	_ =	shalt  }
0x57: {  	_ =	shalt  }
0x58: {  	_ =	shalt  }
0x59: {  	_ =	shalt  }
0x5a: {  	_ =	shalt  }
0x5b: {  	_ =	shalt  }
0x5c: {  	_ =	shalt  }
0x5d: {  	_ =	shalt  }
0x5e: {  	_ =	shalt  }
0x5f: {  	_ =	shalt  }
0x60: {  	_ =	shalt  }
0x61: {  	_ =	shalt  }
0x62: {  	_ =	shalt  }
0x63: {  	_ =	shalt  }
0x64: {  	_ =	shalt  }
0x65: {  	_ =	shalt  }
0x66: {  	_ =	shalt  }
0x67: {  	_ =	shalt  }
0x68: {  	_ =	shalt  }
0x69: {  	_ =	shalt  }
0x6a: {  	_ =	shalt  }
0x6b: {  	_ =	shalt  }
0x6c: {  	_ =	shalt  }
0x6d: {  	_ =	shalt  }
0x6e: {  	_ =	shalt  }
0x6f: {  	_ =	shalt  }
0x70: {  	_ =	shalt  }
0x71: {  	_ =	shalt  }
0x72: {  	_ =	shalt  }
0x73: {  	_ =	shalt  }
0x74: {  	_ =	shalt  }
0x75: {  	_ =	shalt  }
0x76: {  	_ =	shalt  }
0x77: {  	_ =	shalt  }
0x78: {  	_ =	shalt  }
0x79: {  	_ =	shalt  }
0x7a: {  	_ =	shalt  }
0x7b: {  	_ =	shalt  }
0x7c: {  	_ =	shalt  }
0x7d: {  	_ =	shalt  }
0x7e: {  	_ =	shalt  }
0x7f: {  	_ =	shalt  }
0x80: {  	_ =	shalt  }
0x81: {  	_ =	shalt  }
0x82: {  	_ =	shalt  }
0x83: {  	_ =	shalt  }
0x84: {  	_ =	shalt  }
0x85: {  	_ =	shalt  }
0x86: {  	_ =	shalt  }
0x87: {  	_ =	shalt  }
.Lfunc_end0:
.L_simem_size_0:
called_computation.1_lowered:
.L_overlay_start_0:
0x88: {  	s2 =	sld [smem:$0x3FD9]  }
0x89: {  	s3 =	sld [smem:$0x3FFE];
	_ =	sdelay $0x1  }
0x8a: {  	s1 =	srdreg.scid  }
0x8b: {  	s0 =	sand.u32 $0x1, s1  }
0x8c: {  	s17 =	sshll.u32 s0, $0xA;
	s2 =	sadd.s32 s3, s2  }
0x8d: {  	s2 =	sadd.s32 s2, s17  }
0x8e: {  	[smem:$0x3FC1] =	sst s2  }
0x8f: {  	_ = 	snop  }
0x90: {  	s2 =	sld [smem:$0x3FC7];
	(tm) =	ssettm $0x1  }
0x91: {  	s18 =	sld [smem:$0x3FFB];
	_ =	sdelay $0x3  }
0x92: {  	_ =	strace s18  }
0x93: {  	s3 =	sld [smem:$0x3FFC];
	_ =	sdelay $0x3  }
0x94: {  	_ =	strace s3  }
0x95: {  	s3 =	sld [smem:$0x3FFD];
	_ =	sdelay $0x3  }
0x96: {  	_ =	strace s3  }
0x97: {  	_ =	strace $0x8FFFFFFF  }
0x98: {  	s19 =	sld [smem:$0x3FDB];
	_ =	sdelay $0x1  }
0x99: {  	s4 =	simm.s32 $_scs_section_size  }
0x9a: {  	s5 =	simm.s32 $_size__tile_overlayer_lowered;
	s6 =	simm.s32 $_tile_overlayer_lowered  }
0x9b: {  	s22 =	simm.s32 $0x1BFF;
	s21 =	sshll.u32 s6, $0x1;
	s3 =	sadd.s32 s4, s19  }
0x9c: {  	s7 =	simm.s32 $0x0;
	s20 =	sshll.u32 s5, $0x1;
	s5 =	sadd.s32 s21, s3  }
0x9d: {  	[timem:s7], [sflag:s22] =	dma.local [hbm:s5], s20  }
0x9e: {  	_ =	swait.ge [sflag:s22], s20  }
0x9f: {  	s4 =	ssub.s32 $0x0, s20;
	[sflag:s22] =	ssyncset.done $0x0  }
0xa0: {  	[sflag:s22] =	ssyncadd.s32 s4;
	_ =	sdelay $0x1  }
0xa1: {  	s23 =	simm.s32 $0x1B8B  }
0xa2: {  	_ =	swait.ge [sflag:s23], $0x1  }
0xa3: {  	[sflag:s23] =	ssyncset.done $0x0  }
0xa4: {  	s25 =	simm.s32 $0x1B8E;
	s24 =	sld [smem:$0x3FFE];
	[sflag:s23] =	ssyncadd.s32 $0xFFFFFFFF  }
0xa5: {  	s26 =	simm.s32 $execute0_lowered;
	[smem:$0x3FD2] =	sst s25  }
0xa6: {  	s5 =	sshll.u32 s26, $0x1;
	_ =	strace $0x80000046;
	[dreg:$0x1] =	wrdreg $0xFFFFFFFF  }
0xa7: {  	s28 =	simm.s32 $_size_execute0_lowered;
	s3 =	sadd.s32 s3, s5;
	[dreg:$0x0] =	wrdreg $0x0  }
0xa8: {  	s5 =	sshll.u32 s28, $0x1;
	[dreg:$0x2] =	wrdreg s3  }
0xa9: {  	[dreg:$0x3] =	wrdreg s5  }
0xaa: {  	[dreg:$0x4] =	wrdreg $0xC0  }
0xab: {  	_ =	task [dreg:s7], $0x5FFFF  }
0xac: {  	[dreg:$0x1] =	wrdreg $0xFFFFFFFF  }
0xad: {  	[dreg:$0x0] =	wrdreg $0x60  }
0xae: {  	[dreg:$0x2] =	wrdreg s2  }
0xaf: {  	[dreg:$0x3] =	wrdreg s24  }
0xb0: {  	[dreg:$0x4] =	wrdreg $0x2A800  }
0xb1: {  	[dreg:$0x5] =	wrdreg $0xB  }
0xb2: {  	_ =	task.clear_ibuf [dreg:s7], $0x6FFFF;
	_ =	strace $0x90000046  }
0xb3: {  	s29 =	simm.s32 $0xB;
	_ =	strace $0x80000048  }
0xb4: {  	_ =	swait.ge [sflag:s29], $0x1  }
0xb5: {  	[sflag:s29] =	ssyncadd.s32 $0xFFFFFFFF  }
0xb6: {  	_ =	strace $0x90000048  }
0xb7: {  	_ =	sfence  }
0xb8: {  	s30 =	sld [smem:$0x0];
	_ =	sdelay $0x2  }
0xb9: {  	s31 =	sshll.u32 s1, $0xD;
	s1 =	sshrl.u32 s1, $0x2  }
0xba: {  	s3 =	sand.u32 $0x4000, s31;
	s1 =	sadd.s32 s1, s30  }
0xbb: {  	s0 =	sor.u32 s3, s0;
	s1 =	sshll.u32 s1, $0x11  }
0xbc: {  	s0 =	sor.u32 s1, s0  }
0xbd: {  	s0 =	sadd.s32 $0x8F2B, s0  }
0xbe: {  	[sflag:s0] =	ssyncadd.remote.s32 $0x1  }
0xbf: {  	_ =	sfence.sel $0xFFFF  }
0xc0: {  	[dreg:$0x0] =	wrdreg $0xFFFFFFFF;
	(pc) =	sbr.abs _section_cstart, $3  }
0xc1: {  	[dreg:$0x1] =	wrdreg $0xFFFFFFFF  }
0xc2: {  	_ =	task.clear_ibuf [dreg:s7], $0x2FFFF;
	_ =	strace $0x9FFFFFFF  }
0xc3: {  	(tm) =	ssettm $0x7FFFFFFF  }
tec
execute0_lowered:
.L_overlay_start_1:
0x0: {  	(tag) =	ssettag $0x1  }
0x1: {  	s1 =	rddreg [dreg:$0x0]  }
0x2: {  	s5 =	rddreg [dreg:$0x1];
	s0 =	srdreg.scid  }
0x3: {  	s2 =	rddreg [dreg:$0x2];
	s17 =	stileid.u32  }
0x4: {  	s3 =	simm.s32 $0x0;
	s18 =	simm.s32 $0x100;
	s20 =	simm.s32 $0x200  }
0x5: {  	s21 =	simm.s32 $0x1;
	s28 =	simm.s32 $0x0;
	s6 =	sand.u32 $0x1, s0  }
0x6: {  	[smem:$0x7FF] =	sst s3;
	s22 =	sadd.s32 $0x2200, s5;
	s10 =	smul.u32 $0x2710, s17  }
0x7: {  	p0 =	sne.s32 s17, $0x0;
	s4 =	sshll.u32 s6, $0x4;
	s7 =	smul.u32 $0x13880, s6  }
0x8: {  	_ =	strace $0x80000047;
	[dreg:$0x4] =	wrdreg s22;
	s9 =	smul.u32 $0x27100, s6  }
0x9: {  	s6 =	ssub.s32 $0x2, s6;
	s22 =	simm.s32 $0x50;
	s4 =	sor.u32 s17, s4  }
0xa: {  	s23 =	sshrl.u32 s6, $0x1;
	s8 =	smul.u32 $0x2710, s4;
	s11 =	sadd.s32 s7, s5  }
0xb: {  	s12 =	ssub.s32 s6, s23;
	s16 =	sadd.s32 s10, s9;
	s23 =	simm.s32 $0x280  }
0xc: {  	s13 =	sadd.s32 $0x2D0, s16;
	s30 =	sadd.s32 $0x15C00, s11;
	s11 =	smax.u32 s12, $0x1  }
0xd: {  	s31 =	sadd.s32 $0x280, s16;
	s14 =	sadd.s32 $0x230, s16;
	s15 =	sadd.s32 $0x1E0, s16  }
0xe: {  	s16 =	sadd.s32 $0x190, s16;
	s8 =	sshrl.u32 s8, $0x3;
	[dreg:$0x9] =	wrdreg s30  }
0xf: {  	s13 =	sshrl.u32 s13, $0x3;
	s14 =	sshrl.u32 s14, $0x3;
	s5 =	sadd.s32 s1, s8  }
0x10: {  	s15 =	sshrl.u32 s15, $0x3;
	s12 =	sadd.s32 s13, s1;
	s24 =	sadd.s32 $0xA, s5  }
.Ltmp0:
0x11: {  	s25 =	sadd.s32 $0x14, s5;
	[dreg:$0x5] =	wrdreg s24;
	(pc) =	sbr.rel .LBB2_1-.Ltmp0, $4  }
0x12: {  	s13 =	sshrl.u32 s31, $0x3;
	s26 =	sadd.s32 $0x1E, s5;
	[dreg:$0x6] =	wrdreg s25  }
0x13: {  	s14 =	sadd.s32 s14, s1;
	s29 =	sadd.s32 $0x28, s5;
	[dreg:$0x7] =	wrdreg s26  }
0x14: {  	s15 =	sadd.s32 s15, s1;
	s13 =	sadd.s32 s13, s1;
	[dreg:$0x8] =	wrdreg s29  }
0x15: {  	v0 =	vimm.f32 $1.000000000e+00;
	s24 =	simm.s32 $0x6;
	s25 =	simm.s32 $0x3;
	s26 =	simm.s32 $0x5  }
.LBB2_6:
0x16: {  	[bflag:$0x0] =	sbarrier.arrive $0xFFFF;
	s28 =	sadd.s32 $0x1, s28  }
0x17: {  	s0 =	simm.s32 @!p0 $0x1C06;
	s4 =	rddreg [dreg:$0x9];
	p1 =	sne.s32 s28, s11  }
0x18: {  	[hbm:s4], [sflag:s0] =	dma.local @!p0 [spmem:s29], $0x13880  }
.Ltmp1:
0x19: {  	_ = 	snop;
	(pc) =	sbr.rel @!p1 .LBB2_7-.Ltmp1, $4  }
0x1a: {  	s0 =	simm.s32 @!p0 $0x6  }
0x1b: {  	_ =	swait.ge @!p0 [sflag:s0], $0x13880  }
0x1c: {  	[sflag:s0] =	ssyncset.done @!p0 $0x0  }
0x1d: {  	[sflag:s0] =	ssyncadd.s32 @!p0 $0xFFFEC780  }
.LBB2_1:
0x1e: {  	s29 =	sand.u32 $0xFE00, s3  }
0x1f: {  	s30 =	sand.u32 $0x70, s3;
	s31 =	sshrl.u32 s29, $0x2  }
0x20: {  	s29 =	simm.s32 $0x40;
	s31 =	sor.u32 s30, s31;
	s30 =	simm.s32 $0x0  }
.LBB2_2:
0x21: {  	p1 =	sne.s32 s29, $0x9FC0  }
0x22: {  	[tilespmem:s31+$0x280] =	vst v0;
	s30 =	sadd.s32 $0x10, s30;
	s31 =	smov.u32 s29;
	s29 =	sadd.s32 $0x40, s29  }
.Ltmp2:
0x23: {  	(pc) =	sbr.rel @p1 .LBB2_2-.Ltmp2, $4  }
0x24: {  	_ = 	snop  }
0x25: {  	s31 =	sand.u32 $0xFE00, s31  }
0x26: {  	s0 =	sand.u32 $0x70, s30;
	s31 =	sshrl.u32 s31, $0x2  }
0x27: {  	s31 =	sor.u32 s0, s31  }
0x28: {  	[tilespmem:s31+$0x280] =	vst v0;
	s0 =	rddreg [dreg:$0x5]  }
0x29: {  	[tilespmem:s3], [sflag:$0x1] =	stream.linear.gather [hbm4b:s5+s3], $0x50, $0x38;
	[tilespmem:$0xC6C0] =	vst v63  }
0x2a: {  	s4 =	simm.s32 $0x80;
	s9 =	rddreg [dreg:$0x6]  }
0x2b: {  	[tilespmem:s4], [sflag:$0x2] =	stream.linear.gather [hbm4b:s0+s3], $0x50, $0x38;
	[tilespmem:$0xC6C0] =	vst v63  }
0x2c: {  	s10 =	rddreg [dreg:$0x7]  }
0x2d: {  	[tilespmem:s18], [sflag:$0x3] =	stream.linear.gather [hbm4b:s9+s3], $0x50, $0x38;
	[tilespmem:$0xC6C0] =	vst v63  }
0x2e: {  	s17 =	simm.s32 $0x180;
	s19 =	rddreg [dreg:$0x8]  }
0x2f: {  	[tilespmem:s17], [sflag:$0x4] =	stream.linear.gather [hbm4b:s10+s3], $0x50, $0x38;
	[tilespmem:$0xC6C0] =	vst v63  }
0x30: {  	s29 =	sshrl.u32 @!p0 s2, $0x3;
	s0 =	simm.s32 @!p0 $0x1C06;
	s4 =	rddreg [dreg:$0x4]  }
0x31: {  	[tilespmem:s20], [sflag:$0x5] =	stream.linear.gather [hbm4b:s19+s3], $0x50, $0x38;
	[tilespmem:$0xC6C0] =	vst v63  }
0x32: {  	[spmem:s29], [sflag:s0] =	dma.local @!p0 [hbm:s4], $0x13880  }
0x33: {  	s0 =	simm.s32 @!p0 $0x6  }
0x34: {  	_ =	swait.ge @!p0 [sflag:s0], $0x13880  }
0x35: {  	[sflag:s0] =	ssyncset.done @!p0 $0x0  }
0x36: {  	[sflag:s0] =	ssyncadd.s32 @!p0 $0xFFFEC780  }
0x37: {  	s30 =	simm.s32 $0x0;
	s31 =	smov.u32 s16;
	[bflag:$0x0] =	sbarrier.arrive $0xFFFF  }
.LBB2_4:
0x38: {  	_ =	swait.ge [sflag:s21], $0x50  }
0x39: {  	[sflag:s21] =	ssyncset.done $0x0  }
0x3a: {  	[sflag:s21] =	ssyncadd.s32 $0xFFFFFFB0  }
0x3b: {  	[spmem:s2] =	stream.indirect.scatter.add.f32 [tilespmem:s23], [sflag:$0x6], $0x80, s3, s22, $0xb8;
	[tilespmem:$0xC6C0] =	vst v63  }
0x3c: {  	_ =	swait.ge [sflag:s24], $0x2800  }
0x3d: {  	p1 =	seq.s32 s30, $0x4B0;
	[sflag:s24] =	ssyncset.done $0x0  }
0x3e: {  	s0 =	simm.s32 @p1 $0x2;
	[sflag:s24] =	ssyncadd.s32 $0xFFFFD800  }
0x3f: {  	_ =	swait.ge @p1 [sflag:s0], $0x50  }
0x40: {  	s17 =	simm.s32 @p1 $0x80;
	[sflag:s0] =	ssyncset.done @p1 $0x0  }
0x41: {  	s19 =	simm.s32 @p1 $0x280;
	[sflag:s0] =	ssyncadd.s32 @p1 $0xFFFFFFB0;
	s0 =	simm.s32 @p1 $0x50  }
0x42: {  	[spmem:s2] =	stream.indirect.scatter.add.f32 @p1 [tilespmem:s19], [sflag:$0x6], $0x80, s17, s0, $0xb8;
	[tilespmem:$0xC6C0] =	vst v63  }
0x43: {  	s17 =	simm.s32 @p1 $0x6  }
0x44: {  	_ =	swait.ge @p1 [sflag:s17], $0x2800  }
0x45: {  	s4 =	sshrl.u32 @!p1 s31, $0x3;
	[sflag:s17] =	ssyncset.done @p1 $0x0  }
0x46: {  	s6 =	simm.s32 @!p1 $0x0;
	s4 =	sadd.s32 @!p1 s1, s4;
	[sflag:s17] =	ssyncadd.s32 @p1 $0xFFFFD800  }
0x47: {  	[tilespmem:s6], [sflag:$0x1] =	stream.linear.gather @!p1 [hbm4b:s4+s6], $0x50, $0x38;
	[tilespmem:$0xC6C0] =	vst v63  }
0x48: {  	s4 =	simm.s32 @!p1 $0x2  }
0x49: {  	_ =	swait.ge @!p1 [sflag:s4], $0x50  }
0x4a: {  	s7 =	simm.s32 @!p1 $0x80;
	s8 =	simm.s32 @!p1 $0x280;
	[sflag:s4] =	ssyncset.done @!p1 $0x0  }
0x4b: {  	s9 =	simm.s32 @!p1 $0x6;
	[sflag:s4] =	ssyncadd.s32 @!p1 $0xFFFFFFB0;
	s4 =	simm.s32 @!p1 $0x50  }
0x4c: {  	[spmem:s2] =	stream.indirect.scatter.add.f32 @!p1 [tilespmem:s8], [sflag:$0x6], $0x80, s7, s4, $0xb8;
	[tilespmem:$0xC6C0] =	vst v63  }
0x4d: {  	_ =	swait.ge @!p1 [sflag:s9], $0x2800  }
0x4e: {  	[sflag:s9] =	ssyncset.done @!p1 $0x0  }
0x4f: {  	s10 =	sadd.s32 @!p1 s30, s15;
	[sflag:s9] =	ssyncadd.s32 @!p1 $0xFFFFD800  }
0x50: {  	[tilespmem:s7], [sflag:$0x2] =	stream.linear.gather @!p1 [hbm4b:s10+s6], $0x50, $0x38;
	[tilespmem:$0xC6C0] =	vst v63  }
0x51: {  	_ =	swait.ge [sflag:s25], $0x50  }
0x52: {  	[sflag:s25] =	ssyncset.done $0x0  }
0x53: {  	[sflag:s25] =	ssyncadd.s32 $0xFFFFFFB0  }
0x54: {  	[spmem:s2] =	stream.indirect.scatter.add.f32 [tilespmem:s23], [sflag:$0x6], $0x80, s18, s22, $0xb8;
	[tilespmem:$0xC6C0] =	vst v63  }
0x55: {  	_ =	swait.ge [sflag:s24], $0x2800  }
0x56: {  	[sflag:s24] =	ssyncset.done $0x0  }
0x57: {  	s7 =	simm.s32 @p1 $0x4;
	[sflag:s24] =	ssyncadd.s32 $0xFFFFD800  }
0x58: {  	_ =	swait.ge @p1 [sflag:s7], $0x50  }
0x59: {  	[sflag:s7] =	ssyncset.done @p1 $0x0  }
0x5a: {  	[sflag:s7] =	ssyncadd.s32 @p1 $0xFFFFFFB0;
	s7 =	simm.s32 @p1 $0x180  }
0x5b: {  	[spmem:s2] =	stream.indirect.scatter.add.f32 @p1 [tilespmem:s19], [sflag:$0x6], $0x80, s7, s0, $0xb8;
	[tilespmem:$0xC6C0] =	vst v63  }
0x5c: {  	_ =	swait.ge @p1 [sflag:s17], $0x2800  }
0x5d: {  	[sflag:s17] =	ssyncset.done @p1 $0x0  }
0x5e: {  	s0 =	sadd.s32 @!p1 s30, s14;
	s7 =	simm.s32 @!p1 $0x100;
	[sflag:s17] =	ssyncadd.s32 @p1 $0xFFFFD800  }
0x5f: {  	[tilespmem:s7], [sflag:$0x3] =	stream.linear.gather @!p1 [hbm4b:s0+s6], $0x50, $0x38;
	[tilespmem:$0xC6C0] =	vst v63  }
0x60: {  	s0 =	simm.s32 @!p1 $0x4  }
0x61: {  	_ =	swait.ge @!p1 [sflag:s0], $0x50  }
0x62: {  	[sflag:s0] =	ssyncset.done @!p1 $0x0  }
0x63: {  	[sflag:s0] =	ssyncadd.s32 @!p1 $0xFFFFFFB0;
	s0 =	simm.s32 @!p1 $0x180  }
0x64: {  	[spmem:s2] =	stream.indirect.scatter.add.f32 @!p1 [tilespmem:s8], [sflag:$0x6], $0x80, s0, s4, $0xb8;
	[tilespmem:$0xC6C0] =	vst v63  }
0x65: {  	_ =	swait.ge @!p1 [sflag:s9], $0x2800  }
0x66: {  	[sflag:s9] =	ssyncset.done @!p1 $0x0  }
0x67: {  	s4 =	sadd.s32 @!p1 s30, s13;
	[sflag:s9] =	ssyncadd.s32 @!p1 $0xFFFFD800  }
0x68: {  	[tilespmem:s0], [sflag:$0x4] =	stream.linear.gather @!p1 [hbm4b:s4+s6], $0x50, $0x38;
	[tilespmem:$0xC6C0] =	vst v63  }
0x69: {  	_ =	swait.ge [sflag:s26], $0x50  }
0x6a: {  	[sflag:s26] =	ssyncset.done $0x0  }
.Ltmp3:
0x6b: {  	[sflag:s26] =	ssyncadd.s32 $0xFFFFFFB0;
	(pc) =	sbr.rel @p1 .LBB2_6-.Ltmp3, $4  }
0x6c: {  	[spmem:s2] =	stream.indirect.scatter.add.f32 [tilespmem:s23], [sflag:$0x6], $0x80, s20, s22, $0xb8;
	[tilespmem:$0xC6C0] =	vst v63  }
0x6d: {  	_ =	swait.ge [sflag:s24], $0x2800  }
0x6e: {  	[sflag:s24] =	ssyncset.done $0x0  }
0x6f: {  	[sflag:s24] =	ssyncadd.s32 $0xFFFFD800  }
.Ltmp4:
0x70: {  	(pc) =	sbr.rel .LBB2_4-.Ltmp4, $3  }
0x71: {  	_ =	sdelay $0x1  }
0x72: {  	s0 =	sadd.s32 s30, s12;
	s30 =	sadd.s32 $0x32, s30;
	s31 =	sadd.s32 $0x190, s31  }
0x73: {  	[tilespmem:s20], [sflag:$0x5] =	stream.linear.gather [hbm4b:s0+s3], $0x50, $0x38;
	[tilespmem:$0xC6C0] =	vst v63  }
.LBB2_7:
0x74: {  	_ =	sfence.sel $0x180000  }
0x75: {  	[bflag:$0x0] =	sbarrier.arrive $0xFFFF  }
0x76: {  	_ =	strace $0x90000047  }
0x77: {  	[bflag:$0x2] =	sbarrier.arrive $0xFFFF  }
0x78: {  	s0 =	rddreg [dreg:$0x3]  }
0x79: {  	s0 =	sadd.s32 @!p0 $0x100000, s0  }
0x7a: {  	[sflag:s0] =	ssyncadd.tile.s32 @!p0 $0x1;
	_ =	shalt  }
.Lfunc_end2:
_tile_overlayer_lowered:
.L_overlay_start_2:
0x7b: {  	(tag) =	ssettag $0x2  }
0x7c: {  	s0 =	rddreg [dreg:$0x0];
	s2 =	stileid.u32  }
0x7d: {  	s1 =	rddreg [dreg:$0x1];
	p0 =	sne.s32 s2, $0x0  }
0x7e: {  	s3 =	rddreg [dreg:$0x2];
	[bflag:$0x3] =	sbarrier.arrive $0xFFFF;
	s2 =	simm.s32 @!p0 $0x1C06  }
0x7f: {  	[timem:s3], [sflag:s2] =	dma.local @!p0 [hbm:s0], s1  }
0x80: {  	s0 =	simm.s32 @!p0 $0x6  }
0x81: {  	_ =	swait.ge @!p0 [sflag:s0], s1  }
0x82: {  	s1 =	ssub.s32 @!p0 $0x0, s1;
	[sflag:s0] =	ssyncset.done @!p0 $0x0  }
0x83: {  	[sflag:s0] =	ssyncadd.s32 @!p0 s1  }
0x84: {  	[bflag:$0x3] =	sbarrier.arrive $0xFFFF  }
0x85: {  	_ =	shalt  }

// kernel: kernel.14.cloned.1.call-start
scs
__scs_entry_jumppad:
0x0: {  	(pc) =	sbr.rel $0x88, $3  }
0x1: {  	(tag) =	ssettag $0x0;
	lr =	simm.s32 $0x1  }
0x2: {  	[smem:$0x3F9A] =	sst lr;
	_ =	strace $0xD0000000  }
0x3: {  	_ = 	snop  }
0x4: {  	_ = 	snop  }
0x5: {  	_ = 	snop  }
0x6: {  	_ = 	snop  }
0x7: {  	_ = 	snop  }
__scs_overlays_trampoline_lowered:
0x8: {  	[smem:$0x3FA9] =	sst s0  }
0x9: {  	[smem:$0x3FAA] =	sst s1  }
0xa: {  	[smem:$0x3FAB] =	sst s2  }
0xb: {  	[smem:$0x3FAC] =	sst s3  }
0xc: {  	[smem:$0x3FAD] =	sst s4  }
0xd: {  	[smem:$0x3FAE] =	sst s5  }
0xe: {  	[smem:$0x3FAF] =	sst s6  }
0xf: {  	[smem:$0x3FB0] =	sst s7  }
0x10: {  	[smem:$0x3FB1] =	sst s8  }
0x11: {  	[smem:$0x3FB2] =	sst s9;
	s0 =	simm.s32 @!p0 $0x0  }
0x12: {  	s1 =	sld [smem:$0x3F98];
	s0 =	simm.s32 @p0 $0x1  }
0x13: {  	[smem:$0x3FB3] =	sst s0;
	s0 =	simm.s32 @!p1 $0x0  }
0x14: {  	s2 =	sld [smem:$0x3F97];
	s0 =	simm.s32 @p1 $0x1  }
0x15: {  	[smem:$0x3FB4] =	sst s0;
	s0 =	simm.s32 @!p2 $0x0  }
0x16: {  	s3 =	sld [smem:$0x3FDB];
	s0 =	simm.s32 @p2 $0x1  }
0x17: {  	s4 =	simm.s32 $0x1BF5;
	[smem:$0x3FB6] =	sst s0  }
0x18: {  	s0 =	sld [smem:$0x3F99];
	_ =	swait.ge [sflag:s4], $0x0  }
0x19: {  	s7 =	sld [smem:$0x3F9A]  }
0x1a: {  	s8 =	sadd.s32 $0xFFFFE003, lr  }
0x1b: {  	s9 =	sadd.s32 $0xFFFFFEF7, lr;
	s5 =	simm.s32 $0xFFFFFFFF;
	p2 =	slt.u32 s8, $0xFFFFF086  }
0x1c: {  	p1 =	slt.u32 s9, $0xF7A;
	s5 =	simm.s32 @!p2 $0x0  }
0x1d: {  	s5 =	simm.s32 @p1 $0x1;
	p0 =	seq.s32 s7, s2  }
0x1e: {  	s7 =	smul.u32 @!p0 $0xF7A, s2;
	p2 =	seq.s32 @!p0 s5, $0x0  }
0x1f: {  	s9 =	smul.u32 $0xF7A, s1;
	s8 =	simm.s32 @!p0 $0x1BF5;
	p2 =	por !p2, p0  }
0x20: {  	[sflag:s8] =	ssyncset.s32 @!p0 $0xFFFFF086;
	s6 =	sadd.s32 @!p0 s3, s7;
	s7 =	simm.s32 @!p0 $0x108  }
0x21: {  	s3 =	sadd.s32 s3, s9;
	s6 =	sadd.s32 @!p0 $0x88, s6;
	s7 =	simm.s32 @p2 $0x1082  }
0x22: {  	[simem:s7], [sflag:s8] =	dma.local @!p0 [hbm:s6], $0xF7A  }
0x23: {  	s9 =	sor.u32 $0xD0000000, s2;
	s6 =	simm.s32 $0x108;
	_ =	swait.ge @!p0 [sflag:s8], $0x0  }
0x24: {  	s3 =	sadd.s32 $0x88, s3;
	s6 =	simm.s32 @!p1 $0x1082;
	[sflag:s4] =	ssyncset.s32 $0xFFFFF086  }
0x25: {  	[simem:s6], [sflag:s4] =	dma.local [hbm:s3], $0xF7A  }
0x26: {  	[smem:$0x3F9A] =	sst s1;
	(tag) =	ssettag s2;
	_ =	strace s9  }
0x27: {  	s1 =	sld [smem:$0x3FAA]  }
0x28: {  	s2 =	sld [smem:$0x3FAB]  }
0x29: {  	s4 =	sld [smem:$0x3FAD]  }
0x2a: {  	p0 =	seq.s32 s5, $0x0;
	s5 =	sld [smem:$0x3FAE]  }
0x2b: {  	s6 =	sld [smem:$0x3FAF]  }
0x2c: {  	s7 =	sld [smem:$0x3FB0]  }
0x2d: {  	s3 =	simm.s32 $0x108;
	s8 =	sld [smem:$0x3FB1]  }
0x2e: {  	s3 =	simm.s32 @!p0 $0x1082;
	s9 =	sld [smem:$0x3FB2]  }
0x2f: {  	lr =	sadd.s32 s0, s3;
	s0 =	sld [smem:$0x3FA9]  }
0x30: {  	s3 =	sld [smem:$0x3FAC]  }
0x31: {  	[smem:$0x3FB5] =	sst s10  }
0x32: {  	s10 =	sld [smem:$0x3FB3];
	_ =	sdelay $0x3  }
0x33: {  	p0 =	seq.s32 s10, $0x1;
	s10 =	sld [smem:$0x3FB5];
	_ =	sdelay $0x3  }
0x34: {  	[smem:$0x3FB5] =	sst s10  }
0x35: {  	s10 =	sld [smem:$0x3FB4];
	_ =	sdelay $0x3  }
0x36: {  	p1 =	seq.s32 s10, $0x1;
	s10 =	sld [smem:$0x3FB5];
	_ =	sdelay $0x3  }
0x37: {  	[smem:$0x3FB5] =	sst s10  }
0x38: {  	s10 =	sld [smem:$0x3FB6]  }
0x39: {  	_ = 	snop;
	(pc) =	sbr.ind lr, $3  }
0x3a: {  	_ = 	snop  }
0x3b: {  	_ = 	snop  }
0x3c: {  	p2 =	seq.s32 s10, $0x1;
	s10 =	sld [smem:$0x3FB5]  }
0x3d: {  	_ =	shalt  }
0x3e: {  	_ =	shalt  }
0x3f: {  	_ =	shalt  }
0x40: {  	_ =	shalt  }
0x41: {  	_ =	shalt  }
0x42: {  	_ =	shalt  }
0x43: {  	_ =	shalt  }
0x44: {  	_ =	shalt  }
0x45: {  	_ =	shalt  }
0x46: {  	_ =	shalt  }
0x47: {  	_ =	shalt  }
0x48: {  	_ =	shalt  }
0x49: {  	_ =	shalt  }
0x4a: {  	_ =	shalt  }
0x4b: {  	_ =	shalt  }
0x4c: {  	_ =	shalt  }
0x4d: {  	_ =	shalt  }
0x4e: {  	_ =	shalt  }
0x4f: {  	_ =	shalt  }
0x50: {  	_ =	shalt  }
0x51: {  	_ =	shalt  }
0x52: {  	_ =	shalt  }
0x53: {  	_ =	shalt  }
0x54: {  	_ =	shalt  }
0x55: {  	_ =	shalt  }
0x56: {  	_ =	shalt  }
0x57: {  	_ =	shalt  }
0x58: {  	_ =	shalt  }
0x59: {  	_ =	shalt  }
0x5a: {  	_ =	shalt  }
0x5b: {  	_ =	shalt  }
0x5c: {  	_ =	shalt  }
0x5d: {  	_ =	shalt  }
0x5e: {  	_ =	shalt  }
0x5f: {  	_ =	shalt  }
0x60: {  	_ =	shalt  }
0x61: {  	_ =	shalt  }
0x62: {  	_ =	shalt  }
0x63: {  	_ =	shalt  }
0x64: {  	_ =	shalt  }
0x65: {  	_ =	shalt  }
0x66: {  	_ =	shalt  }
0x67: {  	_ =	shalt  }
0x68: {  	_ =	shalt  }
0x69: {  	_ =	shalt  }
0x6a: {  	_ =	shalt  }
0x6b: {  	_ =	shalt  }
0x6c: {  	_ =	shalt  }
0x6d: {  	_ =	shalt  }
0x6e: {  	_ =	shalt  }
0x6f: {  	_ =	shalt  }
0x70: {  	_ =	shalt  }
0x71: {  	_ =	shalt  }
0x72: {  	_ =	shalt  }
0x73: {  	_ =	shalt  }
0x74: {  	_ =	shalt  }
0x75: {  	_ =	shalt  }
0x76: {  	_ =	shalt  }
0x77: {  	_ =	shalt  }
0x78: {  	_ =	shalt  }
0x79: {  	_ =	shalt  }
0x7a: {  	_ =	shalt  }
0x7b: {  	_ =	shalt  }
0x7c: {  	_ =	shalt  }
0x7d: {  	_ =	shalt  }
0x7e: {  	_ =	shalt  }
0x7f: {  	_ =	shalt  }
0x80: {  	_ =	shalt  }
0x81: {  	_ =	shalt  }
0x82: {  	_ =	shalt  }
0x83: {  	_ =	shalt  }
0x84: {  	_ =	shalt  }
0x85: {  	_ =	shalt  }
0x86: {  	_ =	shalt  }
0x87: {  	_ =	shalt  }
.Lfunc_end0:
.L_simem_size_0:
called_computation.2_lowered:
.L_overlay_start_0:
0x88: {  	s2 =	sld [smem:$0x3FD9]  }
0x89: {  	s3 =	sld [smem:$0x3FFE];
	_ =	sdelay $0x1  }
0x8a: {  	s1 =	srdreg.scid  }
0x8b: {  	s0 =	sand.u32 $0x1, s1  }
0x8c: {  	s17 =	sshll.u32 s0, $0xA;
	s2 =	sadd.s32 s3, s2  }
0x8d: {  	s2 =	sadd.s32 s2, s17  }
0x8e: {  	[smem:$0x3FC1] =	sst s2  }
0x8f: {  	_ = 	snop  }
0x90: {  	s18 =	sld [smem:$0x3FC8]  }
0x91: {  	s4 =	sld [smem:$0x3FD0];
	(tm) =	ssettm $0x1  }
0x92: {  	s19 =	sld [smem:$0x3FFB];
	_ =	sdelay $0x3  }
0x93: {  	_ =	strace s19  }
0x94: {  	s2 =	sld [smem:$0x3FFC];
	_ =	sdelay $0x3  }
0x95: {  	_ =	strace s2  }
0x96: {  	s2 =	sld [smem:$0x3FFD];
	_ =	sdelay $0x3  }
0x97: {  	_ =	strace s2  }
0x98: {  	_ =	strace $0x8FFFFFFF  }
0x99: {  	s20 =	sld [smem:$0x3FDB];
	_ =	sdelay $0x1  }
0x9a: {  	s5 =	simm.s32 $_scs_section_size  }
0x9b: {  	s6 =	simm.s32 $_size__tile_overlayer_lowered;
	s7 =	simm.s32 $_tile_overlayer_lowered  }
0x9c: {  	s8 =	simm.s32 $0x1BFF;
	s21 =	sshll.u32 s7, $0x1;
	s5 =	sadd.s32 s5, s20  }
0x9d: {  	s22 =	simm.s32 $0x0;
	s6 =	sshll.u32 s6, $0x1;
	s7 =	sadd.s32 s21, s5  }
0x9e: {  	[timem:s22], [sflag:s8] =	dma.local [hbm:s7], s6  }
0x9f: {  	_ =	swait.ge [sflag:s8], s6  }
0xa0: {  	s6 =	ssub.s32 $0x0, s6;
	[sflag:s8] =	ssyncset.done $0x0  }
0xa1: {  	[sflag:s8] =	ssyncadd.s32 s6;
	_ =	sdelay $0x1  }
0xa2: {  	s23 =	simm.s32 $0x1B8B  }
0xa3: {  	_ =	swait.ge [sflag:s23], $0x1  }
0xa4: {  	[sflag:s23] =	ssyncset.done $0x0  }
0xa5: {  	[sflag:s23] =	ssyncadd.s32 $0xFFFFFFFF  }
0xa6: {  	s6 =	sld [smem:$0x0]  }
0xa7: {  	s7 =	sand.u32 $0xFFFFFFFE, s1  }
0xa8: {  	p0 =	sne.s32 s1, s7  }
0xa9: {  	s7 =	sshll.u32 @p0 s7, $0xE  }
0xaa: {  	s7 =	sadd.s32 @p0 $0x11B8D, s7;
	s8 =	sshll.u32 @p0 s6, $0x11  }
0xab: {  	s7 =	sor.u32 @p0 s8, s7  }
0xac: {  	[sflag:s7] =	ssyncadd.remote.s32 @p0 $0x1;
	_ =	sdelay $0x1  }
0xad: {  	s7 =	simm.s32 @p0 $0x1B8D  }
0xae: {  	_ =	swait.eq @p0 [sflag:s7], $0x1  }
0xaf: {  	[sflag:s7] =	ssyncadd.s32 @p0 $0xFFFFFFFF  }
0xb0: {  	s8 =	sshll.u32 @!p0 s1, $0xE  }
0xb1: {  	s8 =	sor.u32 @!p0 $0x4000, s8;
	s7 =	simm.s32 @!p0 $0x1B8D  }
0xb2: {  	s6 =	sshll.u32 @!p0 s6, $0x11;
	s8 =	sadd.s32 @!p0 $0x11B8D, s8;
	_ =	swait.eq @!p0 [sflag:s7], $0x1  }
0xb3: {  	s6 =	sor.u32 @!p0 s6, s8;
	[sflag:s7] =	ssyncadd.s32 @!p0 $0xFFFFFFFF  }
0xb4: {  	s25 =	simm.s32 $0x1B8E;
	s24 =	sld [smem:$0x3FFE];
	[sflag:s6] =	ssyncadd.remote.s32 @!p0 $0x1  }
0xb5: {  	s26 =	simm.s32 $execute0_lowered;
	[smem:$0x3FD2] =	sst s25  }
0xb6: {  	s7 =	sshll.u32 s26, $0x1;
	_ =	strace $0x8000004C;
	[dreg:$0x1] =	wrdreg $0xFFFFFFFF  }
0xb7: {  	s28 =	simm.s32 $_size_execute0_lowered;
	s5 =	sadd.s32 s5, s7;
	[dreg:$0x0] =	wrdreg $0x0  }
0xb8: {  	s7 =	sshll.u32 s28, $0x1;
	[dreg:$0x2] =	wrdreg s5  }
0xb9: {  	[dreg:$0x3] =	wrdreg s7  }
0xba: {  	[dreg:$0x4] =	wrdreg $0xC0  }
0xbb: {  	_ =	task [dreg:s22], $0x5FFFF  }
0xbc: {  	[dreg:$0x1] =	wrdreg $0xFFFFFFFF  }
0xbd: {  	[dreg:$0x0] =	wrdreg $0x60  }
0xbe: {  	[dreg:$0x2] =	wrdreg s18  }
0xbf: {  	[dreg:$0x3] =	wrdreg s4  }
0xc0: {  	[dreg:$0x4] =	wrdreg s24  }
0xc1: {  	[dreg:$0x5] =	wrdreg $0x2A800  }
0xc2: {  	[dreg:$0x6] =	wrdreg $0x9  }
0xc3: {  	_ =	task.clear_ibuf [dreg:s22], $0x7FFFF;
	_ =	strace $0x9000004C  }
0xc4: {  	s29 =	simm.s32 $0x9;
	_ =	strace $0x8000004E  }
0xc5: {  	_ =	swait.ge [sflag:s29], $0x1  }
0xc6: {  	[sflag:s29] =	ssyncadd.s32 $0xFFFFFFFF  }
0xc7: {  	_ =	strace $0x9000004E  }
0xc8: {  	_ =	sfence  }
0xc9: {  	s30 =	sld [smem:$0x0];
	_ =	sdelay $0x2  }
0xca: {  	s31 =	sshll.u32 s1, $0xD;
	s1 =	sshrl.u32 s1, $0x2  }
0xcb: {  	s4 =	sand.u32 $0x4000, s31;
	s1 =	sadd.s32 s1, s30  }
0xcc: {  	s0 =	sor.u32 s4, s0;
	s1 =	sshll.u32 s1, $0x11  }
0xcd: {  	s0 =	sor.u32 s1, s0  }
0xce: {  	s0 =	sadd.s32 $0x8F2B, s0  }
0xcf: {  	[sflag:s0] =	ssyncadd.remote.s32 $0x1  }
0xd0: {  	_ =	sfence.sel $0xFFFF  }
0xd1: {  	[dreg:$0x0] =	wrdreg $0xFFFFFFFF;
	(pc) =	sbr.abs _section_cstart, $3  }
0xd2: {  	[dreg:$0x1] =	wrdreg $0xFFFFFFFF  }
0xd3: {  	_ =	task.clear_ibuf [dreg:s22], $0x2FFFF;
	_ =	strace $0x9FFFFFFF  }
0xd4: {  	(tm) =	ssettm $0x7FFFFFFF  }
0xd5: {  	_ =	shalt  }
tec
execute0_lowered:
.L_overlay_start_1:
0x0: {  	(tag) =	ssettag $0x1  }
0x1: {  	s0 =	rddreg [dreg:$0x0]  }
0x2: {  	s2 =	srdreg.scid;
	s5 =	rddreg [dreg:$0x2]  }
0x3: {  	s3 =	rddreg [dreg:$0x3];
	s17 =	stileid.u32  }
0x4: {  	s4 =	simm.s32 $0x0;
	s18 =	simm.s32 $0x100;
	s20 =	simm.s32 $0x200  }
0x5: {  	s21 =	simm.s32 $0x1;
	s22 =	simm.s32 $0x50;
	s23 =	simm.s32 $0x280  }
0x6: {  	s24 =	simm.s32 $0x6;
	s25 =	simm.s32 $0x3;
	s28 =	simm.s32 $0x0  }
0x7: {  	s6 =	sand.u32 $0x1, s2;
	[smem:$0x7FF] =	sst s4;
	s9 =	smul.u32 $0x2710, s17  }
0x8: {  	p0 =	sne.s32 s17, $0x0;
	s7 =	sshll.u32 s6, $0x4;
	s8 =	smul.u32 $0x27100, s6  }
0x9: {  	_ =	strace $0x8000004D;
	s6 =	ssub.s32 $0x2, s6;
	s7 =	sor.u32 s17, s7  }
0xa: {  	s11 =	sshrl.u32 s6, $0x1;
	s7 =	smul.u32 $0x2710, s7;
	s16 =	sadd.s32 s9, s8  }
0xb: {  	s10 =	sadd.s32 s8, s5;
	s11 =	ssub.s32 s6, s11;
	s12 =	sadd.s32 $0x2D0, s16  }
0xc: {  	s31 =	sadd.s32 $0x64000, s10;
	s11 =	smax.u32 s11, $0x1;
	s13 =	sadd.s32 $0x280, s16  }
0xd: {  	s14 =	sadd.s32 $0x230, s16;
	s15 =	sadd.s32 $0x1E0, s16;
	s16 =	sadd.s32 $0x190, s16  }
0xe: {  	s7 =	sshrl.u32 s7, $0x3;
	[dreg:$0x9] =	wrdreg s31;
	s12 =	sshrl.u32 s12, $0x3  }
0xf: {  	s13 =	sshrl.u32 s13, $0x3;
	s14 =	sshrl.u32 s14, $0x3;
	s5 =	sadd.s32 s0, s7  }
.Ltmp0:
0x10: {  	s15 =	sshrl.u32 s15, $0x3;
	s1 =	sadd.s32 $0xA, s5;
	(pc) =	sbr.rel .LBB2_1-.Ltmp0, $4  }
0x11: {  	s12 =	sadd.s32 s12, s0;
	s26 =	sadd.s32 $0x14, s5;
	[dreg:$0x5] =	wrdreg s1  }
0x12: {  	s13 =	sadd.s32 s13, s0;
	s29 =	sadd.s32 $0x1E, s5;
	[dreg:$0x6] =	wrdreg s26  }
0x13: {  	s14 =	sadd.s32 s14, s0;
	s30 =	sadd.s32 $0x28, s5;
	[dreg:$0x7] =	wrdreg s29  }
0x14: {  	v0 =	vimm.f32 $1.000000000e+00;
	s15 =	sadd.s32 s15, s0;
	[dreg:$0x8] =	wrdreg s30;
	s26 =	simm.s32 $0x5  }
.LBB2_6:
0x15: {  	[bflag:$0x0] =	sbarrier.arrive $0xFFFF;
	s28 =	sadd.s32 $0x1, s28  }
0x16: {  	s1 =	simm.s32 @!p0 $0x1C06;
	s2 =	rddreg [dreg:$0x9];
	p1 =	sne.s32 s28, s11  }
0x17: {  	[hbm:s2], [sflag:s1] =	dma.local @!p0 [spmem:s29], $0x27100  }
.Ltmp1:
0x18: {  	_ = 	snop;
	(pc) =	sbr.rel @!p1 .LBB2_7-.Ltmp1, $4  }
0x19: {  	s1 =	simm.s32 @!p0 $0x6  }
0x1a: {  	_ =	swait.ge @!p0 [sflag:s1], $0x27100  }
0x1b: {  	[sflag:s1] =	ssyncset.done @!p0 $0x0  }
0x1c: {  	[sflag:s1] =	ssyncadd.s32 @!p0 $0xFFFD8F00  }
.LBB2_1:
0x1d: {  	s29 =	sand.u32 $0xFE00, s4  }
0x1e: {  	s30 =	sand.u32 $0x70, s4;
	s31 =	sshrl.u32 s29, $0x2  }
0x1f: {  	s29 =	simm.s32 $0x40;
	s31 =	sor.u32 s30, s31;
	s30 =	simm.s32 $0x0  }
.LBB2_2:
0x20: {  	p1 =	sne.s32 s29, $0x9FC0  }
0x21: {  	[tilespmem:s31+$0x280] =	vst v0;
	s30 =	sadd.s32 $0x10, s30;
	s31 =	smov.u32 s29;
	s29 =	sadd.s32 $0x40, s29  }
.Ltmp2:
0x22: {  	(pc) =	sbr.rel @p1 .LBB2_2-.Ltmp2, $4  }
0x23: {  	_ = 	snop  }
0x24: {  	s31 =	sand.u32 $0xFE00, s31  }
0x25: {  	s2 =	sand.u32 $0x70, s30;
	s31 =	sshrl.u32 s31, $0x2  }
0x26: {  	s31 =	sor.u32 s2, s31  }
0x27: {  	[tilespmem:s31+$0x280] =	vst v0;
	s1 =	rddreg [dreg:$0x5]  }
0x28: {  	[tilespmem:s4], [sflag:$0x1] =	stream.linear.gather [hbm4b:s5+s4], $0x50, $0x38;
	[tilespmem:$0x16300] =	vst v63  }
0x29: {  	s2 =	simm.s32 $0x80;
	s9 =	rddreg [dreg:$0x6]  }
0x2a: {  	[tilespmem:s2], [sflag:$0x2] =	stream.linear.gather [hbm4b:s1+s4], $0x50, $0x38;
	[tilespmem:$0x16300] =	vst v63  }
0x2b: {  	s10 =	rddreg [dreg:$0x7]  }
0x2c: {  	[tilespmem:s18], [sflag:$0x3] =	stream.linear.gather [hbm4b:s9+s4], $0x50, $0x38;
	[tilespmem:$0x16300] =	vst v63  }
0x2d: {  	s17 =	simm.s32 $0x180;
	s19 =	rddreg [dreg:$0x8]  }
0x2e: {  	[tilespmem:s17], [sflag:$0x4] =	stream.linear.gather [hbm4b:s10+s4], $0x50, $0x38;
	[tilespmem:$0x16300] =	vst v63  }
0x2f: {  	s29 =	sshrl.u32 @!p0 s3, $0x3;
	s2 =	simm.s32 @!p0 $0x1C06;
	s1 =	rddreg [dreg:$0x1]  }
0x30: {  	[tilespmem:s20], [sflag:$0x5] =	stream.linear.gather [hbm4b:s19+s4], $0x50, $0x38;
	[tilespmem:$0x16300] =	vst v63  }
0x31: {  	[spmem:s29], [sflag:s2] =	dma.local @!p0 [hbm:s1], $0x27100  }
0x32: {  	s2 =	simm.s32 @!p0 $0x6  }
0x33: {  	_ =	swait.ge @!p0 [sflag:s2], $0x27100  }
0x34: {  	[sflag:s2] =	ssyncset.done @!p0 $0x0  }
0x35: {  	[sflag:s2] =	ssyncadd.s32 @!p0 $0xFFFD8F00  }
0x36: {  	s30 =	simm.s32 $0x0;
	s31 =	smov.u32 s16;
	[bflag:$0x0] =	sbarrier.arrive $0xFFFF  }
.LBB2_4:
0x37: {  	_ =	swait.ge [sflag:s21], $0x50  }
0x38: {  	[sflag:s21] =	ssyncset.done $0x0  }
0x39: {  	[sflag:s21] =	ssyncadd.s32 $0xFFFFFFB0  }
0x3a: {  	[spmem:s3] =	stream.indirect.scatter.add.f32 [tilespmem:s23], [sflag:$0x6], $0x80, s4, s22, $0xb8;
	[tilespmem:$0x16300] =	vst v63  }
0x3b: {  	_ =	swait.ge [sflag:s24], $0x2800  }
0x3c: {  	p1 =	seq.s32 s30, $0x4B0;
	[sflag:s24] =	ssyncset.done $0x0  }
0x3d: {  	s2 =	simm.s32 @p1 $0x2;
	[sflag:s24] =	ssyncadd.s32 $0xFFFFD800  }
0x3e: {  	_ =	swait.ge @p1 [sflag:s2], $0x50  }
0x3f: {  	s1 =	simm.s32 @p1 $0x80;
	[sflag:s2] =	ssyncset.done @p1 $0x0  }
0x40: {  	s17 =	simm.s32 @p1 $0x280;
	[sflag:s2] =	ssyncadd.s32 @p1 $0xFFFFFFB0;
	s2 =	simm.s32 @p1 $0x50  }
0x41: {  	[spmem:s3] =	stream.indirect.scatter.add.f32 @p1 [tilespmem:s17], [sflag:$0x6], $0x80, s1, s2, $0xb8;
	[tilespmem:$0x16300] =	vst v63  }
0x42: {  	s1 =	simm.s32 @p1 $0x6  }
0x43: {  	_ =	swait.ge @p1 [sflag:s1], $0x2800  }
0x44: {  	s19 =	sshrl.u32 @!p1 s31, $0x3;
	[sflag:s1] =	ssyncset.done @p1 $0x0  }
0x45: {  	s6 =	simm.s32 @!p1 $0x0;
	s19 =	sadd.s32 @!p1 s0, s19;
	[sflag:s1] =	ssyncadd.s32 @p1 $0xFFFFD800  }
0x46: {  	[tilespmem:s6], [sflag:$0x1] =	stream.linear.gather @!p1 [hbm4b:s19+s6], $0x50, $0x38;
	[tilespmem:$0x16300] =	vst v63  }
0x47: {  	s19 =	simm.s32 @!p1 $0x2  }
0x48: {  	_ =	swait.ge @!p1 [sflag:s19], $0x50  }
0x49: {  	s7 =	simm.s32 @!p1 $0x80;
	s8 =	simm.s32 @!p1 $0x280;
	[sflag:s19] =	ssyncset.done @!p1 $0x0  }
0x4a: {  	s9 =	simm.s32 @!p1 $0x6;
	[sflag:s19] =	ssyncadd.s32 @!p1 $0xFFFFFFB0;
	s19 =	simm.s32 @!p1 $0x50  }
0x4b: {  	[spmem:s3] =	stream.indirect.scatter.add.f32 @!p1 [tilespmem:s8], [sflag:$0x6], $0x80, s7, s19, $0xb8;
	[tilespmem:$0x16300] =	vst v63  }
0x4c: {  	_ =	swait.ge @!p1 [sflag:s9], $0x2800  }
0x4d: {  	[sflag:s9] =	ssyncset.done @!p1 $0x0  }
0x4e: {  	s10 =	sadd.s32 @!p1 s30, s15;
	[sflag:s9] =	ssyncadd.s32 @!p1 $0xFFFFD800  }
0x4f: {  	[tilespmem:s7], [sflag:$0x2] =	stream.linear.gather @!p1 [hbm4b:s10+s6], $0x50, $0x38;
	[tilespmem:$0x16300] =	vst v63  }
0x50: {  	_ =	swait.ge [sflag:s25], $0x50  }
0x51: {  	[sflag:s25] =	ssyncset.done $0x0  }
0x52: {  	[sflag:s25] =	ssyncadd.s32 $0xFFFFFFB0  }
0x53: {  	[spmem:s3] =	stream.indirect.scatter.add.f32 [tilespmem:s23], [sflag:$0x6], $0x80, s18, s22, $0xb8;
	[tilespmem:$0x16300] =	vst v63  }
0x54: {  	_ =	swait.ge [sflag:s24], $0x2800  }
0x55: {  	[sflag:s24] =	ssyncset.done $0x0  }
0x56: {  	s7 =	simm.s32 @p1 $0x4;
	[sflag:s24] =	ssyncadd.s32 $0xFFFFD800  }
0x57: {  	_ =	swait.ge @p1 [sflag:s7], $0x50  }
0x58: {  	[sflag:s7] =	ssyncset.done @p1 $0x0  }
0x59: {  	[sflag:s7] =	ssyncadd.s32 @p1 $0xFFFFFFB0;
	s7 =	simm.s32 @p1 $0x180  }
0x5a: {  	[spmem:s3] =	stream.indirect.scatter.add.f32 @p1 [tilespmem:s17], [sflag:$0x6], $0x80, s7, s2, $0xb8;
	[tilespmem:$0x16300] =	vst v63  }
0x5b: {  	_ =	swait.ge @p1 [sflag:s1], $0x2800  }
0x5c: {  	[sflag:s1] =	ssyncset.done @p1 $0x0  }
0x5d: {  	s2 =	simm.s32 @!p1 $0x100;
	[sflag:s1] =	ssyncadd.s32 @p1 $0xFFFFD800;
	s1 =	sadd.s32 @!p1 s30, s14  }
0x5e: {  	[tilespmem:s2], [sflag:$0x3] =	stream.linear.gather @!p1 [hbm4b:s1+s6], $0x50, $0x38;
	[tilespmem:$0x16300] =	vst v63  }
0x5f: {  	s1 =	simm.s32 @!p1 $0x4  }
0x60: {  	_ =	swait.ge @!p1 [sflag:s1], $0x50  }
0x61: {  	[sflag:s1] =	ssyncset.done @!p1 $0x0  }
0x62: {  	[sflag:s1] =	ssyncadd.s32 @!p1 $0xFFFFFFB0;
	s1 =	simm.s32 @!p1 $0x180  }
0x63: {  	[spmem:s3] =	stream.indirect.scatter.add.f32 @!p1 [tilespmem:s8], [sflag:$0x6], $0x80, s1, s19, $0xb8;
	[tilespmem:$0x16300] =	vst v63  }
0x64: {  	_ =	swait.ge @!p1 [sflag:s9], $0x2800  }
0x65: {  	[sflag:s9] =	ssyncset.done @!p1 $0x0  }
0x66: {  	s2 =	sadd.s32 @!p1 s30, s13;
	[sflag:s9] =	ssyncadd.s32 @!p1 $0xFFFFD800  }
0x67: {  	[tilespmem:s1], [sflag:$0x4] =	stream.linear.gather @!p1 [hbm4b:s2+s6], $0x50, $0x38;
	[tilespmem:$0x16300] =	vst v63  }
0x68: {  	_ =	swait.ge [sflag:s26], $0x50  }
0x69: {  	[sflag:s26] =	ssyncset.done $0x0  }
.Ltmp3:
0x6a: {  	[sflag:s26] =	ssyncadd.s32 $0xFFFFFFB0;
	(pc) =	sbr.rel @p1 .LBB2_6-.Ltmp3, $4  }
0x6b: {  	[spmem:s3] =	stream.indirect.scatter.add.f32 [tilespmem:s23], [sflag:$0x6], $0x80, s20, s22, $0xb8;
	[tilespmem:$0x16300] =	vst v63  }
0x6c: {  	_ =	swait.ge [sflag:s24], $0x2800  }
0x6d: {  	[sflag:s24] =	ssyncset.done $0x0  }
0x6e: {  	[sflag:s24] =	ssyncadd.s32 $0xFFFFD800  }
.Ltmp4:
0x6f: {  	(pc) =	sbr.rel .LBB2_4-.Ltmp4, $3  }
0x70: {  	_ =	sdelay $0x1  }
0x71: {  	s1 =	sadd.s32 s30, s12;
	s30 =	sadd.s32 $0x32, s30;
	s31 =	sadd.s32 $0x190, s31  }
0x72: {  	[tilespmem:s20], [sflag:$0x5] =	stream.linear.gather [hbm4b:s1+s4], $0x50, $0x38;
	[tilespmem:$0x16300] =	vst v63  }
.LBB2_7:
0x73: {  	_ =	sfence.sel $0x180000  }
0x74: {  	[bflag:$0x0] =	sbarrier.arrive $0xFFFF  }
0x75: {  	_ =	strace $0x9000004D  }
0x76: {  	[bflag:$0x2] =	sbarrier.arrive $0xFFFF  }
0x77: {  	s0 =	rddreg [dreg:$0x4]  }
0x78: {  	s0 =	sadd.s32 @!p0 $0x100000, s0  }
0x79: {  	[sflag:s0] =	ssyncadd.tile.s32 @!p0 $0x1;
	_ =	shalt  }
.Lfunc_end2:
_tile_overlayer_lowered:
.L_overlay_start_2:
0x7a: {  	(tag) =	ssettag $0x2  }
0x7b: {  	s0 =	rddreg [dreg:$0x0];
	s2 =	stileid.u32  }
0x7c: {  	s1 =	rddreg [dreg:$0x1];
	p0 =	sne.s32 s2, $0x0  }
0x7d: {  	s3 =	rddreg [dreg:$0x2];
	[bflag:$0x3] =	sbarrier.arrive $0xFFFF;
	s2 =	simm.s32 @!p0 $0x1C06  }
0x7e: {  	[timem:s3], [sflag:s2] =	dma.local @!p0 [hbm:s0], s1  }
0x7f: {  	s0 =	simm.s32 @!p0 $0x6  }
0x80: {  	_ =	swait.ge @!p0 [sflag:s0], s1  }
0x81: {  	s1 =	ssub.s32 @!p0 $0x0, s1;
	[sflag:s0] =	ssyncset.done @!p0 $0x0  }
0x82: {  	[sflag:s0] =	ssyncadd.s32 @!p0 s1  }
0x83: {  	[bflag:$0x3] =	sbarrier.arrive $0xFFFF  }
0x84: {  	_ =	shalt  }

// kernel: kernel.17.cloned.1.call-start
scs
__scs_entry_jumppad:
0x0: {  	(pc) =	sbr.rel $0x88, $3  }
0x1: {  	(tag) =	ssettag $0x0;
	lr =	simm.s32 $0x1  }
0x2: {  	[smem:$0x3F9A] =	sst lr;
	_ =	strace $0xD0000000  }
0x3: {  	_ = 	snop  }
0x4: {  	_ = 	snop  }
0x5: {  	_ = 	snop  }
0x6: {  	_ = 	snop  }
0x7: {  	_ = 	snop  }
__scs_overlays_trampoline_lowered:
0x8: {  	[smem:$0x3FA9] =	sst s0  }
0x9: {  	[smem:$0x3FAA] =	sst s1  }
0xa: {  	[smem:$0x3FAB] =	sst s2  }
0xb: {  	[smem:$0x3FAC] =	sst s3  }
0xc: {  	[smem:$0x3FAD] =	sst s4  }
0xd: {  	[smem:$0x3FAE] =	sst s5  }
0xe: {  	[smem:$0x3FAF] =	sst s6  }
0xf: {  	[smem:$0x3FB0] =	sst s7  }
0x10: {  	[smem:$0x3FB1] =	sst s8  }
0x11: {  	[smem:$0x3FB2] =	sst s9;
	s0 =	simm.s32 @!p0 $0x0  }
0x12: {  	s1 =	sld [smem:$0x3F98];
	s0 =	simm.s32 @p0 $0x1  }
0x13: {  	[smem:$0x3FB3] =	sst s0;
	s0 =	simm.s32 @!p1 $0x0  }
0x14: {  	s2 =	sld [smem:$0x3F97];
	s0 =	simm.s32 @p1 $0x1  }
0x15: {  	[smem:$0x3FB4] =	sst s0;
	s0 =	simm.s32 @!p2 $0x0  }
0x16: {  	s3 =	sld [smem:$0x3FDB];
	s0 =	simm.s32 @p2 $0x1  }
0x17: {  	s4 =	simm.s32 $0x1BF5;
	[smem:$0x3FB6] =	sst s0  }
0x18: {  	s0 =	sld [smem:$0x3F99];
	_ =	swait.ge [sflag:s4], $0x0  }
0x19: {  	s7 =	sld [smem:$0x3F9A]  }
0x1a: {  	s8 =	sadd.s32 $0xFFFFE003, lr  }
0x1b: {  	s9 =	sadd.s32 $0xFFFFFEF7, lr;
	s5 =	simm.s32 $0xFFFFFFFF;
	p2 =	slt.u32 s8, $0xFFFFF086  }
0x1c: {  	p1 =	slt.u32 s9, $0xF7A;
	s5 =	simm.s32 @!p2 $0x0  }
0x1d: {  	s5 =	simm.s32 @p1 $0x1;
	p0 =	seq.s32 s7, s2  }
0x1e: {  	s7 =	smul.u32 @!p0 $0xF7A, s2;
	p2 =	seq.s32 @!p0 s5, $0x0  }
0x1f: {  	s9 =	smul.u32 $0xF7A, s1;
	s8 =	simm.s32 @!p0 $0x1BF5;
	p2 =	por !p2, p0  }
0x20: {  	[sflag:s8] =	ssyncset.s32 @!p0 $0xFFFFF086;
	s6 =	sadd.s32 @!p0 s3, s7;
	s7 =	simm.s32 @!p0 $0x108  }
0x21: {  	s3 =	sadd.s32 s3, s9;
	s6 =	sadd.s32 @!p0 $0x88, s6;
	s7 =	simm.s32 @p2 $0x1082  }
0x22: {  	[simem:s7], [sflag:s8] =	dma.local @!p0 [hbm:s6], $0xF7A  }
0x23: {  	s9 =	sor.u32 $0xD0000000, s2;
	s6 =	simm.s32 $0x108;
	_ =	swait.ge @!p0 [sflag:s8], $0x0  }
0x24: {  	s3 =	sadd.s32 $0x88, s3;
	s6 =	simm.s32 @!p1 $0x1082;
	[sflag:s4] =	ssyncset.s32 $0xFFFFF086  }
0x25: {  	[simem:s6], [sflag:s4] =	dma.local [hbm:s3], $0xF7A  }
0x26: {  	[smem:$0x3F9A] =	sst s1;
	(tag) =	ssettag s2;
	_ =	strace s9  }
0x27: {  	s1 =	sld [smem:$0x3FAA]  }
0x28: {  	s2 =	sld [smem:$0x3FAB]  }
0x29: {  	s4 =	sld [smem:$0x3FAD]  }
0x2a: {  	p0 =	seq.s32 s5, $0x0;
	s5 =	sld [smem:$0x3FAE]  }
0x2b: {  	s6 =	sld [smem:$0x3FAF]  }
0x2c: {  	s7 =	sld [smem:$0x3FB0]  }
0x2d: {  	s3 =	simm.s32 $0x108;
	s8 =	sld [smem:$0x3FB1]  }
0x2e: {  	s3 =	simm.s32 @!p0 $0x1082;
	s9 =	sld [smem:$0x3FB2]  }
0x2f: {  	lr =	sadd.s32 s0, s3;
	s0 =	sld [smem:$0x3FA9]  }
0x30: {  	s3 =	sld [smem:$0x3FAC]  }
0x31: {  	[smem:$0x3FB5] =	sst s10  }
0x32: {  	s10 =	sld [smem:$0x3FB3];
	_ =	sdelay $0x3  }
0x33: {  	p0 =	seq.s32 s10, $0x1;
	s10 =	sld [smem:$0x3FB5];
	_ =	sdelay $0x3  }
0x34: {  	[smem:$0x3FB5] =	sst s10  }
0x35: {  	s10 =	sld [smem:$0x3FB4];
	_ =	sdelay $0x3  }
0x36: {  	p1 =	seq.s32 s10, $0x1;
	s10 =	sld [smem:$0x3FB5];
	_ =	sdelay $0x3  }
0x37: {  	[smem:$0x3FB5] =	sst s10  }
0x38: {  	s10 =	sld [smem:$0x3FB6]  }
0x39: {  	_ = 	snop;
	(pc) =	sbr.ind lr, $3  }
0x3a: {  	_ = 	snop  }
0x3b: {  	_ = 	snop  }
0x3c: {  	p2 =	seq.s32 s10, $0x1;
	s10 =	sld [smem:$0x3FB5]  }
0x3d: {  	_ =	shalt  }
0x3e: {  	_ =	shalt  }
0x3f: {  	_ =	shalt  }
0x40: {  	_ =	shalt  }
0x41: {  	_ =	shalt  }
0x42: {  	_ =	shalt  }
0x43: {  	_ =	shalt  }
0x44: {  	_ =	shalt  }
0x45: {  	_ =	shalt  }
0x46: {  	_ =	shalt  }
0x47: {  	_ =	shalt  }
0x48: {  	_ =	shalt  }
0x49: {  	_ =	shalt  }
0x4a: {  	_ =	shalt  }
0x4b: {  	_ =	shalt  }
0x4c: {  	_ =	shalt  }
0x4d: {  	_ =	shalt  }
0x4e: {  	_ =	shalt  }
0x4f: {  	_ =	shalt  }
0x50: {  	_ =	shalt  }
0x51: {  	_ =	shalt  }
0x52: {  	_ =	shalt  }
0x53: {  	_ =	shalt  }
0x54: {  	_ =	shalt  }
0x55: {  	_ =	shalt  }
0x56: {  	_ =	shalt  }
0x57: {  	_ =	shalt  }
0x58: {  	_ =	shalt  }
0x59: {  	_ =	shalt  }
0x5a: {  	_ =	shalt  }
0x5b: {  	_ =	shalt  }
0x5c: {  	_ =	shalt  }
0x5d: {  	_ =	shalt  }
0x5e: {  	_ =	shalt  }
0x5f: {  	_ =	shalt  }
0x60: {  	_ =	shalt  }
0x61: {  	_ =	shalt  }
0x62: {  	_ =	shalt  }
0x63: {  	_ =	shalt  }
0x64: {  	_ =	shalt  }
0x65: {  	_ =	shalt  }
0x66: {  	_ =	shalt  }
0x67: {  	_ =	shalt  }
0x68: {  	_ =	shalt  }
0x69: {  	_ =	shalt  }
0x6a: {  	_ =	shalt  }
0x6b: {  	_ =	shalt  }
0x6c: {  	_ =	shalt  }
0x6d: {  	_ =	shalt  }
0x6e: {  	_ =	shalt  }
0x6f: {  	_ =	shalt  }
0x70: {  	_ =	shalt  }
0x71: {  	_ =	shalt  }
0x72: {  	_ =	shalt  }
0x73: {  	_ =	shalt  }
0x74: {  	_ =	shalt  }
0x75: {  	_ =	shalt  }
0x76: {  	_ =	shalt  }
0x77: {  	_ =	shalt  }
0x78: {  	_ =	shalt  }
0x79: {  	_ =	shalt  }
0x7a: {  	_ =	shalt  }
0x7b: {  	_ =	shalt  }
0x7c: {  	_ =	shalt  }
0x7d: {  	_ =	shalt  }
0x7e: {  	_ =	shalt  }
0x7f: {  	_ =	shalt  }
0x80: {  	_ =	shalt  }
0x81: {  	_ =	shalt  }
0x82: {  	_ =	shalt  }
0x83: {  	_ =	shalt  }
0x84: {  	_ =	shalt  }
0x85: {  	_ =	shalt  }
0x86: {  	_ =	shalt  }
0x87: {  	_ =	shalt  }
.Lfunc_end0:
.L_simem_size_0:
called_computation.3_lowered:
.L_overlay_start_0:
0x88: {  	s2 =	sld [smem:$0x3FD9]  }
0x89: {  	s3 =	sld [smem:$0x3FFE];
	_ =	sdelay $0x1  }
0x8a: {  	s1 =	srdreg.scid  }
0x8b: {  	s0 =	sand.u32 $0x1, s1  }
0x8c: {  	s17 =	sshll.u32 s0, $0xA;
	s2 =	sadd.s32 s3, s2  }
0x8d: {  	s2 =	sadd.s32 s2, s17  }
0x8e: {  	[smem:$0x3FC1] =	sst s2  }
0x8f: {  	_ = 	snop  }
0x90: {  	s18 =	sld [smem:$0x3FC8]  }
0x91: {  	s4 =	sld [smem:$0x3FC7]  }
0x92: {  	s5 =	sld [smem:$0x3FD0];
	(tm) =	ssettm $0x1  }
0x93: {  	s19 =	sld [smem:$0x3FFB];
	_ =	sdelay $0x3  }
0x94: {  	_ =	strace s19  }
0x95: {  	s2 =	sld [smem:$0x3FFC];
	_ =	sdelay $0x3  }
0x96: {  	_ =	strace s2  }
0x97: {  	s2 =	sld [smem:$0x3FFD];
	_ =	sdelay $0x3  }
0x98: {  	_ =	strace s2  }
0x99: {  	_ =	strace $0x8FFFFFFF  }
0x9a: {  	s20 =	sld [smem:$0x3FDB];
	_ =	sdelay $0x1  }
0x9b: {  	s6 =	simm.s32 $_scs_section_size  }
0x9c: {  	s7 =	simm.s32 $_size__tile_overlayer_lowered;
	s8 =	simm.s32 $_tile_overlayer_lowered  }
0x9d: {  	s9 =	simm.s32 $0x1BFF;
	s21 =	sshll.u32 s8, $0x1;
	s6 =	sadd.s32 s6, s20  }
0x9e: {  	s22 =	simm.s32 $0x0;
	s7 =	sshll.u32 s7, $0x1;
	s8 =	sadd.s32 s21, s6  }
0x9f: {  	[timem:s22], [sflag:s9] =	dma.local [hbm:s8], s7  }
0xa0: {  	_ =	swait.ge [sflag:s9], s7  }
0xa1: {  	s7 =	ssub.s32 $0x0, s7;
	[sflag:s9] =	ssyncset.done $0x0  }
0xa2: {  	[sflag:s9] =	ssyncadd.s32 s7;
	_ =	sdelay $0x1  }
0xa3: {  	s23 =	simm.s32 $0x1B8B  }
0xa4: {  	_ =	swait.ge [sflag:s23], $0x1  }
0xa5: {  	[sflag:s23] =	ssyncset.done $0x0  }
0xa6: {  	[sflag:s23] =	ssyncadd.s32 $0xFFFFFFFF  }
0xa7: {  	s7 =	sld [smem:$0x0]  }
0xa8: {  	s8 =	sand.u32 $0xFFFFFFFE, s1  }
0xa9: {  	p0 =	sne.s32 s1, s8  }
0xaa: {  	s8 =	sshll.u32 @p0 s8, $0xE  }
0xab: {  	s8 =	sadd.s32 @p0 $0x11B8D, s8;
	s9 =	sshll.u32 @p0 s7, $0x11  }
0xac: {  	s8 =	sor.u32 @p0 s9, s8  }
0xad: {  	[sflag:s8] =	ssyncadd.remote.s32 @p0 $0x1;
	_ =	sdelay $0x1  }
0xae: {  	s8 =	simm.s32 @p0 $0x1B8D  }
0xaf: {  	_ =	swait.eq @p0 [sflag:s8], $0x1  }
0xb0: {  	[sflag:s8] =	ssyncadd.s32 @p0 $0xFFFFFFFF  }
0xb1: {  	s9 =	sshll.u32 @!p0 s1, $0xE  }
0xb2: {  	s9 =	sor.u32 @!p0 $0x4000, s9;
	s8 =	simm.s32 @!p0 $0x1B8D  }
0xb3: {  	s7 =	sshll.u32 @!p0 s7, $0x11;
	s9 =	sadd.s32 @!p0 $0x11B8D, s9;
	_ =	swait.eq @!p0 [sflag:s8], $0x1  }
0xb4: {  	s7 =	sor.u32 @!p0 s7, s9;
	[sflag:s8] =	ssyncadd.s32 @!p0 $0xFFFFFFFF  }
0xb5: {  	s25 =	simm.s32 $0x1B8E;
	s24 =	sld [smem:$0x3FFE];
	[sflag:s7] =	ssyncadd.remote.s32 @!p0 $0x1  }
0xb6: {  	s26 =	simm.s32 $execute0_lowered;
	[smem:$0x3FD2] =	sst s25  }
0xb7: {  	s8 =	sshll.u32 s26, $0x1;
	_ =	strace $0x8000004F;
	[dreg:$0x1] =	wrdreg $0xFFFFFFFF  }
0xb8: {  	s28 =	simm.s32 $_size_execute0_lowered;
	s6 =	sadd.s32 s6, s8;
	[dreg:$0x0] =	wrdreg $0x0  }
0xb9: {  	s8 =	sshll.u32 s28, $0x1;
	[dreg:$0x2] =	wrdreg s6  }
0xba: {  	[dreg:$0x3] =	wrdreg s8  }
0xbb: {  	[dreg:$0x4] =	wrdreg $0xC0  }
0xbc: {  	_ =	task [dreg:s22], $0x5FFFF  }
0xbd: {  	[dreg:$0x1] =	wrdreg $0xFFFFFFFF  }
0xbe: {  	[dreg:$0x0] =	wrdreg $0x60  }
0xbf: {  	[dreg:$0x2] =	wrdreg s24  }
0xc0: {  	[dreg:$0x3] =	wrdreg s18  }
0xc1: {  	[dreg:$0x4] =	wrdreg s4  }
0xc2: {  	[dreg:$0x5] =	wrdreg s5  }
0xc3: {  	[dreg:$0x6] =	wrdreg $0x8E000  }
0xc4: {  	[dreg:$0x7] =	wrdreg $0xA  }
0xc5: {  	_ =	task.clear_ibuf [dreg:s22], $0x8FFFF;
	_ =	strace $0x9000004F  }
0xc6: {  	s29 =	simm.s32 $0xA;
	_ =	strace $0x80000051  }
0xc7: {  	_ =	swait.ge [sflag:s29], $0x1  }
0xc8: {  	[sflag:s29] =	ssyncadd.s32 $0xFFFFFFFF  }
0xc9: {  	_ =	strace $0x90000051  }
0xca: {  	_ =	sfence  }
0xcb: {  	s30 =	sld [smem:$0x0];
	_ =	sdelay $0x2  }
0xcc: {  	s31 =	sshll.u32 s1, $0xD;
	s1 =	sshrl.u32 s1, $0x2  }
0xcd: {  	s4 =	sand.u32 $0x4000, s31;
	s1 =	sadd.s32 s1, s30  }
0xce: {  	s0 =	sor.u32 s4, s0;
	s1 =	sshll.u32 s1, $0x11  }
0xcf: {  	s0 =	sor.u32 s1, s0  }
0xd0: {  	s0 =	sadd.s32 $0x8F2B, s0  }
0xd1: {  	[sflag:s0] =	ssyncadd.remote.s32 $0x1  }
0xd2: {  	_ =	sfence.sel $0xFFFF  }
0xd3: {  	[dreg:$0x0] =	wrdreg $0xFFFFFFFF;
	(pc) =	sbr.abs _section_cstart, $3  }
0xd4: {  	[dreg:$0x1] =	wrdreg $0xFFFFFFFF  }
0xd5: {  	_ =	task.clear_ibuf [dreg:s22], $0x2FFFF;
	_ =	strace $0x9FFFFFFF  }
0xd6: {  	(tm) =	ssettm $0x7FFFFFFF  }
0xd7: {  	_ =	shalt  }
tec
execute0_lowered:
.L_overlay_start_1:
0x0: {  	(tag) =	ssettag $0x1  }
0x1: {  	s1 =	rddreg [dreg:$0x0]  }
0x2: {  	s0 =	rddreg [dreg:$0x1]  }
0x3: {  	s2 =	rddreg [dreg:$0x2];
	s4 =	srdreg.scid  }
0x4: {  	s3 =	rddreg [dreg:$0x4];
	s10 =	stileid.u32  }
0x5: {  	s29 =	simm.s32 $0x2800;
	s28 =	simm.s32 $0x3;
	s30 =	simm.s32 $0x5  }
0x6: {  	s31 =	simm.s32 $0x0;
	s5 =	sand.u32 $0x1, s4;
	s4 =	simm.s32 $0x0  }
0x7: {  	s11 =	smul.u32 $0x2710, s10;
	p0 =	sne.s32 s10, $0x0;
	s6 =	sshll.u32 s5, $0x4  }
0x8: {  	s8 =	smul.u32 $0x27100, s5;
	[smem:$0x7FF] =	sst s4;
	s7 =	ssub.s32 $0x2, s5  }
0x9: {  	s5 =	sadd.s32 $0x2200, s1;
	s6 =	sor.u32 s10, s6;
	_ =	strace $0x80000050  }
0xa: {  	s9 =	sshrl.u32 s7, $0x1;
	s6 =	smul.u32 $0x2710, s6;
	s12 =	sadd.s32 s11, s8  }
0xb: {  	s1 =	sadd.s32 s8, s1;
	s9 =	ssub.s32 s7, s9;
	s17 =	sadd.s32 $0x168, s12  }
0xc: {  	s1 =	sadd.s32 $0x15C00, s1;
	s20 =	smax.u32 s9, $0x1;
	s21 =	sadd.s32 $0x140, s12  }
0xd: {  	s22 =	sadd.s32 $0x118, s12;
	s23 =	sadd.s32 $0xF0, s12;
	s13 =	sshrl.u32 s6, $0x3  }
0xe: {  	s14 =	sadd.s32 $0x28, s6;
	s6 =	sadd.s32 $0x78, s6;
	[dreg:$0xc] =	wrdreg s1  }
0xf: {  	s19 =	sshrl.u32 s17, $0x3;
	[dreg:$0xd] =	wrdreg s20;
	s24 =	sshrl.u32 s22, $0x3  }
0x10: {  	s25 =	sshrl.u32 s23, $0x3;
	s23 =	sadd.s32 $0xC8, s12;
	s2 =	sadd.s32 s2, s13  }
0x11: {  	s20 =	simm.s32 $0x6;
	s7 =	sadd.s32 s0, s13;
	[dreg:$0x6] =	wrdreg s2  }
0x12: {  	s22 =	simm.s32 $0x28;
	s1 =	sadd.s32 s19, s0;
	[dreg:$0x7] =	wrdreg s7  }
0x13: {  	s15 =	sshrl.u32 s6, $0x3;
	s26 =	sadd.s32 s25, s0;
	[dreg:$0xe] =	wrdreg s1  }
0x14: {  	s2 =	sshrl.u32 s14, $0x3;
	s16 =	sadd.s32 $0xA, s7;
	[dreg:$0x11] =	wrdreg s26  }
0x15: {  	s18 =	sadd.s32 $0x14, s7;
	s1 =	sshrl.u32 s21, $0x3;
	[dreg:$0x9] =	wrdreg s16  }
.Ltmp0:
0x16: {  	s2 =	sadd.s32 s0, s2;
	[dreg:$0xb] =	wrdreg s18;
	(pc) =	sbr.rel .LBB2_1-.Ltmp0, $4  }
0x17: {  	s25 =	simm.s32 $0x1;
	s1 =	sadd.s32 s1, s0;
	[dreg:$0x8] =	wrdreg s2  }
0x18: {  	s21 =	simm.s32 $0x8B80;
	s2 =	sadd.s32 s0, s15;
	[dreg:$0xf] =	wrdreg s1  }
0x19: {  	s26 =	simm.s32 $0x8C80;
	s1 =	sadd.s32 s24, s0;
	[dreg:$0xa] =	wrdreg s2  }
0x1a: {  	s24 =	simm.s32 $0x5000;
	[dreg:$0x10] =	wrdreg s1;
	s2 =	simm.s32 $0x8D80  }
.LBB2_4:
0x1b: {  	[bflag:$0x0] =	sbarrier.arrive $0xFFFF  }
0x1c: {  	s6 =	simm.s32 @!p0 $0x1C06;
	s7 =	rddreg [dreg:$0xc]  }
0x1d: {  	[hbm:s7], [sflag:s6] =	dma.local @!p0 [spmem:s1], $0x27100  }
0x1e: {  	s1 =	simm.s32 @!p0 $0x6  }
0x1f: {  	_ =	swait.ge @!p0 [sflag:s1], $0x27100  }
0x20: {  	s31 =	sadd.s32 $0x1, s31;
	s19 =	rddreg [dreg:$0xd]  }
0x21: {  	p1 =	sne.s32 s31, s19  }
.Ltmp1:
0x22: {  	_ = 	snop;
	(pc) =	sbr.rel @!p1 .LBB2_5-.Ltmp1, $3  }
0x23: {  	_ =	sdelay $0x1  }
0x24: {  	[sflag:s1] =	ssyncset.done @!p0 $0x0  }
0x25: {  	[sflag:s1] =	ssyncadd.s32 @!p0 $0xFFFD8F00  }
.LBB2_1:
0x26: {  	s1 =	rddreg [dreg:$0x6];
	s6 =	simm.s32 $0x6400  }
0x27: {  	[tilespmem:s6], [sflag:$0x6] =	stream.linear.gather [hbm4b:s1+s4], $0x2710, $0x38;
	[tilespmem:$0x1C680] =	vst v63  }
0x28: {  	_ =	swait.ge [sflag:s20], $0x2710  }
0x29: {  	[sflag:s20] =	ssyncset.done $0x0  }
0x2a: {  	s7 =	rddreg [dreg:$0x7];
	[sflag:s20] =	ssyncadd.s32 $0xFFFFD8F0  }
0x2b: {  	[tilespmem:s21], [sflag:$0x1] =	stream.linear.gather [hbm4b:s7+s4], $0x28, $0x38;
	[tilespmem:$0x1C680] =	vst v63  }
0x2c: {  	_ = 	snop  }
0x2d: {  	[tilespmem:s4], [sflag:$0x1] =	stream.indirect.gather [hbm4b:s5+s22], $0x80, s6, s22, $0xb8;
	[tilespmem:$0x1C680] =	vst v63  }
0x2e: {  	s9 =	simm.s32 $0x8C00;
	s8 =	rddreg [dreg:$0x8]  }
0x2f: {  	[tilespmem:s9], [sflag:$0x2] =	stream.linear.gather [hbm4b:s8+s4], $0x28, $0x38;
	[tilespmem:$0x1C680] =	vst v63  }
0x30: {  	s10 =	simm.s32 $0x6428;
	s11 =	simm.s32 $0x1400  }
0x31: {  	[tilespmem:s11], [sflag:$0x2] =	stream.indirect.gather [hbm4b:s5+s22], $0x80, s10, s22, $0xb8;
	[tilespmem:$0x1C680] =	vst v63  }
0x32: {  	s12 =	rddreg [dreg:$0x9]  }
0x33: {  	[tilespmem:s26], [sflag:$0x3] =	stream.linear.gather [hbm4b:s12+s4], $0x28, $0x38;
	[tilespmem:$0x1C680] =	vst v63  }
0x34: {  	s13 =	simm.s32 $0x6450  }
0x35: {  	[tilespmem:s29], [sflag:$0x3] =	stream.indirect.gather [hbm4b:s5+s22], $0x80, s13, s22, $0xb8;
	[tilespmem:$0x1C680] =	vst v63  }
0x36: {  	s15 =	simm.s32 $0x8D00;
	s14 =	rddreg [dreg:$0xa]  }
0x37: {  	[tilespmem:s15], [sflag:$0x4] =	stream.linear.gather [hbm4b:s14+s4], $0x28, $0x38;
	[tilespmem:$0x1C680] =	vst v63  }
0x38: {  	s16 =	simm.s32 $0x6478;
	s17 =	simm.s32 $0x3C00  }
0x39: {  	[tilespmem:s17], [sflag:$0x4] =	stream.indirect.gather [hbm4b:s5+s22], $0x80, s16, s22, $0xb8;
	[tilespmem:$0x1C680] =	vst v63  }
0x3a: {  	s19 =	simm.s32 $0x64A0;
	s18 =	rddreg [dreg:$0xb]  }
0x3b: {  	[tilespmem:s2], [sflag:$0x5] =	stream.linear.gather [hbm4b:s18+s4], $0x28, $0x38;
	[tilespmem:$0x1C680] =	vst v63  }
0x3c: {  	s1 =	sshrl.u32 @!p0 s3, $0x3;
	s6 =	rddreg [dreg:$0x3];
	s10 =	simm.s32 @!p0 $0x1C06  }
0x3d: {  	[tilespmem:s24], [sflag:$0x5] =	stream.indirect.gather [hbm4b:s5+s22], $0x80, s19, s22, $0xb8;
	[tilespmem:$0x1C680] =	vst v63  }
0x3e: {  	[spmem:s1], [sflag:s10] =	dma.local @!p0 [hbm:s6], $0x27100  }
0x3f: {  	s10 =	simm.s32 @!p0 $0x6  }
0x40: {  	_ =	swait.ge @!p0 [sflag:s10], $0x27100  }
0x41: {  	[sflag:s10] =	ssyncset.done @!p0 $0x0  }
0x42: {  	[sflag:s10] =	ssyncadd.s32 @!p0 $0xFFFD8F00  }
0x43: {  	[bflag:$0x0] =	sbarrier.arrive $0xFFFF  }
0x44: {  	s17 =	rddreg [dreg:$0x11]  }
0x45: {  	s16 =	rddreg [dreg:$0x10]  }
0x46: {  	s15 =	rddreg [dreg:$0xf]  }
0x47: {  	s18 =	smov.u32 s23;
	s10 =	simm.s32 $0x0;
	s14 =	rddreg [dreg:$0xe]  }
.LBB2_2:
0x48: {  	_ =	swait.ge [sflag:s25], $0x28  }
0x49: {  	[sflag:s25] =	ssyncset.done $0x0  }
0x4a: {  	[sflag:s25] =	ssyncadd.s32 $0xFFFFFFD8  }
0x4b: {  	_ =	swait.ge [sflag:s25], $0x1400  }
0x4c: {  	[sflag:s25] =	ssyncset.done $0x0  }
0x4d: {  	[sflag:s25] =	ssyncadd.s32 $0xFFFFEC00  }
0x4e: {  	[spmem:s3] =	stream.indirect.scatter.add.f32 [tilespmem:s4], [sflag:$0x6], $0x80, s21, s22, $0xb8;
	[tilespmem:$0x1C680] =	vst v63  }
0x4f: {  	_ =	swait.ge [sflag:s20], $0x1400  }
0x50: {  	p1 =	seq.s32 s10, $0x9920;
	[sflag:s20] =	ssyncset.done $0x0  }
0x51: {  	s12 =	simm.s32 @p1 $0x2;
	[sflag:s20] =	ssyncadd.s32 $0xFFFFEC00  }
0x52: {  	_ =	swait.ge @p1 [sflag:s12], $0x28  }
0x53: {  	[sflag:s12] =	ssyncset.done @p1 $0x0  }
0x54: {  	[sflag:s12] =	ssyncadd.s32 @p1 $0xFFFFFFD8  }
0x55: {  	_ =	swait.ge @p1 [sflag:s12], $0x1400  }
0x56: {  	s7 =	simm.s32 @p1 $0x28;
	s13 =	simm.s32 @p1 $0x1400;
	[sflag:s12] =	ssyncset.done @p1 $0x0  }
0x57: {  	s11 =	simm.s32 @p1 $0x6;
	[sflag:s12] =	ssyncadd.s32 @p1 $0xFFFFEC00;
	s12 =	simm.s32 @p1 $0x8C00  }
0x58: {  	[spmem:s3] =	stream.indirect.scatter.add.f32 @p1 [tilespmem:s13], [sflag:$0x6], $0x80, s12, s7, $0xb8;
	[tilespmem:$0x1C680] =	vst v63  }
0x59: {  	_ =	swait.ge @p1 [sflag:s11], $0x1400  }
0x5a: {  	s9 =	simm.s32 @!p1 $0x8B80;
	s12 =	sshrl.u32 @!p1 s18, $0x3;
	[sflag:s11] =	ssyncset.done @p1 $0x0  }
0x5b: {  	s13 =	sadd.s32 @!p1 s0, s12;
	s12 =	simm.s32 @!p1 $0x0;
	[sflag:s11] =	ssyncadd.s32 @p1 $0xFFFFEC00  }
0x5c: {  	[tilespmem:s9], [sflag:$0x1] =	stream.linear.gather @!p1 [hbm4b:s13+s12], $0x28, $0x38;
	[tilespmem:$0x1C680] =	vst v63  }
0x5d: {  	s13 =	sshra.s32 @!p1 s10, $0x2  }
0x5e: {  	s19 =	simm.s32 @!p1 $0x28;
	s9 =	sadd.s32 @!p1 $0x64C8, s13  }
0x5f: {  	[tilespmem:s12], [sflag:$0x1] =	stream.indirect.gather @!p1 [hbm4b:s5+s19], $0x80, s9, s19, $0xb8;
	[tilespmem:$0x1C680] =	vst v63  }
0x60: {  	s9 =	simm.s32 @!p1 $0x2  }
0x61: {  	_ =	swait.ge @!p1 [sflag:s9], $0x28  }
0x62: {  	[sflag:s9] =	ssyncset.done @!p1 $0x0  }
0x63: {  	[sflag:s9] =	ssyncadd.s32 @!p1 $0xFFFFFFD8  }
0x64: {  	_ =	swait.ge @!p1 [sflag:s9], $0x1400  }
0x65: {  	s8 =	simm.s32 @!p1 $0x1400;
	[sflag:s9] =	ssyncset.done @!p1 $0x0  }
0x66: {  	s6 =	simm.s32 @!p1 $0x6;
	[sflag:s9] =	ssyncadd.s32 @!p1 $0xFFFFEC00;
	s9 =	simm.s32 @!p1 $0x8C00  }
0x67: {  	[spmem:s3] =	stream.indirect.scatter.add.f32 @!p1 [tilespmem:s8], [sflag:$0x6], $0x80, s9, s19, $0xb8;
	[tilespmem:$0x1C680] =	vst v63  }
0x68: {  	_ =	swait.ge @!p1 [sflag:s6], $0x1400  }
0x69: {  	[sflag:s6] =	ssyncset.done @!p1 $0x0  }
0x6a: {  	[sflag:s6] =	ssyncadd.s32 @!p1 $0xFFFFEC00  }
0x6b: {  	[tilespmem:s9], [sflag:$0x2] =	stream.linear.gather @!p1 [hbm4b:s17+s12], $0x28, $0x38;
	[tilespmem:$0x1C680] =	vst v63  }
0x6c: {  	s9 =	sadd.s32 @!p1 $0x64F0, s13  }
0x6d: {  	[tilespmem:s8], [sflag:$0x2] =	stream.indirect.gather @!p1 [hbm4b:s5+s19], $0x80, s9, s19, $0xb8;
	[tilespmem:$0x1C680] =	vst v63  }
0x6e: {  	_ =	swait.ge [sflag:s28], $0x28  }
0x6f: {  	[sflag:s28] =	ssyncset.done $0x0  }
0x70: {  	[sflag:s28] =	ssyncadd.s32 $0xFFFFFFD8  }
0x71: {  	_ =	swait.ge [sflag:s28], $0x1400  }
0x72: {  	[sflag:s28] =	ssyncset.done $0x0  }
0x73: {  	[sflag:s28] =	ssyncadd.s32 $0xFFFFEC00  }
0x74: {  	[spmem:s3] =	stream.indirect.scatter.add.f32 [tilespmem:s29], [sflag:$0x6], $0x80, s26, s22, $0xb8;
	[tilespmem:$0x1C680] =	vst v63  }
0x75: {  	_ =	swait.ge [sflag:s20], $0x1400  }
0x76: {  	[sflag:s20] =	ssyncset.done $0x0  }
0x77: {  	s8 =	simm.s32 @p1 $0x4;
	[sflag:s20] =	ssyncadd.s32 $0xFFFFEC00  }
0x78: {  	_ =	swait.ge @p1 [sflag:s8], $0x28  }
0x79: {  	[sflag:s8] =	ssyncset.done @p1 $0x0  }
0x7a: {  	[sflag:s8] =	ssyncadd.s32 @p1 $0xFFFFFFD8  }
0x7b: {  	_ =	swait.ge @p1 [sflag:s8], $0x1400  }
0x7c: {  	[sflag:s8] =	ssyncset.done @p1 $0x0  }
0x7d: {  	s9 =	simm.s32 @p1 $0x3C00;
	[sflag:s8] =	ssyncadd.s32 @p1 $0xFFFFEC00;
	s8 =	simm.s32 @p1 $0x8D00  }
0x7e: {  	[spmem:s3] =	stream.indirect.scatter.add.f32 @p1 [tilespmem:s9], [sflag:$0x6], $0x80, s8, s7, $0xb8;
	[tilespmem:$0x1C680] =	vst v63  }
0x7f: {  	_ =	swait.ge @p1 [sflag:s11], $0x1400  }
0x80: {  	[sflag:s11] =	ssyncset.done @p1 $0x0  }
0x81: {  	s7 =	simm.s32 @!p1 $0x8C80;
	[sflag:s11] =	ssyncadd.s32 @p1 $0xFFFFEC00  }
0x82: {  	[tilespmem:s7], [sflag:$0x3] =	stream.linear.gather @!p1 [hbm4b:s16+s12], $0x28, $0x38;
	[tilespmem:$0x1C680] =	vst v63  }
0x83: {  	s8 =	simm.s32 @!p1 $0x2800;
	s7 =	sadd.s32 @!p1 $0x6518, s13  }
0x84: {  	[tilespmem:s8], [sflag:$0x3] =	stream.indirect.gather @!p1 [hbm4b:s5+s19], $0x80, s7, s19, $0xb8;
	[tilespmem:$0x1C680] =	vst v63  }
0x85: {  	s7 =	simm.s32 @!p1 $0x4  }
0x86: {  	_ =	swait.ge @!p1 [sflag:s7], $0x28  }
0x87: {  	[sflag:s7] =	ssyncset.done @!p1 $0x0  }
0x88: {  	[sflag:s7] =	ssyncadd.s32 @!p1 $0xFFFFFFD8  }
0x89: {  	_ =	swait.ge @!p1 [sflag:s7], $0x1400  }
0x8a: {  	[sflag:s7] =	ssyncset.done @!p1 $0x0  }
0x8b: {  	s8 =	simm.s32 @!p1 $0x3C00;
	[sflag:s7] =	ssyncadd.s32 @!p1 $0xFFFFEC00;
	s7 =	simm.s32 @!p1 $0x8D00  }
0x8c: {  	[spmem:s3] =	stream.indirect.scatter.add.f32 @!p1 [tilespmem:s8], [sflag:$0x6], $0x80, s7, s19, $0xb8;
	[tilespmem:$0x1C680] =	vst v63  }
0x8d: {  	_ =	swait.ge @!p1 [sflag:s6], $0x1400  }
0x8e: {  	[sflag:s6] =	ssyncset.done @!p1 $0x0  }
0x8f: {  	[sflag:s6] =	ssyncadd.s32 @!p1 $0xFFFFEC00  }
0x90: {  	[tilespmem:s7], [sflag:$0x4] =	stream.linear.gather @!p1 [hbm4b:s15+s12], $0x28, $0x38;
	[tilespmem:$0x1C680] =	vst v63  }
0x91: {  	s6 =	sadd.s32 @!p1 $0x6540, s13  }
0x92: {  	[tilespmem:s8], [sflag:$0x4] =	stream.indirect.gather @!p1 [hbm4b:s5+s19], $0x80, s6, s19, $0xb8;
	[tilespmem:$0x1C680] =	vst v63  }
0x93: {  	_ =	swait.ge [sflag:s30], $0x28  }
0x94: {  	[sflag:s30] =	ssyncset.done $0x0  }
0x95: {  	[sflag:s30] =	ssyncadd.s32 $0xFFFFFFD8  }
0x96: {  	_ =	swait.ge [sflag:s30], $0x1400  }
0x97: {  	[sflag:s30] =	ssyncset.done $0x0  }
.Ltmp2:
0x98: {  	[sflag:s30] =	ssyncadd.s32 $0xFFFFEC00;
	(pc) =	sbr.rel @p1 .LBB2_4-.Ltmp2, $4  }
0x99: {  	[spmem:s3] =	stream.indirect.scatter.add.f32 [tilespmem:s24], [sflag:$0x6], $0x80, s2, s22, $0xb8;
	[tilespmem:$0x1C680] =	vst v63  }
0x9a: {  	_ =	swait.ge [sflag:s20], $0x1400  }
0x9b: {  	[sflag:s20] =	ssyncset.done $0x0  }
0x9c: {  	[sflag:s20] =	ssyncadd.s32 $0xFFFFEC00  }
0x9d: {  	[tilespmem:s2], [sflag:$0x5] =	stream.linear.gather [hbm4b:s14+s4], $0x28, $0x38;
	[tilespmem:$0x1C680] =	vst v63  }
.Ltmp3:
0x9e: {  	_ = 	snop;
	(pc) =	sbr.rel .LBB2_2-.Ltmp3, $4  }
0x9f: {  	s6 =	sshra.s32 s10, $0x2;
	s14 =	sadd.s32 $0x19, s14  }
0xa0: {  	s10 =	sadd.s32 $0x320, s10;
	s15 =	sadd.s32 $0x19, s15;
	s16 =	sadd.s32 $0x19, s16  }
0xa1: {  	s17 =	sadd.s32 $0x19, s17;
	s18 =	sadd.s32 $0xC8, s18;
	s6 =	sadd.s32 $0x6568, s6  }
0xa2: {  	[tilespmem:s24], [sflag:$0x5] =	stream.indirect.gather [hbm4b:s5+s22], $0x80, s6, s22, $0xb8;
	[tilespmem:$0x1C680] =	vst v63  }
.LBB2_5:
0xa3: {  	_ =	sfence.sel $0x180000  }
0xa4: {  	[bflag:$0x0] =	sbarrier.arrive $0xFFFF  }
0xa5: {  	_ =	strace $0x90000050  }
0xa6: {  	[bflag:$0x2] =	sbarrier.arrive $0xFFFF  }
0xa7: {  	s0 =	rddreg [dreg:$0x5]  }
0xa8: {  	s0 =	sadd.s32 @!p0 $0x100000, s0  }
0xa9: {  	[sflag:s0] =	ssyncadd.tile.s32 @!p0 $0x1;
	_ =	shalt  }
.Lfunc_end2:
_tile_overlayer_lowered:
.L_overlay_start_2:
0xaa: {  	(tag) =	ssettag $0x2  }
0xab: {  	s0 =	rddreg [dreg:$0x0];
	s2 =	stileid.u32  }
0xac: {  	s1 =	rddreg [dreg:$0x1];
	p0 =	sne.s32 s2, $0x0  }
0xad: {  	s3 =	rddreg [dreg:$0x2];
	[bflag:$0x3] =	sbarrier.arrive $0xFFFF;
	s2 =	simm.s32 @!p0 $0x1C06  }
0xae: {  	[timem:s3], [sflag:s2] =	dma.local @!p0 [hbm:s0], s1  }
0xaf: {  	s0 =	simm.s32 @!p0 $0x6  }
0xb0: {  	_ =	swait.ge @!p0 [sflag:s0], s1  }
0xb1: {  	s1 =	ssub.s32 @!p0 $0x0, s1;
	[sflag:s0] =	ssyncset.done @!p0 $0x0  }
0xb2: {  	[sflag:s0] =	ssyncadd.s32 @!p0 s1  }
0xb3: {  	[bflag:$0x3] =	sbarrier.arrive $0xFFFF  }
0xb4: {  	_ =	shalt  }

// kernel: kernel.8.cloned.1.call-start
scs
__scs_entry_jumppad:
0x0: {  	(pc) =	sbr.rel $0x88, $3  }
0x1: {  	(tag) =	ssettag $0x0;
	lr =	simm.s32 $0x1  }
0x2: {  	[smem:$0x3F9A] =	sst lr;
	_ =	strace $0xD0000000  }
0x3: {  	_ = 	snop  }
0x4: {  	_ = 	snop  }
0x5: {  	_ = 	snop  }
0x6: {  	_ = 	snop  }
0x7: {  	_ = 	snop  }
__scs_overlays_trampoline_lowered:
0x8: {  	[smem:$0x3FA9] =	sst s0  }
0x9: {  	[smem:$0x3FAA] =	sst s1  }
0xa: {  	[smem:$0x3FAB] =	sst s2  }
0xb: {  	[smem:$0x3FAC] =	sst s3  }
0xc: {  	[smem:$0x3FAD] =	sst s4  }
0xd: {  	[smem:$0x3FAE] =	sst s5  }
0xe: {  	[smem:$0x3FAF] =	sst s6  }
0xf: {  	[smem:$0x3FB0] =	sst s7  }
0x10: {  	[smem:$0x3FB1] =	sst s8  }
0x11: {  	[smem:$0x3FB2] =	sst s9;
	s0 =	simm.s32 @!p0 $0x0  }
0x12: {  	s1 =	sld [smem:$0x3F98];
	s0 =	simm.s32 @p0 $0x1  }
0x13: {  	[smem:$0x3FB3] =	sst s0;
	s0 =	simm.s32 @!p1 $0x0  }
0x14: {  	s2 =	sld [smem:$0x3F97];
	s0 =	simm.s32 @p1 $0x1  }
0x15: {  	[smem:$0x3FB4] =	sst s0;
	s0 =	simm.s32 @!p2 $0x0  }
0x16: {  	s3 =	sld [smem:$0x3FDB];
	s0 =	simm.s32 @p2 $0x1  }
0x17: {  	s4 =	simm.s32 $0x1BF5;
	[smem:$0x3FB6] =	sst s0  }
0x18: {  	s0 =	sld [smem:$0x3F99];
	_ =	swait.ge [sflag:s4], $0x0  }
0x19: {  	s7 =	sld [smem:$0x3F9A]  }
0x1a: {  	s8 =	sadd.s32 $0xFFFFE003, lr  }
0x1b: {  	s9 =	sadd.s32 $0xFFFFFEF7, lr;
	s5 =	simm.s32 $0xFFFFFFFF;
	p2 =	slt.u32 s8, $0xFFFFF086  }
0x1c: {  	p1 =	slt.u32 s9, $0xF7A;
	s5 =	simm.s32 @!p2 $0x0  }
0x1d: {  	s5 =	simm.s32 @p1 $0x1;
	p0 =	seq.s32 s7, s2  }
0x1e: {  	s7 =	smul.u32 @!p0 $0xF7A, s2;
	p2 =	seq.s32 @!p0 s5, $0x0  }
0x1f: {  	s9 =	smul.u32 $0xF7A, s1;
	s8 =	simm.s32 @!p0 $0x1BF5;
	p2 =	por !p2, p0  }
0x20: {  	[sflag:s8] =	ssyncset.s32 @!p0 $0xFFFFF086;
	s6 =	sadd.s32 @!p0 s3, s7;
	s7 =	simm.s32 @!p0 $0x108  }
0x21: {  	s3 =	sadd.s32 s3, s9;
	s6 =	sadd.s32 @!p0 $0x88, s6;
	s7 =	simm.s32 @p2 $0x1082  }
0x22: {  	[simem:s7], [sflag:s8] =	dma.local @!p0 [hbm:s6], $0xF7A  }
0x23: {  	s9 =	sor.u32 $0xD0000000, s2;
	s6 =	simm.s32 $0x108;
	_ =	swait.ge @!p0 [sflag:s8], $0x0  }
0x24: {  	s3 =	sadd.s32 $0x88, s3;
	s6 =	simm.s32 @!p1 $0x1082;
	[sflag:s4] =	ssyncset.s32 $0xFFFFF086  }
0x25: {  	[simem:s6], [sflag:s4] =	dma.local [hbm:s3], $0xF7A  }
0x26: {  	[smem:$0x3F9A] =	sst s1;
	(tag) =	ssettag s2;
	_ =	strace s9  }
0x27: {  	s1 =	sld [smem:$0x3FAA]  }
0x28: {  	s2 =	sld [smem:$0x3FAB]  }
0x29: {  	s4 =	sld [smem:$0x3FAD]  }
0x2a: {  	p0 =	seq.s32 s5, $0x0;
	s5 =	sld [smem:$0x3FAE]  }
0x2b: {  	s6 =	sld [smem:$0x3FAF]  }
0x2c: {  	s7 =	sld [smem:$0x3FB0]  }
0x2d: {  	s3 =	simm.s32 $0x108;
	s8 =	sld [smem:$0x3FB1]  }
0x2e: {  	s3 =	simm.s32 @!p0 $0x1082;
	s9 =	sld [smem:$0x3FB2]  }
0x2f: {  	lr =	sadd.s32 s0, s3;
	s0 =	sld [smem:$0x3FA9]  }
0x30: {  	s3 =	sld [smem:$0x3FAC]  }
0x31: {  	[smem:$0x3FB5] =	sst s10  }
0x32: {  	s10 =	sld [smem:$0x3FB3];
	_ =	sdelay $0x3  }
0x33: {  	p0 =	seq.s32 s10, $0x1;
	s10 =	sld [smem:$0x3FB5];
	_ =	sdelay $0x3  }
0x34: {  	[smem:$0x3FB5] =	sst s10  }
0x35: {  	s10 =	sld [smem:$0x3FB4];
	_ =	sdelay $0x3  }
0x36: {  	p1 =	seq.s32 s10, $0x1;
	s10 =	sld [smem:$0x3FB5];
	_ =	sdelay $0x3  }
0x37: {  	[smem:$0x3FB5] =	sst s10  }
0x38: {  	s10 =	sld [smem:$0x3FB6]  }
0x39: {  	_ = 	snop;
	(pc) =	sbr.ind lr, $3  }
0x3a: {  	_ = 	snop  }
0x3b: {  	_ = 	snop  }
0x3c: {  	p2 =	seq.s32 s10, $0x1;
	s10 =	sld [smem:$0x3FB5]  }
0x3d: {  	_ =	shalt  }
0x3e: {  	_ =	shalt  }
0x3f: {  	_ =	shalt  }
0x40: {  	_ =	shalt  }
0x41: {  	_ =	shalt  }
0x42: {  	_ =	shalt  }
0x43: {  	_ =	shalt  }
0x44: {  	_ =	shalt  }
0x45: {  	_ =	shalt  }
0x46: {  	_ =	shalt  }
0x47: {  	_ =	shalt  }
0x48: {  	_ =	shalt  }
0x49: {  	_ =	shalt  }
0x4a: {  	_ =	shalt  }
0x4b: {  	_ =	shalt  }
0x4c: {  	_ =	shalt  }
0x4d: {  	_ =	shalt  }
0x4e: {  	_ =	shalt  }
0x4f: {  	_ =	shalt  }
0x50: {  	_ =	shalt  }
0x51: {  	_ =	shalt  }
0x52: {  	_ =	shalt  }
0x53: {  	_ =	shalt  }
0x54: {  	_ =	shalt  }
0x55: {  	_ =	shalt  }
0x56: {  	_ =	shalt  }
0x57: {  	_ =	shalt  }
0x58: {  	_ =	shalt  }
0x59: {  	_ =	shalt  }
0x5a: {  	_ =	shalt  }
0x5b: {  	_ =	shalt  }
0x5c: {  	_ =	shalt  }
0x5d: {  	_ =	shalt  }
0x5e: {  	_ =	shalt  }
0x5f: {  	_ =	shalt  }
0x60: {  	_ =	shalt  }
0x61: {  	_ =	shalt  }
0x62: {  	_ =	shalt  }
0x63: {  	_ =	shalt  }
0x64: {  	_ =	shalt  }
0x65: {  	_ =	shalt  }
0x66: {  	_ =	shalt  }
0x67: {  	_ =	shalt  }
0x68: {  	_ =	shalt  }
0x69: {  	_ =	shalt  }
0x6a: {  	_ =	shalt  }
0x6b: {  	_ =	shalt  }
0x6c: {  	_ =	shalt  }
0x6d: {  	_ =	shalt  }
0x6e: {  	_ =	shalt  }
0x6f: {  	_ =	shalt  }
0x70: {  	_ =	shalt  }
0x71: {  	_ =	shalt  }
0x72: {  	_ =	shalt  }
0x73: {  	_ =	shalt  }
0x74: {  	_ =	shalt  }
0x75: {  	_ =	shalt  }
0x76: {  	_ =	shalt  }
0x77: {  	_ =	shalt  }
0x78: {  	_ =	shalt  }
0x79: {  	_ =	shalt  }
0x7a: {  	_ =	shalt  }
0x7b: {  	_ =	shalt  }
0x7c: {  	_ =	shalt  }
0x7d: {  	_ =	shalt  }
0x7e: {  	_ =	shalt  }
0x7f: {  	_ =	shalt  }
0x80: {  	_ =	shalt  }
0x81: {  	_ =	shalt  }
0x82: {  	_ =	shalt  }
0x83: {  	_ =	shalt  }
0x84: {  	_ =	shalt  }
0x85: {  	_ =	shalt  }
0x86: {  	_ =	shalt  }
0x87: {  	_ =	shalt  }
.Lfunc_end0:
.L_simem_size_0:
called_computation_lowered:
.L_overlay_start_0:
0x88: {  	s2 =	sld [smem:$0x3FD9]  }
0x89: {  	s3 =	sld [smem:$0x3FFE];
	_ =	sdelay $0x1  }
0x8a: {  	s1 =	srdreg.scid  }
0x8b: {  	s0 =	sand.u32 $0x1, s1  }
0x8c: {  	s17 =	sshll.u32 s0, $0xA;
	s2 =	sadd.s32 s3, s2  }
0x8d: {  	s2 =	sadd.s32 s2, s17  }
0x8e: {  	[smem:$0x3FC1] =	sst s2  }
0x8f: {  	_ = 	snop  }
0x90: {  	s18 =	sld [smem:$0x3FC9]  }
0x91: {  	s4 =	sld [smem:$0x3FC8]  }
0x92: {  	s5 =	sld [smem:$0x3FC7];
	(tm) =	ssettm $0x1  }
0x93: {  	s19 =	sld [smem:$0x3FFB];
	_ =	sdelay $0x3  }
0x94: {  	_ =	strace s19  }
0x95: {  	s2 =	sld [smem:$0x3FFC];
	_ =	sdelay $0x3  }
0x96: {  	_ =	strace s2  }
0x97: {  	s2 =	sld [smem:$0x3FFD];
	_ =	sdelay $0x3  }
0x98: {  	_ =	strace s2  }
0x99: {  	_ =	strace $0x8FFFFFFF  }
0x9a: {  	s20 =	sld [smem:$0x3FDB];
	_ =	sdelay $0x1  }
0x9b: {  	s6 =	simm.s32 $_scs_section_size  }
0x9c: {  	s7 =	simm.s32 $_size__tile_overlayer_lowered;
	s8 =	simm.s32 $_tile_overlayer_lowered  }
0x9d: {  	s9 =	simm.s32 $0x1BFF;
	s21 =	sshll.u32 s8, $0x1;
	s6 =	sadd.s32 s6, s20  }
0x9e: {  	s22 =	simm.s32 $0x0;
	s7 =	sshll.u32 s7, $0x1;
	s8 =	sadd.s32 s21, s6  }
0x9f: {  	[timem:s22], [sflag:s9] =	dma.local [hbm:s8], s7  }
0xa0: {  	_ =	swait.ge [sflag:s9], s7  }
0xa1: {  	s7 =	ssub.s32 $0x0, s7;
	[sflag:s9] =	ssyncset.done $0x0  }
0xa2: {  	[sflag:s9] =	ssyncadd.s32 s7;
	_ =	sdelay $0x1  }
0xa3: {  	s23 =	simm.s32 $0x1B8B  }
0xa4: {  	_ =	swait.ge [sflag:s23], $0x1  }
0xa5: {  	[sflag:s23] =	ssyncset.done $0x0  }
0xa6: {  	[sflag:s23] =	ssyncadd.s32 $0xFFFFFFFF  }
0xa7: {  	s7 =	sld [smem:$0x0]  }
0xa8: {  	s8 =	sand.u32 $0xFFFFFFFE, s1  }
0xa9: {  	p0 =	sne.s32 s1, s8  }
0xaa: {  	s8 =	sshll.u32 @p0 s8, $0xE  }
0xab: {  	s8 =	sadd.s32 @p0 $0x11B8D, s8;
	s9 =	sshll.u32 @p0 s7, $0x11  }
0xac: {  	s8 =	sor.u32 @p0 s9, s8  }
0xad: {  	[sflag:s8] =	ssyncadd.remote.s32 @p0 $0x1;
	_ =	sdelay $0x1  }
0xae: {  	s8 =	simm.s32 @p0 $0x1B8D  }
0xaf: {  	_ =	swait.eq @p0 [sflag:s8], $0x1  }
0xb0: {  	[sflag:s8] =	ssyncadd.s32 @p0 $0xFFFFFFFF  }
0xb1: {  	s9 =	sshll.u32 @!p0 s1, $0xE  }
0xb2: {  	s9 =	sor.u32 @!p0 $0x4000, s9;
	s8 =	simm.s32 @!p0 $0x1B8D  }
0xb3: {  	s7 =	sshll.u32 @!p0 s7, $0x11;
	s9 =	sadd.s32 @!p0 $0x11B8D, s9;
	_ =	swait.eq @!p0 [sflag:s8], $0x1  }
0xb4: {  	s7 =	sor.u32 @!p0 s7, s9;
	[sflag:s8] =	ssyncadd.s32 @!p0 $0xFFFFFFFF  }
0xb5: {  	s25 =	simm.s32 $0x1B8E;
	s24 =	sld [smem:$0x3FFE];
	[sflag:s7] =	ssyncadd.remote.s32 @!p0 $0x1  }
0xb6: {  	s26 =	simm.s32 $execute0_lowered;
	[smem:$0x3FD2] =	sst s25  }
0xb7: {  	s8 =	sshll.u32 s26, $0x1;
	_ =	strace $0x80000049;
	[dreg:$0x1] =	wrdreg $0xFFFFFFFF  }
0xb8: {  	s28 =	simm.s32 $_size_execute0_lowered;
	s6 =	sadd.s32 s6, s8;
	[dreg:$0x0] =	wrdreg $0x0  }
0xb9: {  	s8 =	sshll.u32 s28, $0x1;
	[dreg:$0x2] =	wrdreg s6  }
0xba: {  	[dreg:$0x3] =	wrdreg s8  }
0xbb: {  	[dreg:$0x4] =	wrdreg $0xC0  }
0xbc: {  	_ =	task [dreg:s22], $0x5FFFF  }
0xbd: {  	[dreg:$0x1] =	wrdreg $0xFFFFFFFF  }
0xbe: {  	[dreg:$0x0] =	wrdreg $0x60  }
0xbf: {  	[dreg:$0x2] =	wrdreg s18  }
0xc0: {  	[dreg:$0x3] =	wrdreg s4  }
0xc1: {  	[dreg:$0x4] =	wrdreg s5  }
0xc2: {  	[dreg:$0x5] =	wrdreg s24  }
0xc3: {  	[dreg:$0x6] =	wrdreg $0x8E000  }
0xc4: {  	[dreg:$0x7] =	wrdreg $0xA  }
0xc5: {  	_ =	task.clear_ibuf [dreg:s22], $0x8FFFF;
	_ =	strace $0x90000049  }
0xc6: {  	s29 =	simm.s32 $0xA;
	_ =	strace $0x8000004B  }
0xc7: {  	_ =	swait.ge [sflag:s29], $0x1  }
0xc8: {  	[sflag:s29] =	ssyncadd.s32 $0xFFFFFFFF  }
0xc9: {  	_ =	strace $0x9000004B  }
0xca: {  	_ =	sfence  }
0xcb: {  	s30 =	sld [smem:$0x0];
	_ =	sdelay $0x2  }
0xcc: {  	s31 =	sshll.u32 s1, $0xD;
	s1 =	sshrl.u32 s1, $0x2  }
0xcd: {  	s4 =	sand.u32 $0x4000, s31;
	s1 =	sadd.s32 s1, s30  }
0xce: {  	s0 =	sor.u32 s4, s0;
	s1 =	sshll.u32 s1, $0x11  }
0xcf: {  	s0 =	sor.u32 s1, s0  }
0xd0: {  	s0 =	sadd.s32 $0x8F2B, s0  }
0xd1: {  	[sflag:s0] =	ssyncadd.remote.s32 $0x1  }
0xd2: {  	_ =	sfence.sel $0xFFFF  }
0xd3: {  	[dreg:$0x0] =	wrdreg $0xFFFFFFFF;
	(pc) =	sbr.abs _section_cstart, $3  }
0xd4: {  	[dreg:$0x1] =	wrdreg $0xFFFFFFFF  }
0xd5: {  	_ =	task.clear_ibuf [dreg:s22], $0x2FFFF;
	_ =	strace $0x9FFFFFFF  }
0xd6: {  	(tm) =	ssettm $0x7FFFFFFF  }
0xd7: {  	_ =	shalt  }
tec
execute0_lowered:
.L_overlay_start_1:
0x0: {  	(tag) =	ssettag $0x1  }
0x1: {  	s0 =	rddreg [dreg:$0x0]  }
0x2: {  	s1 =	rddreg [dreg:$0x1]  }
0x3: {  	s2 =	rddreg [dreg:$0x2]  }
0x4: {  	s5 =	rddreg [dreg:$0x3]  }
0x5: {  	s3 =	rddreg [dreg:$0x4];
	s4 =	srdreg.scid  }
0x6: {  	s10 =	stileid.u32;
	s29 =	simm.s32 $0x2800;
	s28 =	simm.s32 $0x1  }
0x7: {  	s30 =	simm.s32 $0x3;
	s31 =	simm.s32 $0x5;
	s6 =	sand.u32 $0x1, s4  }
0x8: {  	s4 =	simm.s32 $0x0;
	s24 =	sadd.s32 $0x2200, s5;
	s15 =	smul.u32 $0x2710, s10  }
0x9: {  	p0 =	sne.s32 s10, $0x0;
	s7 =	sshll.u32 s6, $0x4;
	s8 =	smul.u32 $0x13880, s6  }
0xa: {  	[smem:$0x7FF] =	sst s4;
	s9 =	ssub.s32 $0x2, s6;
	s6 =	smul.u32 $0x27100, s6  }
0xb: {  	s7 =	sor.u32 s10, s7;
	_ =	strace $0x8000004A;
	[dreg:$0x6] =	wrdreg s24  }
0xc: {  	s25 =	sshrl.u32 s9, $0x1;
	s11 =	smul.u32 $0x2710, s7;
	s12 =	sadd.s32 s15, s6  }
0xd: {  	s5 =	sadd.s32 s8, s5;
	s26 =	ssub.s32 s9, s25;
	s18 =	sadd.s32 $0x168, s12  }
0xe: {  	s5 =	sadd.s32 $0x3CE00, s5;
	s20 =	smax.u32 s26, $0x1;
	s21 =	sadd.s32 $0x140, s12  }
0xf: {  	s22 =	sadd.s32 $0x118, s12;
	s23 =	sadd.s32 $0xF0, s12;
	s13 =	sshrl.u32 s11, $0x3  }
0x10: {  	s14 =	sadd.s32 $0x28, s11;
	s11 =	sadd.s32 $0x78, s11;
	[dreg:$0xd] =	wrdreg s5  }
0x11: {  	[dreg:$0xe] =	wrdreg s20;
	s24 =	sshrl.u32 s22, $0x3;
	s25 =	sshrl.u32 s23, $0x3  }
0x12: {  	s5 =	sadd.s32 $0xC8, s12;
	s20 =	simm.s32 $0x6;
	s1 =	sadd.s32 s1, s13  }
0x13: {  	s22 =	simm.s32 $0x28;
	s7 =	sadd.s32 s2, s13;
	[dreg:$0x7] =	wrdreg s1  }
0x14: {  	s26 =	sadd.s32 s25, s2;
	s1 =	sshrl.u32 s14, $0x3;
	[dreg:$0x8] =	wrdreg s7  }
0x15: {  	s16 =	sshrl.u32 s11, $0x3;
	[dreg:$0x12] =	wrdreg s26;
	s1 =	sadd.s32 s2, s1  }
0x16: {  	s23 =	simm.s32 $0x8D80;
	[dreg:$0x9] =	wrdreg s1;
	s1 =	sadd.s32 s2, s16  }
0x17: {  	s17 =	sadd.s32 $0xA, s7;
	[dreg:$0xb] =	wrdreg s1;
	s1 =	sshrl.u32 s18, $0x3  }
.Ltmp0:
0x18: {  	[dreg:$0xa] =	wrdreg s17;
	s1 =	sadd.s32 s1, s2;
	(pc) =	sbr.rel .LBB2_1-.Ltmp0, $4  }
0x19: {  	s19 =	sadd.s32 $0x14, s7;
	[dreg:$0xf] =	wrdreg s1;
	s1 =	sshrl.u32 s21, $0x3  }
0x1a: {  	s25 =	simm.s32 $0x5000;
	[dreg:$0xc] =	wrdreg s19;
	s1 =	sadd.s32 s1, s2  }
0x1b: {  	s26 =	simm.s32 $0x8C80;
	[dreg:$0x10] =	wrdreg s1;
	s1 =	sadd.s32 s24, s2  }
0x1c: {  	s21 =	simm.s32 $0x8B80;
	[dreg:$0x11] =	wrdreg s1;
	s1 =	simm.s32 $0x0  }
.LBB2_4:
0x1d: {  	[bflag:$0x0] =	sbarrier.arrive $0xFFFF  }
0x1e: {  	s6 =	simm.s32 @!p0 $0x1C06;
	s7 =	rddreg [dreg:$0xd]  }
0x1f: {  	[hbm:s7], [sflag:s6] =	dma.local @!p0 [spmem:s24], $0x13880  }
0x20: {  	s6 =	simm.s32 @!p0 $0x6  }
0x21: {  	_ =	swait.ge @!p0 [sflag:s6], $0x13880  }
0x22: {  	s1 =	sadd.s32 $0x1, s1;
	s24 =	rddreg [dreg:$0xe]  }
0x23: {  	p1 =	sne.s32 s1, s24  }
.Ltmp1:
0x24: {  	_ = 	snop;
	(pc) =	sbr.rel @!p1 .LBB2_5-.Ltmp1, $3  }
0x25: {  	_ =	sdelay $0x1  }
0x26: {  	[sflag:s6] =	ssyncset.done @!p0 $0x0  }
0x27: {  	[sflag:s6] =	ssyncadd.s32 @!p0 $0xFFFEC780  }
.LBB2_1:
0x28: {  	s6 =	rddreg [dreg:$0x7];
	s7 =	simm.s32 $0x6400  }
0x29: {  	[tilespmem:s7], [sflag:$0x6] =	stream.linear.gather [hbm4b:s6+s4], $0x2710, $0x38;
	[tilespmem:$0x12A40] =	vst v63  }
0x2a: {  	_ =	swait.ge [sflag:s20], $0x2710  }
0x2b: {  	[sflag:s20] =	ssyncset.done $0x0  }
0x2c: {  	s8 =	rddreg [dreg:$0x8];
	[sflag:s20] =	ssyncadd.s32 $0xFFFFD8F0  }
0x2d: {  	[tilespmem:s21], [sflag:$0x1] =	stream.linear.gather [hbm4b:s8+s4], $0x28, $0x38;
	[tilespmem:$0x12A40] =	vst v63  }
0x2e: {  	_ = 	snop  }
0x2f: {  	[tilespmem:s4], [sflag:$0x1] =	stream.indirect.gather [hbm4b:s0+s22], $0x80, s7, s22, $0xb8;
	[tilespmem:$0x12A40] =	vst v63  }
0x30: {  	s10 =	simm.s32 $0x8C00;
	s9 =	rddreg [dreg:$0x9]  }
0x31: {  	[tilespmem:s10], [sflag:$0x2] =	stream.linear.gather [hbm4b:s9+s4], $0x28, $0x38;
	[tilespmem:$0x12A40] =	vst v63  }
0x32: {  	s11 =	simm.s32 $0x6428;
	s12 =	simm.s32 $0x1400  }
0x33: {  	[tilespmem:s12], [sflag:$0x2] =	stream.indirect.gather [hbm4b:s0+s22], $0x80, s11, s22, $0xb8;
	[tilespmem:$0x12A40] =	vst v63  }
0x34: {  	s13 =	rddreg [dreg:$0xa]  }
0x35: {  	[tilespmem:s26], [sflag:$0x3] =	stream.linear.gather [hbm4b:s13+s4], $0x28, $0x38;
	[tilespmem:$0x12A40] =	vst v63  }
0x36: {  	s14 =	simm.s32 $0x6450  }
0x37: {  	[tilespmem:s29], [sflag:$0x3] =	stream.indirect.gather [hbm4b:s0+s22], $0x80, s14, s22, $0xb8;
	[tilespmem:$0x12A40] =	vst v63  }
0x38: {  	s16 =	simm.s32 $0x8D00;
	s15 =	rddreg [dreg:$0xb]  }
0x39: {  	[tilespmem:s16], [sflag:$0x4] =	stream.linear.gather [hbm4b:s15+s4], $0x28, $0x38;
	[tilespmem:$0x12A40] =	vst v63  }
0x3a: {  	s17 =	simm.s32 $0x6478;
	s18 =	simm.s32 $0x3C00  }
0x3b: {  	[tilespmem:s18], [sflag:$0x4] =	stream.indirect.gather [hbm4b:s0+s22], $0x80, s17, s22, $0xb8;
	[tilespmem:$0x12A40] =	vst v63  }
0x3c: {  	s19 =	rddreg [dreg:$0xc]  }
0x3d: {  	[tilespmem:s23], [sflag:$0x5] =	stream.linear.gather [hbm4b:s19+s4], $0x28, $0x38;
	[tilespmem:$0x12A40] =	vst v63  }
0x3e: {  	s24 =	simm.s32 $0x64A0  }
0x3f: {  	[tilespmem:s25], [sflag:$0x5] =	stream.indirect.gather [hbm4b:s0+s22], $0x80, s24, s22, $0xb8;
	[tilespmem:$0x12A40] =	vst v63  }
0x40: {  	s6 =	rddreg [dreg:$0x6];
	s10 =	simm.s32 @!p0 $0x1C06;
	s24 =	sshrl.u32 @!p0 s3, $0x3  }
0x41: {  	[spmem:s24], [sflag:s10] =	dma.local @!p0 [hbm:s6], $0x13880  }
0x42: {  	s10 =	simm.s32 @!p0 $0x6  }
0x43: {  	_ =	swait.ge @!p0 [sflag:s10], $0x13880  }
0x44: {  	[sflag:s10] =	ssyncset.done @!p0 $0x0  }
0x45: {  	[sflag:s10] =	ssyncadd.s32 @!p0 $0xFFFEC780  }
0x46: {  	[bflag:$0x0] =	sbarrier.arrive $0xFFFF  }
0x47: {  	s17 =	rddreg [dreg:$0x12]  }
0x48: {  	s16 =	rddreg [dreg:$0x11]  }
0x49: {  	s15 =	rddreg [dreg:$0x10]  }
0x4a: {  	s18 =	smov.u32 s5;
	s10 =	simm.s32 $0x0;
	s14 =	rddreg [dreg:$0xf]  }
.LBB2_2:
0x4b: {  	_ =	swait.ge [sflag:s28], $0x28  }
0x4c: {  	[sflag:s28] =	ssyncset.done $0x0  }
0x4d: {  	[sflag:s28] =	ssyncadd.s32 $0xFFFFFFD8  }
0x4e: {  	_ =	swait.ge [sflag:s28], $0x1400  }
0x4f: {  	[sflag:s28] =	ssyncset.done $0x0  }
0x50: {  	[sflag:s28] =	ssyncadd.s32 $0xFFFFEC00  }
0x51: {  	[spmem:s3] =	stream.indirect.scatter.add.f32 [tilespmem:s4], [sflag:$0x6], $0x80, s21, s22, $0xb8;
	[tilespmem:$0x12A40] =	vst v63  }
0x52: {  	_ =	swait.ge [sflag:s20], $0x1400  }
0x53: {  	p1 =	seq.s32 s10, $0x9920;
	[sflag:s20] =	ssyncset.done $0x0  }
0x54: {  	s12 =	simm.s32 @p1 $0x2;
	[sflag:s20] =	ssyncadd.s32 $0xFFFFEC00  }
0x55: {  	_ =	swait.ge @p1 [sflag:s12], $0x28  }
0x56: {  	[sflag:s12] =	ssyncset.done @p1 $0x0  }
0x57: {  	[sflag:s12] =	ssyncadd.s32 @p1 $0xFFFFFFD8  }
0x58: {  	_ =	swait.ge @p1 [sflag:s12], $0x1400  }
0x59: {  	s7 =	simm.s32 @p1 $0x28;
	s13 =	simm.s32 @p1 $0x1400;
	[sflag:s12] =	ssyncset.done @p1 $0x0  }
0x5a: {  	s11 =	simm.s32 @p1 $0x6;
	[sflag:s12] =	ssyncadd.s32 @p1 $0xFFFFEC00;
	s12 =	simm.s32 @p1 $0x8C00  }
0x5b: {  	[spmem:s3] =	stream.indirect.scatter.add.f32 @p1 [tilespmem:s13], [sflag:$0x6], $0x80, s12, s7, $0xb8;
	[tilespmem:$0x12A40] =	vst v63  }
0x5c: {  	_ =	swait.ge @p1 [sflag:s11], $0x1400  }
0x5d: {  	s9 =	simm.s32 @!p1 $0x8B80;
	s12 =	sshrl.u32 @!p1 s18, $0x3;
	[sflag:s11] =	ssyncset.done @p1 $0x0  }
0x5e: {  	s13 =	sadd.s32 @!p1 s2, s12;
	s12 =	simm.s32 @!p1 $0x0;
	[sflag:s11] =	ssyncadd.s32 @p1 $0xFFFFEC00  }
0x5f: {  	[tilespmem:s9], [sflag:$0x1] =	stream.linear.gather @!p1 [hbm4b:s13+s12], $0x28, $0x38;
	[tilespmem:$0x12A40] =	vst v63  }
0x60: {  	s13 =	sshra.s32 @!p1 s10, $0x2  }
0x61: {  	s19 =	simm.s32 @!p1 $0x28;
	s9 =	sadd.s32 @!p1 $0x64C8, s13  }
0x62: {  	[tilespmem:s12], [sflag:$0x1] =	stream.indirect.gather @!p1 [hbm4b:s0+s19], $0x80, s9, s19, $0xb8;
	[tilespmem:$0x12A40] =	vst v63  }
0x63: {  	s9 =	simm.s32 @!p1 $0x2  }
0x64: {  	_ =	swait.ge @!p1 [sflag:s9], $0x28  }
0x65: {  	[sflag:s9] =	ssyncset.done @!p1 $0x0  }
0x66: {  	[sflag:s9] =	ssyncadd.s32 @!p1 $0xFFFFFFD8  }
0x67: {  	_ =	swait.ge @!p1 [sflag:s9], $0x1400  }
0x68: {  	s8 =	simm.s32 @!p1 $0x1400;
	[sflag:s9] =	ssyncset.done @!p1 $0x0  }
0x69: {  	s6 =	simm.s32 @!p1 $0x6;
	[sflag:s9] =	ssyncadd.s32 @!p1 $0xFFFFEC00;
	s9 =	simm.s32 @!p1 $0x8C00  }
0x6a: {  	[spmem:s3] =	stream.indirect.scatter.add.f32 @!p1 [tilespmem:s8], [sflag:$0x6], $0x80, s9, s19, $0xb8;
	[tilespmem:$0x12A40] =	vst v63  }
0x6b: {  	_ =	swait.ge @!p1 [sflag:s6], $0x1400  }
0x6c: {  	[sflag:s6] =	ssyncset.done @!p1 $0x0  }
0x6d: {  	[sflag:s6] =	ssyncadd.s32 @!p1 $0xFFFFEC00  }
0x6e: {  	[tilespmem:s9], [sflag:$0x2] =	stream.linear.gather @!p1 [hbm4b:s17+s12], $0x28, $0x38;
	[tilespmem:$0x12A40] =	vst v63  }
0x6f: {  	s9 =	sadd.s32 @!p1 $0x64F0, s13  }
0x70: {  	[tilespmem:s8], [sflag:$0x2] =	stream.indirect.gather @!p1 [hbm4b:s0+s19], $0x80, s9, s19, $0xb8;
	[tilespmem:$0x12A40] =	vst v63  }
0x71: {  	_ =	swait.ge [sflag:s30], $0x28  }
0x72: {  	[sflag:s30] =	ssyncset.done $0x0  }
0x73: {  	[sflag:s30] =	ssyncadd.s32 $0xFFFFFFD8  }
0x74: {  	_ =	swait.ge [sflag:s30], $0x1400  }
0x75: {  	[sflag:s30] =	ssyncset.done $0x0  }
0x76: {  	[sflag:s30] =	ssyncadd.s32 $0xFFFFEC00  }
0x77: {  	[spmem:s3] =	stream.indirect.scatter.add.f32 [tilespmem:s29], [sflag:$0x6], $0x80, s26, s22, $0xb8;
	[tilespmem:$0x12A40] =	vst v63  }
0x78: {  	_ =	swait.ge [sflag:s20], $0x1400  }
0x79: {  	[sflag:s20] =	ssyncset.done $0x0  }
0x7a: {  	s8 =	simm.s32 @p1 $0x4;
	[sflag:s20] =	ssyncadd.s32 $0xFFFFEC00  }
0x7b: {  	_ =	swait.ge @p1 [sflag:s8], $0x28  }
0x7c: {  	[sflag:s8] =	ssyncset.done @p1 $0x0  }
0x7d: {  	[sflag:s8] =	ssyncadd.s32 @p1 $0xFFFFFFD8  }
0x7e: {  	_ =	swait.ge @p1 [sflag:s8], $0x1400  }
0x7f: {  	[sflag:s8] =	ssyncset.done @p1 $0x0  }
0x80: {  	s9 =	simm.s32 @p1 $0x3C00;
	[sflag:s8] =	ssyncadd.s32 @p1 $0xFFFFEC00;
	s8 =	simm.s32 @p1 $0x8D00  }
0x81: {  	[spmem:s3] =	stream.indirect.scatter.add.f32 @p1 [tilespmem:s9], [sflag:$0x6], $0x80, s8, s7, $0xb8;
	[tilespmem:$0x12A40] =	vst v63  }
0x82: {  	_ =	swait.ge @p1 [sflag:s11], $0x1400  }
0x83: {  	[sflag:s11] =	ssyncset.done @p1 $0x0  }
0x84: {  	s7 =	simm.s32 @!p1 $0x8C80;
	[sflag:s11] =	ssyncadd.s32 @p1 $0xFFFFEC00  }
0x85: {  	[tilespmem:s7], [sflag:$0x3] =	stream.linear.gather @!p1 [hbm4b:s16+s12], $0x28, $0x38;
	[tilespmem:$0x12A40] =	vst v63  }
0x86: {  	s8 =	simm.s32 @!p1 $0x2800;
	s7 =	sadd.s32 @!p1 $0x6518, s13  }
0x87: {  	[tilespmem:s8], [sflag:$0x3] =	stream.indirect.gather @!p1 [hbm4b:s0+s19], $0x80, s7, s19, $0xb8;
	[tilespmem:$0x12A40] =	vst v63  }
0x88: {  	s7 =	simm.s32 @!p1 $0x4  }
0x89: {  	_ =	swait.ge @!p1 [sflag:s7], $0x28  }
0x8a: {  	[sflag:s7] =	ssyncset.done @!p1 $0x0  }
0x8b: {  	[sflag:s7] =	ssyncadd.s32 @!p1 $0xFFFFFFD8  }
0x8c: {  	_ =	swait.ge @!p1 [sflag:s7], $0x1400  }
0x8d: {  	[sflag:s7] =	ssyncset.done @!p1 $0x0  }
0x8e: {  	s8 =	simm.s32 @!p1 $0x3C00;
	[sflag:s7] =	ssyncadd.s32 @!p1 $0xFFFFEC00;
	s7 =	simm.s32 @!p1 $0x8D00  }
0x8f: {  	[spmem:s3] =	stream.indirect.scatter.add.f32 @!p1 [tilespmem:s8], [sflag:$0x6], $0x80, s7, s19, $0xb8;
	[tilespmem:$0x12A40] =	vst v63  }
0x90: {  	_ =	swait.ge @!p1 [sflag:s6], $0x1400  }
0x91: {  	[sflag:s6] =	ssyncset.done @!p1 $0x0  }
0x92: {  	[sflag:s6] =	ssyncadd.s32 @!p1 $0xFFFFEC00  }
0x93: {  	[tilespmem:s7], [sflag:$0x4] =	stream.linear.gather @!p1 [hbm4b:s15+s12], $0x28, $0x38;
	[tilespmem:$0x12A40] =	vst v63  }
0x94: {  	s6 =	sadd.s32 @!p1 $0x6540, s13  }
0x95: {  	[tilespmem:s8], [sflag:$0x4] =	stream.indirect.gather @!p1 [hbm4b:s0+s19], $0x80, s6, s19, $0xb8;
	[tilespmem:$0x12A40] =	vst v63  }
0x96: {  	_ =	swait.ge [sflag:s31], $0x28  }
0x97: {  	[sflag:s31] =	ssyncset.done $0x0  }
0x98: {  	[sflag:s31] =	ssyncadd.s32 $0xFFFFFFD8  }
0x99: {  	_ =	swait.ge [sflag:s31], $0x1400  }
0x9a: {  	[sflag:s31] =	ssyncset.done $0x0  }
.Ltmp2:
0x9b: {  	[sflag:s31] =	ssyncadd.s32 $0xFFFFEC00;
	(pc) =	sbr.rel @p1 .LBB2_4-.Ltmp2, $4  }
0x9c: {  	[spmem:s3] =	stream.indirect.scatter.add.f32 [tilespmem:s25], [sflag:$0x6], $0x80, s23, s22, $0xb8;
	[tilespmem:$0x12A40] =	vst v63  }
0x9d: {  	_ =	swait.ge [sflag:s20], $0x1400  }
0x9e: {  	[sflag:s20] =	ssyncset.done $0x0  }
0x9f: {  	[sflag:s20] =	ssyncadd.s32 $0xFFFFEC00  }
0xa0: {  	[tilespmem:s23], [sflag:$0x5] =	stream.linear.gather [hbm4b:s14+s4], $0x28, $0x38;
	[tilespmem:$0x12A40] =	vst v63  }
.Ltmp3:
0xa1: {  	_ = 	snop;
	(pc) =	sbr.rel .LBB2_2-.Ltmp3, $4  }
0xa2: {  	s6 =	sshra.s32 s10, $0x2;
	s14 =	sadd.s32 $0x19, s14  }
0xa3: {  	s10 =	sadd.s32 $0x320, s10;
	s15 =	sadd.s32 $0x19, s15;
	s16 =	sadd.s32 $0x19, s16  }
0xa4: {  	s17 =	sadd.s32 $0x19, s17;
	s18 =	sadd.s32 $0xC8, s18;
	s6 =	sadd.s32 $0x6568, s6  }
0xa5: {  	[tilespmem:s25], [sflag:$0x5] =	stream.indirect.gather [hbm4b:s0+s22], $0x80, s6, s22, $0xb8;
	[tilespmem:$0x12A40] =	vst v63  }
.LBB2_5:
0xa6: {  	_ =	sfence.sel $0x180000  }
0xa7: {  	[bflag:$0x0] =	sbarrier.arrive $0xFFFF  }
0xa8: {  	_ =	strace $0x9000004A  }
0xa9: {  	[bflag:$0x2] =	sbarrier.arrive $0xFFFF  }
0xaa: {  	s0 =	rddreg [dreg:$0x5]  }
0xab: {  	s0 =	sadd.s32 @!p0 $0x100000, s0  }
0xac: {  	[sflag:s0] =	ssyncadd.tile.s32 @!p0 $0x1;
	_ =	shalt  }
.Lfunc_end2:
_tile_overlayer_lowered:
.L_overlay_start_2:
0xad: {  	(tag) =	ssettag $0x2  }
0xae: {  	s0 =	rddreg [dreg:$0x0];
	s2 =	stileid.u32  }
0xaf: {  	s1 =	rddreg [dreg:$0x1];
	p0 =	sne.s32 s2, $0x0  }
0xb0: {  	s3 =	rddreg [dreg:$0x2];
	[bflag:$0x3] =	sbarrier.arrive $0xFFFF;
	s2 =	simm.s32 @!p0 $0x1C06  }
0xb1: {  	[timem:s3], [sflag:s2] =	dma.local @!p0 [hbm:s0], s1  }
0xb2: {  	s0 =	simm.s32 @!p0 $0x6  }
0xb3: {  	_ =	swait.ge @!p0 [sflag:s0], s1  }
0xb4: {  	s1 =	ssub.s32 @!p0 $0x0, s1;
	[sflag:s0] =	ssyncset.done @!p0 $0x0  }
0xb5: {  	[sflag:s0] =	ssyncadd.s32 @!p0 s1  }
0xb6: {  	[bflag:$0x3] =	sbarrier.arrive $0xFFFF  }
0xb7: {  	_ =	shalt  }

</sc_bundles>
